<compile_context>
chip_gen: v7x
topology: tpu7x:2x2x1
jax: 0.10.2.dev20260603
libtpu: 0.0.44.dev20260713+nightly
codegen_flags: <defaults>
</compile_context>

<pallas_src>
import functools

import jax
import jax.numpy as jnp
from jax import lax
from jax.experimental import pallas as pl
from jax.experimental.pallas import tpu as pltpu
from jax.experimental.pallas import tpu_sc as plsc

VOCAB = 1000000
EMB_DIM = 32
UNITS = 64
BATCH = 16384

BN = 32768
NROW = BN // 128
NBLK = (VOCAB + BN - 1) // BN
FROWS = NBLK * NROW

NC = 2
NS = 16
NW = NC * NS
BPW = BATCH // NW
GV = BPW // 16

BM = 2048


def _mlp_all_body(eT_ref, w1_ref, b1c_ref, w2c_ref, b2_ref, o_ref):
    e = jnp.maximum(eT_ref[...], 0.0).astype(jnp.bfloat16)
    w1 = w1_ref[...].astype(jnp.bfloat16)
    hT = lax.dot_general(w1, e, (((0,), (0,)), ((), ())),
                         preferred_element_type=jnp.float32)
    hT = jnp.maximum(hT + b1c_ref[...], 0.0)
    f = jnp.sum(hT * w2c_ref[...], axis=0, keepdims=True)
    f = f + b2_ref[0, 0]
    col = lax.broadcasted_iota(jnp.int32, (1, BN), 1) + pl.program_id(0) * BN
    f = jnp.where(col < VOCAB, f, 0.0)
    for j in range(NROW):
        o_ref[pl.ds(j, 1), :] = f[:, j * 128:(j + 1) * 128]


def _tc_mlp_all(eT, W1, b1c, W2c, b2r):
    return pl.pallas_call(
        _mlp_all_body,
        grid=(NBLK,),
        in_specs=[
            pl.BlockSpec((EMB_DIM, BN), lambda i: (0, i)),
            pl.BlockSpec((EMB_DIM, UNITS), lambda i: (0, 0)),
            pl.BlockSpec((UNITS, 1), lambda i: (0, 0)),
            pl.BlockSpec((UNITS, 1), lambda i: (0, 0)),
            pl.BlockSpec((1, 1), lambda i: (0, 0)),
        ],
        out_specs=pl.BlockSpec((NROW, 128), lambda i: (i, 0)),
        out_shape=jax.ShapeDtypeStruct((FROWS, 128), jnp.float32),
    )(eT, W1, b1c, W2c, b2r)


@functools.partial(
    pl.kernel,
    out_type=jax.ShapeDtypeStruct((BATCH, 128), jnp.float32),
    mesh=plsc.VectorSubcoreMesh(core_axis_name="c", subcore_axis_name="s"),
    scratch_types=[
        pltpu.VMEM((BPW,), jnp.int32),
        pltpu.VMEM((BPW,), jnp.int32),
        pltpu.VMEM((BPW, 128), jnp.float32),
        pltpu.SemaphoreType.DMA,
    ],
)
def _sc_rowgather(x_hbm, f_hbm, out_hbm, x_v, hi_v, rows_v, sem):
    wid = lax.axis_index("s") * NC + lax.axis_index("c")
    base = wid * BPW
    pltpu.sync_copy(x_hbm.at[pl.ds(base, BPW)], x_v)
    for g in range(GV):
        hi_v[pl.ds(g * 16, 16)] = lax.shift_right_logical(
            x_v[pl.ds(g * 16, 16)], 7
        )
    copies = [
        pltpu.async_copy(
            f_hbm.at[hi_v.at[pl.ds(j * 128, 128)]],
            rows_v.at[pl.ds(j * 128, 128)],
            sem,
        )
        for j in range(BPW // 128)
    ]
    for c in copies:
        c.wait()
    pltpu.sync_copy(rows_v, out_hbm.at[pl.ds(base, BPW)])


def _select_body(x3_ref, rows_ref, o_ref):
    subl = lax.broadcasted_iota(jnp.int32, (128, 128), 0)
    ident = (subl == lax.broadcasted_iota(jnp.int32, (128, 128), 1))
    identf = ident.astype(jnp.float32)
    lo_all = lax.bitwise_and(x3_ref[...], 127)
    for r in range(BM // 128):
        lo = lo_all[r:r + 1, :]
        oh = (subl == lo).astype(jnp.float32)
        m = rows_ref[pl.ds(r * 128, 128), :]
        t = lax.dot_general(m, oh, (((1,), (0,)), ((), ())),
                            preferred_element_type=jnp.float32)
        o_ref[pl.ds(r, 1), :] = jnp.sum(t * identf, axis=0, keepdims=True)


def _tc_select(x3, rows):
    return pl.pallas_call(
        _select_body,
        grid=(BATCH // BM,),
        in_specs=[
            pl.BlockSpec((BM // 128, 128), lambda i: (i, 0)),
            pl.BlockSpec((BM, 128), lambda i: (i, 0)),
        ],
        out_specs=pl.BlockSpec((BM // 128, 128), lambda i: (i, 0)),
        out_shape=jax.ShapeDtypeStruct((BATCH // 128, 128), jnp.float32),
    )(x3, rows)


def kernel(x, emb, W1, b1, W2, b2):
    f2d = _tc_mlp_all(
        emb.T,
        W1,
        b1.reshape(UNITS, 1),
        W2,
        b2.reshape(1, 1),
    )
    xi = x.astype(jnp.int32)
    rows = _sc_rowgather(xi, f2d)
    out128 = _tc_select(xi.reshape(BATCH // 128, 128), rows)
    return out128.reshape(BATCH, 1)

# --- scband reference (transcript-rebuilt; emitter-appended) ---
"""Pipeline reference for scband-embedding-network-8830452760887 (READ-ONLY COPY).

The authoritative reference and input builder live on the scoring server;
editing this copy changes nothing except your own understanding.
"""

import jax, jax.numpy as jnp
import numpy as np

VOCAB = 1000000
EMB_DIM = 32
UNITS = 64
BATCH = 16384

def setup_inputs(seed: int = 0) -> dict:
    key = jax.random.key(seed)
    k_idx, k_emb, k_w1, k_b1, k_w2, k_b2 = jax.random.split(key, 6)
    x = jax.random.randint(k_idx, (BATCH,), 0, VOCAB, dtype=jnp.int64 if jax.config.jax_enable_x64 else jnp.int32)
    emb = jax.random.normal(k_emb, (VOCAB, EMB_DIM), dtype=jnp.float32)
    # linear: emb_dim -> units
    W1 = jax.random.normal(k_w1, (EMB_DIM, UNITS), dtype=jnp.float32) * (1.0 / np.sqrt(EMB_DIM))
    b1 = jax.random.normal(k_b1, (UNITS,), dtype=jnp.float32) * 0.01
    # out: units -> 1
    W2 = jax.random.normal(k_w2, (UNITS, 1), dtype=jnp.float32) * (1.0 / np.sqrt(UNITS))
    b2 = jax.random.normal(k_b2, (1,), dtype=jnp.float32) * 0.01
    return {"x": x, "emb": emb, "W1": W1, "b1": b1, "W2": W2, "b2": b2}

def reference(x, emb, W1, b1, W2, b2):
    h = jax.nn.relu(jnp.take(emb, x, axis=0))      # embedding lookup + relu
    h = jax.nn.relu(h @ W1 + b1)                   # linear + relu
    out = h @ W2 + b2                              # output head
    return out

if __name__ == "__main__":
    import jax
    _d = setup_inputs()
    print(jax.jit(kernel)(*tuple(_d.values())))

</pallas_src>

<mosaic_0001>
#map = affine_map<(d0, d1) -> (0)>
#map1 = affine_map<(d0, d1) -> (0, 0)>
module attributes {stable_mosaic.version = 14 : i64} {
  func.func @_sc_rowgather(%arg0: i32, %arg1: i32, %arg2: memref<16384xi32, #tpu.memory_space<hbm>>, %arg3: memref<7936x128xf32, #tpu.memory_space<hbm>>, %arg4: memref<16384x128xf32, #tpu.memory_space<hbm>>, %arg5: memref<512xi32, #tpu.memory_space<vmem>>, %arg6: memref<512xi32, #tpu.memory_space<vmem>>, %arg7: memref<512x128xf32, #tpu.memory_space<vmem>>, %arg8: memref<!tpu.dma_semaphore, #tpu.memory_space<semaphore_mem>>) attributes {dimension_semantics = [#tpu.dimension_semantics<core_parallel>, #tpu.dimension_semantics<subcore_parallel>], iteration_bounds = array<i64: 2, 16>, scalar_prefetch = 0 : i64, scratch_operands = 4 : i64, tpu.core_type = #tpu.core_type<sc_vector_subcore>, window_params = [{transform_indices = #map}, {transform_indices = #map1}, {transform_indices = #map1}]} {
    %mul3A = arith.constant 2 : i32
    %mul3A_0 = arith.muli %arg1, %mul3A : i32
    %add3A = arith.addi %mul3A_0, %arg0 : i32
    %mul3A_1 = arith.constant 512 : i32
    %mul3A_2 = arith.muli %add3A, %mul3A_1 : i32
    "tpu.region"() ({
      %run_scoped3A = tpu.sem_alloc : memref<!tpu.dma_semaphore, #tpu.memory_space<semaphore_mem>>
      %dma_start3A_382 = tpu.memref_slice %arg2[%mul3A_2] : memref<16384xi32, #tpu.memory_space<hbm>> -> memref<512xi32, #tpu.memory_space<hbm>>
      %dma_start3A_383 = tpu.memref_slice %arg2[%mul3A_2] : memref<16384xi32, #tpu.memory_space<hbm>> -> memref<512xi32, #tpu.memory_space<hbm>>
      tpu.enqueue_dma source(%dma_start3A_383 : memref<512xi32, #tpu.memory_space<hbm>>) target(%arg5 : memref<512xi32, #tpu.memory_space<vmem>>) target_semaphore(%run_scoped3A : memref<!tpu.dma_semaphore, #tpu.memory_space<semaphore_mem>>)
      %dma_wait3A_384 = tpu.memref_slice %arg2[%mul3A_2] : memref<16384xi32, #tpu.memory_space<hbm>> -> memref<512xi32, #tpu.memory_space<hbm>>
      %dma_wait3A_385 = tpu.memref_slice %arg2[%mul3A_2] : memref<16384xi32, #tpu.memory_space<hbm>> -> memref<512xi32, #tpu.memory_space<hbm>>
      tpu.wait_dma2 semaphore(%run_scoped3A : memref<!tpu.dma_semaphore, #tpu.memory_space<semaphore_mem>>) src(%dma_wait3A_385 : memref<512xi32, #tpu.memory_space<hbm>>) dst(%arg5 : memref<512xi32, #tpu.memory_space<vmem>>)
      tpu.yield
    }) : () -> ()
    %get3A = arith.constant 0 : index
    %get3A_3 = tpu.vector_load %arg5[%get3A] {strides = array<i32>} : memref<512xi32, #tpu.memory_space<vmem>>, vector<16xi32>,
    %get3A_4 = vector.shape_cast %get3A_3 : vector<16xi32> to vector<16xi32>
    %shift_right_logical3A = arith.constant 7 : i32
    %shift_right_logical3A_5 = vector.broadcast %shift_right_logical3A : i32 to vector<16xi32>
    %shift_right_logical3A_6 = arith.shrui %get3A_4, %shift_right_logical3A_5 : vector<16xi32>
    %swap3A = arith.constant 0 : index
    %swap3A_7 = tpu.vector_load %arg6[%swap3A] {strides = array<i32>} : memref<512xi32, #tpu.memory_space<vmem>>, vector<16xi32>,
    %swap3A_8 = vector.shape_cast %swap3A_7 : vector<16xi32> to vector<16xi32>
    %swap3A_9 = vector.shape_cast %shift_right_logical3A_6 : vector<16xi32> to vector<16xi32>
    tpu.vector_store %arg6[%swap3A], %swap3A_9 {strides = array<i32>} : memref<512xi32, #tpu.memory_space<vmem>>, vector<16xi32>,
    %get3A_10 = arith.constant 16 : index
    %get3A_11 = tpu.vector_load %arg5[%get3A_10] {strides = array<i32>} : memref<512xi32, #tpu.memory_space<vmem>>, vector<16xi32>,
    %get3A_12 = vector.shape_cast %get3A_11 : vector<16xi32> to vector<16xi32>
    %shift_right_logical3A_13 = arith.constant 7 : i32
    %shift_right_logical3A_14 = vector.broadcast %shift_right_logical3A_13 : i32 to vector<16xi32>
    %shift_right_logical3A_15 = arith.shrui %get3A_12, %shift_right_logical3A_14 : vector<16xi32>
    %swap3A_16 = arith.constant 16 : index
    %swap3A_17 = tpu.vector_load %arg6[%swap3A_16] {strides = array<i32>} : memref<512xi32, #tpu.memory_space<vmem>>, vector<16xi32>,
    %swap3A_18 = vector.shape_cast %swap3A_17 : vector<16xi32> to vector<16xi32>
    %swap3A_19 = vector.shape_cast %shift_right_logical3A_15 : vector<16xi32> to vector<16xi32>
    tpu.vector_store %arg6[%swap3A_16], %swap3A_19 {strides = array<i32>} : memref<512xi32, #tpu.memory_space<vmem>>, vector<16xi32>,
    %get3A_20 = arith.constant 32 : index
    %get3A_21 = tpu.vector_load %arg5[%get3A_20] {strides = array<i32>} : memref<512xi32, #tpu.memory_space<vmem>>, vector<16xi32>,
    %get3A_22 = vector.shape_cast %get3A_21 : vector<16xi32> to vector<16xi32>
    %shift_right_logical3A_23 = arith.constant 7 : i32
    %shift_right_logical3A_24 = vector.broadcast %shift_right_logical3A_23 : i32 to vector<16xi32>
    %shift_right_logical3A_25 = arith.shrui %get3A_22, %shift_right_logical3A_24 : vector<16xi32>
    %swap3A_26 = arith.constant 32 : index
    %swap3A_27 = tpu.vector_load %arg6[%swap3A_26] {strides = array<i32>} : memref<512xi32, #tpu.memory_space<vmem>>, vector<16xi32>,
    %swap3A_28 = vector.shape_cast %swap3A_27 : vector<16xi32> to vector<16xi32>
    %swap3A_29 = vector.shape_cast %shift_right_logical3A_25 : vector<16xi32> to vector<16xi32>
    tpu.vector_store %arg6[%swap3A_26], %swap3A_29 {strides = array<i32>} : memref<512xi32, #tpu.memory_space<vmem>>, vector<16xi32>,
    %get3A_30 = arith.constant 48 : index
    %get3A_31 = tpu.vector_load %arg5[%get3A_30] {strides = array<i32>} : memref<512xi32, #tpu.memory_space<vmem>>, vector<16xi32>,
    %get3A_32 = vector.shape_cast %get3A_31 : vector<16xi32> to vector<16xi32>
    %shift_right_logical3A_33 = arith.constant 7 : i32
    %shift_right_logical3A_34 = vector.broadcast %shift_right_logical3A_33 : i32 to vector<16xi32>
    %shift_right_logical3A_35 = arith.shrui %get3A_32, %shift_right_logical3A_34 : vector<16xi32>
    %swap3A_36 = arith.constant 48 : index
    %swap3A_37 = tpu.vector_load %arg6[%swap3A_36] {strides = array<i32>} : memref<512xi32, #tpu.memory_space<vmem>>, vector<16xi32>,
    %swap3A_38 = vector.shape_cast %swap3A_37 : vector<16xi32> to vector<16xi32>
    %swap3A_39 = vector.shape_cast %shift_right_logical3A_35 : vector<16xi32> to vector<16xi32>
    tpu.vector_store %arg6[%swap3A_36], %swap3A_39 {strides = array<i32>} : memref<512xi32, #tpu.memory_space<vmem>>, vector<16xi32>,
    %get3A_40 = arith.constant 64 : index
    %get3A_41 = tpu.vector_load %arg5[%get3A_40] {strides = array<i32>} : memref<512xi32, #tpu.memory_space<vmem>>, vector<16xi32>,
    %get3A_42 = vector.shape_cast %get3A_41 : vector<16xi32> to vector<16xi32>
    %shift_right_logical3A_43 = arith.constant 7 : i32
    %shift_right_logical3A_44 = vector.broadcast %shift_right_logical3A_43 : i32 to vector<16xi32>
    %shift_right_logical3A_45 = arith.shrui %get3A_42, %shift_right_logical3A_44 : vector<16xi32>
    %swap3A_46 = arith.constant 64 : index
    %swap3A_47 = tpu.vector_load %arg6[%swap3A_46] {strides = array<i32>} : memref<512xi32, #tpu.memory_space<vmem>>, vector<16xi32>,
    %swap3A_48 = vector.shape_cast %swap3A_47 : vector<16xi32> to vector<16xi32>
    %swap3A_49 = vector.shape_cast %shift_right_logical3A_45 : vector<16xi32> to vector<16xi32>
    tpu.vector_store %arg6[%swap3A_46], %swap3A_49 {strides = array<i32>} : memref<512xi32, #tpu.memory_space<vmem>>, vector<16xi32>,
    %get3A_50 = arith.constant 80 : index
    %get3A_51 = tpu.vector_load %arg5[%get3A_50] {strides = array<i32>} : memref<512xi32, #tpu.memory_space<vmem>>, vector<16xi32>,
    %get3A_52 = vector.shape_cast %get3A_51 : vector<16xi32> to vector<16xi32>
    %shift_right_logical3A_53 = arith.constant 7 : i32
    %shift_right_logical3A_54 = vector.broadcast %shift_right_logical3A_53 : i32 to vector<16xi32>
    %shift_right_logical3A_55 = arith.shrui %get3A_52, %shift_right_logical3A_54 : vector<16xi32>
    %swap3A_56 = arith.constant 80 : index
    %swap3A_57 = tpu.vector_load %arg6[%swap3A_56] {strides = array<i32>} : memref<512xi32, #tpu.memory_space<vmem>>, vector<16xi32>,
    %swap3A_58 = vector.shape_cast %swap3A_57 : vector<16xi32> to vector<16xi32>
    %swap3A_59 = vector.shape_cast %shift_right_logical3A_55 : vector<16xi32> to vector<16xi32>
    tpu.vector_store %arg6[%swap3A_56], %swap3A_59 {strides = array<i32>} : memref<512xi32, #tpu.memory_space<vmem>>, vector<16xi32>,
    %get3A_60 = arith.constant 96 : index
    %get3A_61 = tpu.vector_load %arg5[%get3A_60] {strides = array<i32>} : memref<512xi32, #tpu.memory_space<vmem>>, vector<16xi32>,
    %get3A_62 = vector.shape_cast %get3A_61 : vector<16xi32> to vector<16xi32>
    %shift_right_logical3A_63 = arith.constant 7 : i32
    %shift_right_logical3A_64 = vector.broadcast %shift_right_logical3A_63 : i32 to vector<16xi32>
    %shift_right_logical3A_65 = arith.shrui %get3A_62, %shift_right_logical3A_64 : vector<16xi32>
    %swap3A_66 = arith.constant 96 : index
    %swap3A_67 = tpu.vector_load %arg6[%swap3A_66] {strides = array<i32>} : memref<512xi32, #tpu.memory_space<vmem>>, vector<16xi32>,
    %swap3A_68 = vector.shape_cast %swap3A_67 : vector<16xi32> to vector<16xi32>
    %swap3A_69 = vector.shape_cast %shift_right_logical3A_65 : vector<16xi32> to vector<16xi32>
    tpu.vector_store %arg6[%swap3A_66], %swap3A_69 {strides = array<i32>} : memref<512xi32, #tpu.memory_space<vmem>>, vector<16xi32>,
    %get3A_70 = arith.constant 112 : index
    %get3A_71 = tpu.vector_load %arg5[%get3A_70] {strides = array<i32>} : memref<512xi32, #tpu.memory_space<vmem>>, vector<16xi32>,
    %get3A_72 = vector.shape_cast %get3A_71 : vector<16xi32> to vector<16xi32>
    %shift_right_logical3A_73 = arith.constant 7 : i32
    %shift_right_logical3A_74 = vector.broadcast %shift_right_logical3A_73 : i32 to vector<16xi32>
    %shift_right_logical3A_75 = arith.shrui %get3A_72, %shift_right_logical3A_74 : vector<16xi32>
    %swap3A_76 = arith.constant 112 : index
    %swap3A_77 = tpu.vector_load %arg6[%swap3A_76] {strides = array<i32>} : memref<512xi32, #tpu.memory_space<vmem>>, vector<16xi32>,
    %swap3A_78 = vector.shape_cast %swap3A_77 : vector<16xi32> to vector<16xi32>
    %swap3A_79 = vector.shape_cast %shift_right_logical3A_75 : vector<16xi32> to vector<16xi32>
    tpu.vector_store %arg6[%swap3A_76], %swap3A_79 {strides = array<i32>} : memref<512xi32, #tpu.memory_space<vmem>>, vector<16xi32>,
    %get3A_80 = arith.constant 128 : index
    %get3A_81 = tpu.vector_load %arg5[%get3A_80] {strides = array<i32>} : memref<512xi32, #tpu.memory_space<vmem>>, vector<16xi32>,
    %get3A_82 = vector.shape_cast %get3A_81 : vector<16xi32> to vector<16xi32>
    %shift_right_logical3A_83 = arith.constant 7 : i32
    %shift_right_logical3A_84 = vector.broadcast %shift_right_logical3A_83 : i32 to vector<16xi32>
    %shift_right_logical3A_85 = arith.shrui %get3A_82, %shift_right_logical3A_84 : vector<16xi32>
    %swap3A_86 = arith.constant 128 : index
    %swap3A_87 = tpu.vector_load %arg6[%swap3A_86] {strides = array<i32>} : memref<512xi32, #tpu.memory_space<vmem>>, vector<16xi32>,
    %swap3A_88 = vector.shape_cast %swap3A_87 : vector<16xi32> to vector<16xi32>
    %swap3A_89 = vector.shape_cast %shift_right_logical3A_85 : vector<16xi32> to vector<16xi32>
    tpu.vector_store %arg6[%swap3A_86], %swap3A_89 {strides = array<i32>} : memref<512xi32, #tpu.memory_space<vmem>>, vector<16xi32>,
    %get3A_90 = arith.constant 144 : index
    %get3A_91 = tpu.vector_load %arg5[%get3A_90] {strides = array<i32>} : memref<512xi32, #tpu.memory_space<vmem>>, vector<16xi32>,
    %get3A_92 = vector.shape_cast %get3A_91 : vector<16xi32> to vector<16xi32>
    %shift_right_logical3A_93 = arith.constant 7 : i32
    %shift_right_logical3A_94 = vector.broadcast %shift_right_logical3A_93 : i32 to vector<16xi32>
    %shift_right_logical3A_95 = arith.shrui %get3A_92, %shift_right_logical3A_94 : vector<16xi32>
    %swap3A_96 = arith.constant 144 : index
    %swap3A_97 = tpu.vector_load %arg6[%swap3A_96] {strides = array<i32>} : memref<512xi32, #tpu.memory_space<vmem>>, vector<16xi32>,
    %swap3A_98 = vector.shape_cast %swap3A_97 : vector<16xi32> to vector<16xi32>
    %swap3A_99 = vector.shape_cast %shift_right_logical3A_95 : vector<16xi32> to vector<16xi32>
    tpu.vector_store %arg6[%swap3A_96], %swap3A_99 {strides = array<i32>} : memref<512xi32, #tpu.memory_space<vmem>>, vector<16xi32>,
    %get3A_100 = arith.constant 160 : index
    %get3A_101 = tpu.vector_load %arg5[%get3A_100] {strides = array<i32>} : memref<512xi32, #tpu.memory_space<vmem>>, vector<16xi32>,
    %get3A_102 = vector.shape_cast %get3A_101 : vector<16xi32> to vector<16xi32>
    %shift_right_logical3A_103 = arith.constant 7 : i32
    %shift_right_logical3A_104 = vector.broadcast %shift_right_logical3A_103 : i32 to vector<16xi32>
    %shift_right_logical3A_105 = arith.shrui %get3A_102, %shift_right_logical3A_104 : vector<16xi32>
    %swap3A_106 = arith.constant 160 : index
    %swap3A_107 = tpu.vector_load %arg6[%swap3A_106] {strides = array<i32>} : memref<512xi32, #tpu.memory_space<vmem>>, vector<16xi32>,
    %swap3A_108 = vector.shape_cast %swap3A_107 : vector<16xi32> to vector<16xi32>
    %swap3A_109 = vector.shape_cast %shift_right_logical3A_105 : vector<16xi32> to vector<16xi32>
    tpu.vector_store %arg6[%swap3A_106], %swap3A_109 {strides = array<i32>} : memref<512xi32, #tpu.memory_space<vmem>>, vector<16xi32>,
    %get3A_110 = arith.constant 176 : index
    %get3A_111 = tpu.vector_load %arg5[%get3A_110] {strides = array<i32>} : memref<512xi32, #tpu.memory_space<vmem>>, vector<16xi32>,
    %get3A_112 = vector.shape_cast %get3A_111 : vector<16xi32> to vector<16xi32>
    %shift_right_logical3A_113 = arith.constant 7 : i32
    %shift_right_logical3A_114 = vector.broadcast %shift_right_logical3A_113 : i32 to vector<16xi32>
    %shift_right_logical3A_115 = arith.shrui %get3A_112, %shift_right_logical3A_114 : vector<16xi32>
    %swap3A_116 = arith.constant 176 : index
    %swap3A_117 = tpu.vector_load %arg6[%swap3A_116] {strides = array<i32>} : memref<512xi32, #tpu.memory_space<vmem>>, vector<16xi32>,
    %swap3A_118 = vector.shape_cast %swap3A_117 : vector<16xi32> to vector<16xi32>
    %swap3A_119 = vector.shape_cast %shift_right_logical3A_115 : vector<16xi32> to vector<16xi32>
    tpu.vector_store %arg6[%swap3A_116], %swap3A_119 {strides = array<i32>} : memref<512xi32, #tpu.memory_space<vmem>>, vector<16xi32>,
    %get3A_120 = arith.constant 192 : index
    %get3A_121 = tpu.vector_load %arg5[%get3A_120] {strides = array<i32>} : memref<512xi32, #tpu.memory_space<vmem>>, vector<16xi32>,
    %get3A_122 = vector.shape_cast %get3A_121 : vector<16xi32> to vector<16xi32>
    %shift_right_logical3A_123 = arith.constant 7 : i32
    %shift_right_logical3A_124 = vector.broadcast %shift_right_logical3A_123 : i32 to vector<16xi32>
    %shift_right_logical3A_125 = arith.shrui %get3A_122, %shift_right_logical3A_124 : vector<16xi32>
    %swap3A_126 = arith.constant 192 : index
    %swap3A_127 = tpu.vector_load %arg6[%swap3A_126] {strides = array<i32>} : memref<512xi32, #tpu.memory_space<vmem>>, vector<16xi32>,
    %swap3A_128 = vector.shape_cast %swap3A_127 : vector<16xi32> to vector<16xi32>
    %swap3A_129 = vector.shape_cast %shift_right_logical3A_125 : vector<16xi32> to vector<16xi32>
    tpu.vector_store %arg6[%swap3A_126], %swap3A_129 {strides = array<i32>} : memref<512xi32, #tpu.memory_space<vmem>>, vector<16xi32>,
    %get3A_130 = arith.constant 208 : index
    %get3A_131 = tpu.vector_load %arg5[%get3A_130] {strides = array<i32>} : memref<512xi32, #tpu.memory_space<vmem>>, vector<16xi32>,
    %get3A_132 = vector.shape_cast %get3A_131 : vector<16xi32> to vector<16xi32>
    %shift_right_logical3A_133 = arith.constant 7 : i32
    %shift_right_logical3A_134 = vector.broadcast %shift_right_logical3A_133 : i32 to vector<16xi32>
    %shift_right_logical3A_135 = arith.shrui %get3A_132, %shift_right_logical3A_134 : vector<16xi32>
    %swap3A_136 = arith.constant 208 : index
    %swap3A_137 = tpu.vector_load %arg6[%swap3A_136] {strides = array<i32>} : memref<512xi32, #tpu.memory_space<vmem>>, vector<16xi32>,
    %swap3A_138 = vector.shape_cast %swap3A_137 : vector<16xi32> to vector<16xi32>
    %swap3A_139 = vector.shape_cast %shift_right_logical3A_135 : vector<16xi32> to vector<16xi32>
    tpu.vector_store %arg6[%swap3A_136], %swap3A_139 {strides = array<i32>} : memref<512xi32, #tpu.memory_space<vmem>>, vector<16xi32>,
    %get3A_140 = arith.constant 224 : index
    %get3A_141 = tpu.vector_load %arg5[%get3A_140] {strides = array<i32>} : memref<512xi32, #tpu.memory_space<vmem>>, vector<16xi32>,
    %get3A_142 = vector.shape_cast %get3A_141 : vector<16xi32> to vector<16xi32>
    %shift_right_logical3A_143 = arith.constant 7 : i32
    %shift_right_logical3A_144 = vector.broadcast %shift_right_logical3A_143 : i32 to vector<16xi32>
    %shift_right_logical3A_145 = arith.shrui %get3A_142, %shift_right_logical3A_144 : vector<16xi32>
    %swap3A_146 = arith.constant 224 : index
    %swap3A_147 = tpu.vector_load %arg6[%swap3A_146] {strides = array<i32>} : memref<512xi32, #tpu.memory_space<vmem>>, vector<16xi32>,
    %swap3A_148 = vector.shape_cast %swap3A_147 : vector<16xi32> to vector<16xi32>
    %swap3A_149 = vector.shape_cast %shift_right_logical3A_145 : vector<16xi32> to vector<16xi32>
    tpu.vector_store %arg6[%swap3A_146], %swap3A_149 {strides = array<i32>} : memref<512xi32, #tpu.memory_space<vmem>>, vector<16xi32>,
    %get3A_150 = arith.constant 240 : index
    %get3A_151 = tpu.vector_load %arg5[%get3A_150] {strides = array<i32>} : memref<512xi32, #tpu.memory_space<vmem>>, vector<16xi32>,
    %get3A_152 = vector.shape_cast %get3A_151 : vector<16xi32> to vector<16xi32>
    %shift_right_logical3A_153 = arith.constant 7 : i32
    %shift_right_logical3A_154 = vector.broadcast %shift_right_logical3A_153 : i32 to vector<16xi32>
    %shift_right_logical3A_155 = arith.shrui %get3A_152, %shift_right_logical3A_154 : vector<16xi32>
    %swap3A_156 = arith.constant 240 : index
    %swap3A_157 = tpu.vector_load %arg6[%swap3A_156] {strides = array<i32>} : memref<512xi32, #tpu.memory_space<vmem>>, vector<16xi32>,
    %swap3A_158 = vector.shape_cast %swap3A_157 : vector<16xi32> to vector<16xi32>
    %swap3A_159 = vector.shape_cast %shift_right_logical3A_155 : vector<16xi32> to vector<16xi32>
    tpu.vector_store %arg6[%swap3A_156], %swap3A_159 {strides = array<i32>} : memref<512xi32, #tpu.memory_space<vmem>>, vector<16xi32>,
    %get3A_160 = arith.constant 256 : index
    %get3A_161 = tpu.vector_load %arg5[%get3A_160] {strides = array<i32>} : memref<512xi32, #tpu.memory_space<vmem>>, vector<16xi32>,
    %get3A_162 = vector.shape_cast %get3A_161 : vector<16xi32> to vector<16xi32>
    %shift_right_logical3A_163 = arith.constant 7 : i32
    %shift_right_logical3A_164 = vector.broadcast %shift_right_logical3A_163 : i32 to vector<16xi32>
    %shift_right_logical3A_165 = arith.shrui %get3A_162, %shift_right_logical3A_164 : vector<16xi32>
    %swap3A_166 = arith.constant 256 : index
    %swap3A_167 = tpu.vector_load %arg6[%swap3A_166] {strides = array<i32>} : memref<512xi32, #tpu.memory_space<vmem>>, vector<16xi32>,
    %swap3A_168 = vector.shape_cast %swap3A_167 : vector<16xi32> to vector<16xi32>
    %swap3A_169 = vector.shape_cast %shift_right_logical3A_165 : vector<16xi32> to vector<16xi32>
    tpu.vector_store %arg6[%swap3A_166], %swap3A_169 {strides = array<i32>} : memref<512xi32, #tpu.memory_space<vmem>>, vector<16xi32>,
    %get3A_170 = arith.constant 272 : index
    %get3A_171 = tpu.vector_load %arg5[%get3A_170] {strides = array<i32>} : memref<512xi32, #tpu.memory_space<vmem>>, vector<16xi32>,
    %get3A_172 = vector.shape_cast %get3A_171 : vector<16xi32> to vector<16xi32>
    %shift_right_logical3A_173 = arith.constant 7 : i32
    %shift_right_logical3A_174 = vector.broadcast %shift_right_logical3A_173 : i32 to vector<16xi32>
    %shift_right_logical3A_175 = arith.shrui %get3A_172, %shift_right_logical3A_174 : vector<16xi32>
    %swap3A_176 = arith.constant 272 : index
    %swap3A_177 = tpu.vector_load %arg6[%swap3A_176] {strides = array<i32>} : memref<512xi32, #tpu.memory_space<vmem>>, vector<16xi32>,
    %swap3A_178 = vector.shape_cast %swap3A_177 : vector<16xi32> to vector<16xi32>
    %swap3A_179 = vector.shape_cast %shift_right_logical3A_175 : vector<16xi32> to vector<16xi32>
    tpu.vector_store %arg6[%swap3A_176], %swap3A_179 {strides = array<i32>} : memref<512xi32, #tpu.memory_space<vmem>>, vector<16xi32>,
    %get3A_180 = arith.constant 288 : index
    %get3A_181 = tpu.vector_load %arg5[%get3A_180] {strides = array<i32>} : memref<512xi32, #tpu.memory_space<vmem>>, vector<16xi32>,
    %get3A_182 = vector.shape_cast %get3A_181 : vector<16xi32> to vector<16xi32>
    %shift_right_logical3A_183 = arith.constant 7 : i32
    %shift_right_logical3A_184 = vector.broadcast %shift_right_logical3A_183 : i32 to vector<16xi32>
    %shift_right_logical3A_185 = arith.shrui %get3A_182, %shift_right_logical3A_184 : vector<16xi32>
    %swap3A_186 = arith.constant 288 : index
    %swap3A_187 = tpu.vector_load %arg6[%swap3A_186] {strides = array<i32>} : memref<512xi32, #tpu.memory_space<vmem>>, vector<16xi32>,
    %swap3A_188 = vector.shape_cast %swap3A_187 : vector<16xi32> to vector<16xi32>
    %swap3A_189 = vector.shape_cast %shift_right_logical3A_185 : vector<16xi32> to vector<16xi32>
    tpu.vector_store %arg6[%swap3A_186], %swap3A_189 {strides = array<i32>} : memref<512xi32, #tpu.memory_space<vmem>>, vector<16xi32>,
    %get3A_190 = arith.constant 304 : index
    %get3A_191 = tpu.vector_load %arg5[%get3A_190] {strides = array<i32>} : memref<512xi32, #tpu.memory_space<vmem>>, vector<16xi32>,
    %get3A_192 = vector.shape_cast %get3A_191 : vector<16xi32> to vector<16xi32>
    %shift_right_logical3A_193 = arith.constant 7 : i32
    %shift_right_logical3A_194 = vector.broadcast %shift_right_logical3A_193 : i32 to vector<16xi32>
    %shift_right_logical3A_195 = arith.shrui %get3A_192, %shift_right_logical3A_194 : vector<16xi32>
    %swap3A_196 = arith.constant 304 : index
    %swap3A_197 = tpu.vector_load %arg6[%swap3A_196] {strides = array<i32>} : memref<512xi32, #tpu.memory_space<vmem>>, vector<16xi32>,
    %swap3A_198 = vector.shape_cast %swap3A_197 : vector<16xi32> to vector<16xi32>
    %swap3A_199 = vector.shape_cast %shift_right_logical3A_195 : vector<16xi32> to vector<16xi32>
    tpu.vector_store %arg6[%swap3A_196], %swap3A_199 {strides = array<i32>} : memref<512xi32, #tpu.memory_space<vmem>>, vector<16xi32>,
    %get3A_200 = arith.constant 320 : index
    %get3A_201 = tpu.vector_load %arg5[%get3A_200] {strides = array<i32>} : memref<512xi32, #tpu.memory_space<vmem>>, vector<16xi32>,
    %get3A_202 = vector.shape_cast %get3A_201 : vector<16xi32> to vector<16xi32>
    %shift_right_logical3A_203 = arith.constant 7 : i32
    %shift_right_logical3A_204 = vector.broadcast %shift_right_logical3A_203 : i32 to vector<16xi32>
    %shift_right_logical3A_205 = arith.shrui %get3A_202, %shift_right_logical3A_204 : vector<16xi32>
    %swap3A_206 = arith.constant 320 : index
    %swap3A_207 = tpu.vector_load %arg6[%swap3A_206] {strides = array<i32>} : memref<512xi32, #tpu.memory_space<vmem>>, vector<16xi32>,
    %swap3A_208 = vector.shape_cast %swap3A_207 : vector<16xi32> to vector<16xi32>
    %swap3A_209 = vector.shape_cast %shift_right_logical3A_205 : vector<16xi32> to vector<16xi32>
    tpu.vector_store %arg6[%swap3A_206], %swap3A_209 {strides = array<i32>} : memref<512xi32, #tpu.memory_space<vmem>>, vector<16xi32>,
    %get3A_210 = arith.constant 336 : index
    %get3A_211 = tpu.vector_load %arg5[%get3A_210] {strides = array<i32>} : memref<512xi32, #tpu.memory_space<vmem>>, vector<16xi32>,
    %get3A_212 = vector.shape_cast %get3A_211 : vector<16xi32> to vector<16xi32>
    %shift_right_logical3A_213 = arith.constant 7 : i32
    %shift_right_logical3A_214 = vector.broadcast %shift_right_logical3A_213 : i32 to vector<16xi32>
    %shift_right_logical3A_215 = arith.shrui %get3A_212, %shift_right_logical3A_214 : vector<16xi32>
    %swap3A_216 = arith.constant 336 : index
    %swap3A_217 = tpu.vector_load %arg6[%swap3A_216] {strides = array<i32>} : memref<512xi32, #tpu.memory_space<vmem>>, vector<16xi32>,
    %swap3A_218 = vector.shape_cast %swap3A_217 : vector<16xi32> to vector<16xi32>
    %swap3A_219 = vector.shape_cast %shift_right_logical3A_215 : vector<16xi32> to vector<16xi32>
    tpu.vector_store %arg6[%swap3A_216], %swap3A_219 {strides = array<i32>} : memref<512xi32, #tpu.memory_space<vmem>>, vector<16xi32>,
    %get3A_220 = arith.constant 352 : index
    %get3A_221 = tpu.vector_load %arg5[%get3A_220] {strides = array<i32>} : memref<512xi32, #tpu.memory_space<vmem>>, vector<16xi32>,
    %get3A_222 = vector.shape_cast %get3A_221 : vector<16xi32> to vector<16xi32>
    %shift_right_logical3A_223 = arith.constant 7 : i32
    %shift_right_logical3A_224 = vector.broadcast %shift_right_logical3A_223 : i32 to vector<16xi32>
    %shift_right_logical3A_225 = arith.shrui %get3A_222, %shift_right_logical3A_224 : vector<16xi32>
    %swap3A_226 = arith.constant 352 : index
    %swap3A_227 = tpu.vector_load %arg6[%swap3A_226] {strides = array<i32>} : memref<512xi32, #tpu.memory_space<vmem>>, vector<16xi32>,
    %swap3A_228 = vector.shape_cast %swap3A_227 : vector<16xi32> to vector<16xi32>
    %swap3A_229 = vector.shape_cast %shift_right_logical3A_225 : vector<16xi32> to vector<16xi32>
    tpu.vector_store %arg6[%swap3A_226], %swap3A_229 {strides = array<i32>} : memref<512xi32, #tpu.memory_space<vmem>>, vector<16xi32>,
    %get3A_230 = arith.constant 368 : index
    %get3A_231 = tpu.vector_load %arg5[%get3A_230] {strides = array<i32>} : memref<512xi32, #tpu.memory_space<vmem>>, vector<16xi32>,
    %get3A_232 = vector.shape_cast %get3A_231 : vector<16xi32> to vector<16xi32>
    %shift_right_logical3A_233 = arith.constant 7 : i32
    %shift_right_logical3A_234 = vector.broadcast %shift_right_logical3A_233 : i32 to vector<16xi32>
    %shift_right_logical3A_235 = arith.shrui %get3A_232, %shift_right_logical3A_234 : vector<16xi32>
    %swap3A_236 = arith.constant 368 : index
    %swap3A_237 = tpu.vector_load %arg6[%swap3A_236] {strides = array<i32>} : memref<512xi32, #tpu.memory_space<vmem>>, vector<16xi32>,
    %swap3A_238 = vector.shape_cast %swap3A_237 : vector<16xi32> to vector<16xi32>
    %swap3A_239 = vector.shape_cast %shift_right_logical3A_235 : vector<16xi32> to vector<16xi32>
    tpu.vector_store %arg6[%swap3A_236], %swap3A_239 {strides = array<i32>} : memref<512xi32, #tpu.memory_space<vmem>>, vector<16xi32>,
    %get3A_240 = arith.constant 384 : index
    %get3A_241 = tpu.vector_load %arg5[%get3A_240] {strides = array<i32>} : memref<512xi32, #tpu.memory_space<vmem>>, vector<16xi32>,
    %get3A_242 = vector.shape_cast %get3A_241 : vector<16xi32> to vector<16xi32>
    %shift_right_logical3A_243 = arith.constant 7 : i32
    %shift_right_logical3A_244 = vector.broadcast %shift_right_logical3A_243 : i32 to vector<16xi32>
    %shift_right_logical3A_245 = arith.shrui %get3A_242, %shift_right_logical3A_244 : vector<16xi32>
    %swap3A_246 = arith.constant 384 : index
    %swap3A_247 = tpu.vector_load %arg6[%swap3A_246] {strides = array<i32>} : memref<512xi32, #tpu.memory_space<vmem>>, vector<16xi32>,
    %swap3A_248 = vector.shape_cast %swap3A_247 : vector<16xi32> to vector<16xi32>
    %swap3A_249 = vector.shape_cast %shift_right_logical3A_245 : vector<16xi32> to vector<16xi32>
    tpu.vector_store %arg6[%swap3A_246], %swap3A_249 {strides = array<i32>} : memref<512xi32, #tpu.memory_space<vmem>>, vector<16xi32>,
    %get3A_250 = arith.constant 400 : index
    %get3A_251 = tpu.vector_load %arg5[%get3A_250] {strides = array<i32>} : memref<512xi32, #tpu.memory_space<vmem>>, vector<16xi32>,
    %get3A_252 = vector.shape_cast %get3A_251 : vector<16xi32> to vector<16xi32>
    %shift_right_logical3A_253 = arith.constant 7 : i32
    %shift_right_logical3A_254 = vector.broadcast %shift_right_logical3A_253 : i32 to vector<16xi32>
    %shift_right_logical3A_255 = arith.shrui %get3A_252, %shift_right_logical3A_254 : vector<16xi32>
    %swap3A_256 = arith.constant 400 : index
    %swap3A_257 = tpu.vector_load %arg6[%swap3A_256] {strides = array<i32>} : memref<512xi32, #tpu.memory_space<vmem>>, vector<16xi32>,
    %swap3A_258 = vector.shape_cast %swap3A_257 : vector<16xi32> to vector<16xi32>
    %swap3A_259 = vector.shape_cast %shift_right_logical3A_255 : vector<16xi32> to vector<16xi32>
    tpu.vector_store %arg6[%swap3A_256], %swap3A_259 {strides = array<i32>} : memref<512xi32, #tpu.memory_space<vmem>>, vector<16xi32>,
    %get3A_260 = arith.constant 416 : index
    %get3A_261 = tpu.vector_load %arg5[%get3A_260] {strides = array<i32>} : memref<512xi32, #tpu.memory_space<vmem>>, vector<16xi32>,
    %get3A_262 = vector.shape_cast %get3A_261 : vector<16xi32> to vector<16xi32>
    %shift_right_logical3A_263 = arith.constant 7 : i32
    %shift_right_logical3A_264 = vector.broadcast %shift_right_logical3A_263 : i32 to vector<16xi32>
    %shift_right_logical3A_265 = arith.shrui %get3A_262, %shift_right_logical3A_264 : vector<16xi32>
    %swap3A_266 = arith.constant 416 : index
    %swap3A_267 = tpu.vector_load %arg6[%swap3A_266] {strides = array<i32>} : memref<512xi32, #tpu.memory_space<vmem>>, vector<16xi32>,
    %swap3A_268 = vector.shape_cast %swap3A_267 : vector<16xi32> to vector<16xi32>
    %swap3A_269 = vector.shape_cast %shift_right_logical3A_265 : vector<16xi32> to vector<16xi32>
    tpu.vector_store %arg6[%swap3A_266], %swap3A_269 {strides = array<i32>} : memref<512xi32, #tpu.memory_space<vmem>>, vector<16xi32>,
    %get3A_270 = arith.constant 432 : index
    %get3A_271 = tpu.vector_load %arg5[%get3A_270] {strides = array<i32>} : memref<512xi32, #tpu.memory_space<vmem>>, vector<16xi32>,
    %get3A_272 = vector.shape_cast %get3A_271 : vector<16xi32> to vector<16xi32>
    %shift_right_logical3A_273 = arith.constant 7 : i32
    %shift_right_logical3A_274 = vector.broadcast %shift_right_logical3A_273 : i32 to vector<16xi32>
    %shift_right_logical3A_275 = arith.shrui %get3A_272, %shift_right_logical3A_274 : vector<16xi32>
    %swap3A_276 = arith.constant 432 : index
    %swap3A_277 = tpu.vector_load %arg6[%swap3A_276] {strides = array<i32>} : memref<512xi32, #tpu.memory_space<vmem>>, vector<16xi32>,
    %swap3A_278 = vector.shape_cast %swap3A_277 : vector<16xi32> to vector<16xi32>
    %swap3A_279 = vector.shape_cast %shift_right_logical3A_275 : vector<16xi32> to vector<16xi32>
    tpu.vector_store %arg6[%swap3A_276], %swap3A_279 {strides = array<i32>} : memref<512xi32, #tpu.memory_space<vmem>>, vector<16xi32>,
    %get3A_280 = arith.constant 448 : index
    %get3A_281 = tpu.vector_load %arg5[%get3A_280] {strides = array<i32>} : memref<512xi32, #tpu.memory_space<vmem>>, vector<16xi32>,
    %get3A_282 = vector.shape_cast %get3A_281 : vector<16xi32> to vector<16xi32>
    %shift_right_logical3A_283 = arith.constant 7 : i32
    %shift_right_logical3A_284 = vector.broadcast %shift_right_logical3A_283 : i32 to vector<16xi32>
    %shift_right_logical3A_285 = arith.shrui %get3A_282, %shift_right_logical3A_284 : vector<16xi32>
    %swap3A_286 = arith.constant 448 : index
    %swap3A_287 = tpu.vector_load %arg6[%swap3A_286] {strides = array<i32>} : memref<512xi32, #tpu.memory_space<vmem>>, vector<16xi32>,
    %swap3A_288 = vector.shape_cast %swap3A_287 : vector<16xi32> to vector<16xi32>
    %swap3A_289 = vector.shape_cast %shift_right_logical3A_285 : vector<16xi32> to vector<16xi32>
    tpu.vector_store %arg6[%swap3A_286], %swap3A_289 {strides = array<i32>} : memref<512xi32, #tpu.memory_space<vmem>>, vector<16xi32>,
    %get3A_290 = arith.constant 464 : index
    %get3A_291 = tpu.vector_load %arg5[%get3A_290] {strides = array<i32>} : memref<512xi32, #tpu.memory_space<vmem>>, vector<16xi32>,
    %get3A_292 = vector.shape_cast %get3A_291 : vector<16xi32> to vector<16xi32>
    %shift_right_logical3A_293 = arith.constant 7 : i32
    %shift_right_logical3A_294 = vector.broadcast %shift_right_logical3A_293 : i32 to vector<16xi32>
    %shift_right_logical3A_295 = arith.shrui %get3A_292, %shift_right_logical3A_294 : vector<16xi32>
    %swap3A_296 = arith.constant 464 : index
    %swap3A_297 = tpu.vector_load %arg6[%swap3A_296] {strides = array<i32>} : memref<512xi32, #tpu.memory_space<vmem>>, vector<16xi32>,
    %swap3A_298 = vector.shape_cast %swap3A_297 : vector<16xi32> to vector<16xi32>
    %swap3A_299 = vector.shape_cast %shift_right_logical3A_295 : vector<16xi32> to vector<16xi32>
    tpu.vector_store %arg6[%swap3A_296], %swap3A_299 {strides = array<i32>} : memref<512xi32, #tpu.memory_space<vmem>>, vector<16xi32>,
    %get3A_300 = arith.constant 480 : index
    %get3A_301 = tpu.vector_load %arg5[%get3A_300] {strides = array<i32>} : memref<512xi32, #tpu.memory_space<vmem>>, vector<16xi32>,
    %get3A_302 = vector.shape_cast %get3A_301 : vector<16xi32> to vector<16xi32>
    %shift_right_logical3A_303 = arith.constant 7 : i32
    %shift_right_logical3A_304 = vector.broadcast %shift_right_logical3A_303 : i32 to vector<16xi32>
    %shift_right_logical3A_305 = arith.shrui %get3A_302, %shift_right_logical3A_304 : vector<16xi32>
    %swap3A_306 = arith.constant 480 : index
    %swap3A_307 = tpu.vector_load %arg6[%swap3A_306] {strides = array<i32>} : memref<512xi32, #tpu.memory_space<vmem>>, vector<16xi32>,
    %swap3A_308 = vector.shape_cast %swap3A_307 : vector<16xi32> to vector<16xi32>
    %swap3A_309 = vector.shape_cast %shift_right_logical3A_305 : vector<16xi32> to vector<16xi32>
    tpu.vector_store %arg6[%swap3A_306], %swap3A_309 {strides = array<i32>} : memref<512xi32, #tpu.memory_space<vmem>>, vector<16xi32>,
    %get3A_310 = arith.constant 496 : index
    %get3A_311 = tpu.vector_load %arg5[%get3A_310] {strides = array<i32>} : memref<512xi32, #tpu.memory_space<vmem>>, vector<16xi32>,
    %get3A_312 = vector.shape_cast %get3A_311 : vector<16xi32> to vector<16xi32>
    %shift_right_logical3A_313 = arith.constant 7 : i32
    %shift_right_logical3A_314 = vector.broadcast %shift_right_logical3A_313 : i32 to vector<16xi32>
    %shift_right_logical3A_315 = arith.shrui %get3A_312, %shift_right_logical3A_314 : vector<16xi32>
    %swap3A_316 = arith.constant 496 : index
    %swap3A_317 = tpu.vector_load %arg6[%swap3A_316] {strides = array<i32>} : memref<512xi32, #tpu.memory_space<vmem>>, vector<16xi32>,
    %swap3A_318 = vector.shape_cast %swap3A_317 : vector<16xi32> to vector<16xi32>
    %swap3A_319 = vector.shape_cast %shift_right_logical3A_315 : vector<16xi32> to vector<16xi32>
    tpu.vector_store %arg6[%swap3A_316], %swap3A_319 {strides = array<i32>} : memref<512xi32, #tpu.memory_space<vmem>>, vector<16xi32>,
    %dma_start3A = arith.constant 0 : i32
    %dma_start3A_320 = arith.constant 0 : i32
    %dma_start3A_321 = tpu.memref_slice %arg7[%dma_start3A, %dma_start3A_320] : memref<512x128xf32, #tpu.memory_space<vmem>> -> memref<128x128xf32, #tpu.memory_space<vmem>>
    %dma_start3A_322 = arith.constant 0 : i32
    %dma_start3A_323 = tpu.memref_slice %arg6[%dma_start3A_322] : memref<512xi32, #tpu.memory_space<vmem>> -> memref<128xi32, #tpu.memory_space<vmem>>
    %dma_start3A_324 = arith.constant 0 : i32
    %dma_start3A_325 = arith.constant 0 : i32
    %dma_start3A_326 = tpu.memref_slice %arg3[%dma_start3A_324, %dma_start3A_325] : memref<7936x128xf32, #tpu.memory_space<hbm>> -> memref<7936x128xf32, #tpu.memory_space<hbm>>
    tpu.enqueue_indirect_dma source(%dma_start3A_326 : memref<7936x128xf32, #tpu.memory_space<hbm>>) target(%dma_start3A_321 : memref<128x128xf32, #tpu.memory_space<vmem>>) offsets(%dma_start3A_323 : memref<128xi32, #tpu.memory_space<vmem>>) semaphore(%arg8 : memref<!tpu.dma_semaphore, #tpu.memory_space<semaphore_mem>>)
    %dma_start3A_327 = arith.constant 128 : i32
    %dma_start3A_328 = arith.constant 0 : i32
    %dma_start3A_329 = tpu.memref_slice %arg7[%dma_start3A_327, %dma_start3A_328] : memref<512x128xf32, #tpu.memory_space<vmem>> -> memref<128x128xf32, #tpu.memory_space<vmem>>
    %dma_start3A_330 = arith.constant 128 : i32
    %dma_start3A_331 = tpu.memref_slice %arg6[%dma_start3A_330] : memref<512xi32, #tpu.memory_space<vmem>> -> memref<128xi32, #tpu.memory_space<vmem>>
    %dma_start3A_332 = arith.constant 0 : i32
    %dma_start3A_333 = arith.constant 0 : i32
    %dma_start3A_334 = tpu.memref_slice %arg3[%dma_start3A_332, %dma_start3A_333] : memref<7936x128xf32, #tpu.memory_space<hbm>> -> memref<7936x128xf32, #tpu.memory_space<hbm>>
    tpu.enqueue_indirect_dma source(%dma_start3A_334 : memref<7936x128xf32, #tpu.memory_space<hbm>>) target(%dma_start3A_329 : memref<128x128xf32, #tpu.memory_space<vmem>>) offsets(%dma_start3A_331 : memref<128xi32, #tpu.memory_space<vmem>>) semaphore(%arg8 : memref<!tpu.dma_semaphore, #tpu.memory_space<semaphore_mem>>)
    %dma_start3A_335 = arith.constant 256 : i32
    %dma_start3A_336 = arith.constant 0 : i32
    %dma_start3A_337 = tpu.memref_slice %arg7[%dma_start3A_335, %dma_start3A_336] : memref<512x128xf32, #tpu.memory_space<vmem>> -> memref<128x128xf32, #tpu.memory_space<vmem>>
    %dma_start3A_338 = arith.constant 256 : i32
    %dma_start3A_339 = tpu.memref_slice %arg6[%dma_start3A_338] : memref<512xi32, #tpu.memory_space<vmem>> -> memref<128xi32, #tpu.memory_space<vmem>>
    %dma_start3A_340 = arith.constant 0 : i32
    %dma_start3A_341 = arith.constant 0 : i32
    %dma_start3A_342 = tpu.memref_slice %arg3[%dma_start3A_340, %dma_start3A_341] : memref<7936x128xf32, #tpu.memory_space<hbm>> -> memref<7936x128xf32, #tpu.memory_space<hbm>>
    tpu.enqueue_indirect_dma source(%dma_start3A_342 : memref<7936x128xf32, #tpu.memory_space<hbm>>) target(%dma_start3A_337 : memref<128x128xf32, #tpu.memory_space<vmem>>) offsets(%dma_start3A_339 : memref<128xi32, #tpu.memory_space<vmem>>) semaphore(%arg8 : memref<!tpu.dma_semaphore, #tpu.memory_space<semaphore_mem>>)
    %dma_start3A_343 = arith.constant 384 : i32
    %dma_start3A_344 = arith.constant 0 : i32
    %dma_start3A_345 = tpu.memref_slice %arg7[%dma_start3A_343, %dma_start3A_344] : memref<512x128xf32, #tpu.memory_space<vmem>> -> memref<128x128xf32, #tpu.memory_space<vmem>>
    %dma_start3A_346 = arith.constant 384 : i32
    %dma_start3A_347 = tpu.memref_slice %arg6[%dma_start3A_346] : memref<512xi32, #tpu.memory_space<vmem>> -> memref<128xi32, #tpu.memory_space<vmem>>
    %dma_start3A_348 = arith.constant 0 : i32
    %dma_start3A_349 = arith.constant 0 : i32
    %dma_start3A_350 = tpu.memref_slice %arg3[%dma_start3A_348, %dma_start3A_349] : memref<7936x128xf32, #tpu.memory_space<hbm>> -> memref<7936x128xf32, #tpu.memory_space<hbm>>
    tpu.enqueue_indirect_dma source(%dma_start3A_350 : memref<7936x128xf32, #tpu.memory_space<hbm>>) target(%dma_start3A_345 : memref<128x128xf32, #tpu.memory_space<vmem>>) offsets(%dma_start3A_347 : memref<128xi32, #tpu.memory_space<vmem>>) semaphore(%arg8 : memref<!tpu.dma_semaphore, #tpu.memory_space<semaphore_mem>>)
    %dma_wait3A = arith.constant 0 : i32
    %dma_wait3A_351 = arith.constant 0 : i32
    %dma_wait3A_352 = tpu.memref_slice %arg7[%dma_wait3A, %dma_wait3A_351] : memref<512x128xf32, #tpu.memory_space<vmem>> -> memref<128x128xf32, #tpu.memory_space<vmem>>
    %dma_wait3A_353 = arith.constant 0 : i32
    %dma_wait3A_354 = tpu.memref_slice %arg6[%dma_wait3A_353] : memref<512xi32, #tpu.memory_space<vmem>> -> memref<128xi32, #tpu.memory_space<vmem>>
    %dma_wait3A_355 = arith.constant 0 : i32
    %dma_wait3A_356 = arith.constant 0 : i32
    %dma_wait3A_357 = tpu.memref_slice %arg3[%dma_wait3A_355, %dma_wait3A_356] : memref<7936x128xf32, #tpu.memory_space<hbm>> -> memref<7936x128xf32, #tpu.memory_space<hbm>>
    tpu.wait_indirect_dma semaphore(%arg8 : memref<!tpu.dma_semaphore, #tpu.memory_space<semaphore_mem>>) src(%dma_wait3A_357 : memref<7936x128xf32, #tpu.memory_space<hbm>>) dst(%dma_wait3A_352 : memref<128x128xf32, #tpu.memory_space<vmem>>)
    %dma_wait3A_358 = arith.constant 128 : i32
    %dma_wait3A_359 = arith.constant 0 : i32
    %dma_wait3A_360 = tpu.memref_slice %arg7[%dma_wait3A_358, %dma_wait3A_359] : memref<512x128xf32, #tpu.memory_space<vmem>> -> memref<128x128xf32, #tpu.memory_space<vmem>>
    %dma_wait3A_361 = arith.constant 128 : i32
    %dma_wait3A_362 = tpu.memref_slice %arg6[%dma_wait3A_361] : memref<512xi32, #tpu.memory_space<vmem>> -> memref<128xi32, #tpu.memory_space<vmem>>
    %dma_wait3A_363 = arith.constant 0 : i32
    %dma_wait3A_364 = arith.constant 0 : i32
    %dma_wait3A_365 = tpu.memref_slice %arg3[%dma_wait3A_363, %dma_wait3A_364] : memref<7936x128xf32, #tpu.memory_space<hbm>> -> memref<7936x128xf32, #tpu.memory_space<hbm>>
    tpu.wait_indirect_dma semaphore(%arg8 : memref<!tpu.dma_semaphore, #tpu.memory_space<semaphore_mem>>) src(%dma_wait3A_365 : memref<7936x128xf32, #tpu.memory_space<hbm>>) dst(%dma_wait3A_360 : memref<128x128xf32, #tpu.memory_space<vmem>>)
    %dma_wait3A_366 = arith.constant 256 : i32
    %dma_wait3A_367 = arith.constant 0 : i32
    %dma_wait3A_368 = tpu.memref_slice %arg7[%dma_wait3A_366, %dma_wait3A_367] : memref<512x128xf32, #tpu.memory_space<vmem>> -> memref<128x128xf32, #tpu.memory_space<vmem>>
    %dma_wait3A_369 = arith.constant 256 : i32
    %dma_wait3A_370 = tpu.memref_slice %arg6[%dma_wait3A_369] : memref<512xi32, #tpu.memory_space<vmem>> -> memref<128xi32, #tpu.memory_space<vmem>>
    %dma_wait3A_371 = arith.constant 0 : i32
    %dma_wait3A_372 = arith.constant 0 : i32
    %dma_wait3A_373 = tpu.memref_slice %arg3[%dma_wait3A_371, %dma_wait3A_372] : memref<7936x128xf32, #tpu.memory_space<hbm>> -> memref<7936x128xf32, #tpu.memory_space<hbm>>
    tpu.wait_indirect_dma semaphore(%arg8 : memref<!tpu.dma_semaphore, #tpu.memory_space<semaphore_mem>>) src(%dma_wait3A_373 : memref<7936x128xf32, #tpu.memory_space<hbm>>) dst(%dma_wait3A_368 : memref<128x128xf32, #tpu.memory_space<vmem>>)
    %dma_wait3A_374 = arith.constant 384 : i32
    %dma_wait3A_375 = arith.constant 0 : i32
    %dma_wait3A_376 = tpu.memref_slice %arg7[%dma_wait3A_374, %dma_wait3A_375] : memref<512x128xf32, #tpu.memory_space<vmem>> -> memref<128x128xf32, #tpu.memory_space<vmem>>
    %dma_wait3A_377 = arith.constant 384 : i32
    %dma_wait3A_378 = tpu.memref_slice %arg6[%dma_wait3A_377] : memref<512xi32, #tpu.memory_space<vmem>> -> memref<128xi32, #tpu.memory_space<vmem>>
    %dma_wait3A_379 = arith.constant 0 : i32
    %dma_wait3A_380 = arith.constant 0 : i32
    %dma_wait3A_381 = tpu.memref_slice %arg3[%dma_wait3A_379, %dma_wait3A_380] : memref<7936x128xf32, #tpu.memory_space<hbm>> -> memref<7936x128xf32, #tpu.memory_space<hbm>>
    tpu.wait_indirect_dma semaphore(%arg8 : memref<!tpu.dma_semaphore, #tpu.memory_space<semaphore_mem>>) src(%dma_wait3A_381 : memref<7936x128xf32, #tpu.memory_space<hbm>>) dst(%dma_wait3A_376 : memref<128x128xf32, #tpu.memory_space<vmem>>)
    "tpu.region"() ({
      %run_scoped3A = tpu.sem_alloc : memref<!tpu.dma_semaphore, #tpu.memory_space<semaphore_mem>>
      %dma_start3A_382 = arith.constant 0 : i32
      %dma_start3A_383 = tpu.memref_slice %arg4[%mul3A_2, %dma_start3A_382] : memref<16384x128xf32, #tpu.memory_space<hbm>> -> memref<512x128xf32, #tpu.memory_space<hbm>>
      %dma_start3A_384 = arith.constant 0 : i32
      %dma_start3A_385 = tpu.memref_slice %arg4[%mul3A_2, %dma_start3A_384] : memref<16384x128xf32, #tpu.memory_space<hbm>> -> memref<512x128xf32, #tpu.memory_space<hbm>>
      tpu.enqueue_dma source(%arg7 : memref<512x128xf32, #tpu.memory_space<vmem>>) target(%dma_start3A_385 : memref<512x128xf32, #tpu.memory_space<hbm>>) target_semaphore(%run_scoped3A : memref<!tpu.dma_semaphore, #tpu.memory_space<semaphore_mem>>)
      %dma_wait3A_386 = arith.constant 0 : i32
      %dma_wait3A_387 = tpu.memref_slice %arg4[%mul3A_2, %dma_wait3A_386] : memref<16384x128xf32, #tpu.memory_space<hbm>> -> memref<512x128xf32, #tpu.memory_space<hbm>>
      %dma_wait3A_388 = arith.constant 0 : i32
      %dma_wait3A_389 = tpu.memref_slice %arg4[%mul3A_2, %dma_wait3A_388] : memref<16384x128xf32, #tpu.memory_space<hbm>> -> memref<512x128xf32, #tpu.memory_space<hbm>>
      tpu.wait_dma2 semaphore(%run_scoped3A : memref<!tpu.dma_semaphore, #tpu.memory_space<semaphore_mem>>) src(%arg7 : memref<512x128xf32, #tpu.memory_space<vmem>>) dst(%dma_wait3A_389 : memref<512x128xf32, #tpu.memory_space<hbm>>)
      tpu.yield
    }) : () -> ()
    return
  }
}

module attributes {stable_mosaic.version = 14 : i64} {
  func.func @_select_body(%arg0: i32, %arg1: memref<16x128xi32, #tpu.memory_space<vmem>>, %arg2: memref<2048x128xf32, #tpu.memory_space<vmem>>, %arg3: memref<16x128xf32, #tpu.memory_space<vmem>>) attributes {dimension_semantics = [#tpu.dimension_semantics<arbitrary>], iteration_bounds = array<i64: 8>, scalar_prefetch = 0 : i64, scratch_operands = 0 : i64, tpu.core_type = #tpu.core_type<tc>, window_params = [{transform_indices = @transform_0, window_bounds = array<i64: 16, 128>}, {transform_indices = @transform_1, window_bounds = array<i64: 2048, 128>}, {transform_indices = @transform_2, window_bounds = array<i64: 16, 128>}]} {
    %iota3A = tpu.iota {dimensions = array<i32: 0>} : vector<128x128xi32>
    %iota3A_0 = tpu.iota {dimensions = array<i32: 1>} : vector<128x128xi32>
    %eq3A = arith.cmpi eq, %iota3A, %iota3A_0 : vector<128x128xi32>
    %convert_element_type3A = arith.extui %eq3A : vector<128x128xi1> to vector<128x128xi32>
    %convert_element_type3A_1 = arith.sitofp %convert_element_type3A : vector<128x128xi32> to vector<128x128xf32>
    %get3A = arith.constant 0 : index
    %get3A_2 = arith.constant 0 : index
    %get3A_3 = vector.load %arg1[%get3A, %get3A_2] : memref<16x128xi32, #tpu.memory_space<vmem>>, vector<16x128xi32>
    %and3A = arith.constant 127 : i32
    %and3A_4 = vector.broadcast %and3A : i32 to vector<16x128xi32>
    %and3A_5 = arith.andi %get3A_3, %and3A_4 : vector<16x128xi32>
    %slice3A = vector.extract_strided_slice %and3A_5 {offsets = [0, 0], sizes = [1, 128], strides = [1, 1]} : vector<16x128xi32> to vector<1x128xi32>
    %eq3A_6 = vector.broadcast %slice3A : vector<1x128xi32> to vector<128x128xi32>
    %eq3A_7 = arith.cmpi eq, %iota3A, %eq3A_6 : vector<128x128xi32>
    %convert_element_type3A_8 = arith.extui %eq3A_7 : vector<128x128xi1> to vector<128x128xi32>
    %convert_element_type3A_9 = arith.sitofp %convert_element_type3A_8 : vector<128x128xi32> to vector<128x128xf32>
    %get3A_10 = arith.constant 0 : index
    %get3A_11 = arith.constant 0 : index
    %get3A_12 = vector.load %arg2[%get3A_10, %get3A_11] : memref<2048x128xf32, #tpu.memory_space<vmem>>, vector<128x128xf32>
    %dot_general3A = arith.constant dense<0.000000e+00> : vector<128x128xf32>
    %dot_general3A_13 = tpu.matmul %get3A_12, %convert_element_type3A_9, %dot_general3A {dimension_numbers = #tpu.dot_dimension_numbers<[1], [0], [0], [1], [0, 0, 1, 1], [], []>, transpose_lhs_hint = false} : vector<128x128xf32>, vector<128x128xf32>, vector<128x128xf32> -> vector<128x128xf32>
    %mul3A = arith.mulf %dot_general3A_13, %convert_element_type3A_1 : vector<128x128xf32>
    %reduce_sum3A = arith.constant dense<0.000000e+00> : vector<128xf32>
    %reduce_sum3A_14 = vector.multi_reduction <add>, %mul3A, %reduce_sum3A [0] : vector<128x128xf32> to vector<128xf32>
    %broadcast_in_dim3A = vector.shape_cast %reduce_sum3A_14 : vector<128xf32> to vector<1x128xf32>
    %swap3A = arith.constant 0 : index
    %swap3A_15 = arith.constant 0 : index
    %swap3A_16 = vector.load %arg3[%swap3A, %swap3A_15] : memref<16x128xf32, #tpu.memory_space<vmem>>, vector<1x128xf32>
    tpu.vector_store %arg3[%swap3A, %swap3A_15], %broadcast_in_dim3A {strides = array<i32>} : memref<16x128xf32, #tpu.memory_space<vmem>>, vector<1x128xf32>,
    %slice3A_17 = vector.extract_strided_slice %and3A_5 {offsets = [1, 0], sizes = [1, 128], strides = [1, 1]} : vector<16x128xi32> to vector<1x128xi32>
    %eq3A_18 = vector.broadcast %slice3A_17 : vector<1x128xi32> to vector<128x128xi32>
    %eq3A_19 = arith.cmpi eq, %iota3A, %eq3A_18 : vector<128x128xi32>
    %convert_element_type3A_20 = arith.extui %eq3A_19 : vector<128x128xi1> to vector<128x128xi32>
    %convert_element_type3A_21 = arith.sitofp %convert_element_type3A_20 : vector<128x128xi32> to vector<128x128xf32>
    %get3A_22 = arith.constant 128 : index
    %get3A_23 = arith.constant 0 : index
    %get3A_24 = vector.load %arg2[%get3A_22, %get3A_23] : memref<2048x128xf32, #tpu.memory_space<vmem>>, vector<128x128xf32>
    %dot_general3A_25 = arith.constant dense<0.000000e+00> : vector<128x128xf32>
    %dot_general3A_26 = tpu.matmul %get3A_24, %convert_element_type3A_21, %dot_general3A_25 {dimension_numbers = #tpu.dot_dimension_numbers<[1], [0], [0], [1], [0, 0, 1, 1], [], []>, transpose_lhs_hint = false} : vector<128x128xf32>, vector<128x128xf32>, vector<128x128xf32> -> vector<128x128xf32>
    %mul3A_27 = arith.mulf %dot_general3A_26, %convert_element_type3A_1 : vector<128x128xf32>
    %reduce_sum3A_28 = arith.constant dense<0.000000e+00> : vector<128xf32>
    %reduce_sum3A_29 = vector.multi_reduction <add>, %mul3A_27, %reduce_sum3A_28 [0] : vector<128x128xf32> to vector<128xf32>
    %broadcast_in_dim3A_30 = vector.shape_cast %reduce_sum3A_29 : vector<128xf32> to vector<1x128xf32>
    %swap3A_31 = arith.constant 1 : index
    %swap3A_32 = arith.constant 0 : index
    %swap3A_33 = vector.load %arg3[%swap3A_31, %swap3A_32] : memref<16x128xf32, #tpu.memory_space<vmem>>, vector<1x128xf32>
    tpu.vector_store %arg3[%swap3A_31, %swap3A_32], %broadcast_in_dim3A_30 {strides = array<i32>} : memref<16x128xf32, #tpu.memory_space<vmem>>, vector<1x128xf32>,
    %slice3A_34 = vector.extract_strided_slice %and3A_5 {offsets = [2, 0], sizes = [1, 128], strides = [1, 1]} : vector<16x128xi32> to vector<1x128xi32>
    %eq3A_35 = vector.broadcast %slice3A_34 : vector<1x128xi32> to vector<128x128xi32>
    %eq3A_36 = arith.cmpi eq, %iota3A, %eq3A_35 : vector<128x128xi32>
    %convert_element_type3A_37 = arith.extui %eq3A_36 : vector<128x128xi1> to vector<128x128xi32>
    %convert_element_type3A_38 = arith.sitofp %convert_element_type3A_37 : vector<128x128xi32> to vector<128x128xf32>
    %get3A_39 = arith.constant 256 : index
    %get3A_40 = arith.constant 0 : index
    %get3A_41 = vector.load %arg2[%get3A_39, %get3A_40] : memref<2048x128xf32, #tpu.memory_space<vmem>>, vector<128x128xf32>
    %dot_general3A_42 = arith.constant dense<0.000000e+00> : vector<128x128xf32>
    %dot_general3A_43 = tpu.matmul %get3A_41, %convert_element_type3A_38, %dot_general3A_42 {dimension_numbers = #tpu.dot_dimension_numbers<[1], [0], [0], [1], [0, 0, 1, 1], [], []>, transpose_lhs_hint = false} : vector<128x128xf32>, vector<128x128xf32>, vector<128x128xf32> -> vector<128x128xf32>
    %mul3A_44 = arith.mulf %dot_general3A_43, %convert_element_type3A_1 : vector<128x128xf32>
    %reduce_sum3A_45 = arith.constant dense<0.000000e+00> : vector<128xf32>
    %reduce_sum3A_46 = vector.multi_reduction <add>, %mul3A_44, %reduce_sum3A_45 [0] : vector<128x128xf32> to vector<128xf32>
    %broadcast_in_dim3A_47 = vector.shape_cast %reduce_sum3A_46 : vector<128xf32> to vector<1x128xf32>
    %swap3A_48 = arith.constant 2 : index
    %swap3A_49 = arith.constant 0 : index
    %swap3A_50 = vector.load %arg3[%swap3A_48, %swap3A_49] : memref<16x128xf32, #tpu.memory_space<vmem>>, vector<1x128xf32>
    tpu.vector_store %arg3[%swap3A_48, %swap3A_49], %broadcast_in_dim3A_47 {strides = array<i32>} : memref<16x128xf32, #tpu.memory_space<vmem>>, vector<1x128xf32>,
    %slice3A_51 = vector.extract_strided_slice %and3A_5 {offsets = [3, 0], sizes = [1, 128], strides = [1, 1]} : vector<16x128xi32> to vector<1x128xi32>
    %eq3A_52 = vector.broadcast %slice3A_51 : vector<1x128xi32> to vector<128x128xi32>
    %eq3A_53 = arith.cmpi eq, %iota3A, %eq3A_52 : vector<128x128xi32>
    %convert_element_type3A_54 = arith.extui %eq3A_53 : vector<128x128xi1> to vector<128x128xi32>
    %convert_element_type3A_55 = arith.sitofp %convert_element_type3A_54 : vector<128x128xi32> to vector<128x128xf32>
    %get3A_56 = arith.constant 384 : index
    %get3A_57 = arith.constant 0 : index
    %get3A_58 = vector.load %arg2[%get3A_56, %get3A_57] : memref<2048x128xf32, #tpu.memory_space<vmem>>, vector<128x128xf32>
    %dot_general3A_59 = arith.constant dense<0.000000e+00> : vector<128x128xf32>
    %dot_general3A_60 = tpu.matmul %get3A_58, %convert_element_type3A_55, %dot_general3A_59 {dimension_numbers = #tpu.dot_dimension_numbers<[1], [0], [0], [1], [0, 0, 1, 1], [], []>, transpose_lhs_hint = false} : vector<128x128xf32>, vector<128x128xf32>, vector<128x128xf32> -> vector<128x128xf32>
    %mul3A_61 = arith.mulf %dot_general3A_60, %convert_element_type3A_1 : vector<128x128xf32>
    %reduce_sum3A_62 = arith.constant dense<0.000000e+00> : vector<128xf32>
    %reduce_sum3A_63 = vector.multi_reduction <add>, %mul3A_61, %reduce_sum3A_62 [0] : vector<128x128xf32> to vector<128xf32>
    %broadcast_in_dim3A_64 = vector.shape_cast %reduce_sum3A_63 : vector<128xf32> to vector<1x128xf32>
    %swap3A_65 = arith.constant 3 : index
    %swap3A_66 = arith.constant 0 : index
    %swap3A_67 = vector.load %arg3[%swap3A_65, %swap3A_66] : memref<16x128xf32, #tpu.memory_space<vmem>>, vector<1x128xf32>
    tpu.vector_store %arg3[%swap3A_65, %swap3A_66], %broadcast_in_dim3A_64 {strides = array<i32>} : memref<16x128xf32, #tpu.memory_space<vmem>>, vector<1x128xf32>,
    %slice3A_68 = vector.extract_strided_slice %and3A_5 {offsets = [4, 0], sizes = [1, 128], strides = [1, 1]} : vector<16x128xi32> to vector<1x128xi32>
    %eq3A_69 = vector.broadcast %slice3A_68 : vector<1x128xi32> to vector<128x128xi32>
    %eq3A_70 = arith.cmpi eq, %iota3A, %eq3A_69 : vector<128x128xi32>
    %convert_element_type3A_71 = arith.extui %eq3A_70 : vector<128x128xi1> to vector<128x128xi32>
    %convert_element_type3A_72 = arith.sitofp %convert_element_type3A_71 : vector<128x128xi32> to vector<128x128xf32>
    %get3A_73 = arith.constant 512 : index
    %get3A_74 = arith.constant 0 : index
    %get3A_75 = vector.load %arg2[%get3A_73, %get3A_74] : memref<2048x128xf32, #tpu.memory_space<vmem>>, vector<128x128xf32>
    %dot_general3A_76 = arith.constant dense<0.000000e+00> : vector<128x128xf32>
    %dot_general3A_77 = tpu.matmul %get3A_75, %convert_element_type3A_72, %dot_general3A_76 {dimension_numbers = #tpu.dot_dimension_numbers<[1], [0], [0], [1], [0, 0, 1, 1], [], []>, transpose_lhs_hint = false} : vector<128x128xf32>, vector<128x128xf32>, vector<128x128xf32> -> vector<128x128xf32>
    %mul3A_78 = arith.mulf %dot_general3A_77, %convert_element_type3A_1 : vector<128x128xf32>
    %reduce_sum3A_79 = arith.constant dense<0.000000e+00> : vector<128xf32>
    %reduce_sum3A_80 = vector.multi_reduction <add>, %mul3A_78, %reduce_sum3A_79 [0] : vector<128x128xf32> to vector<128xf32>
    %broadcast_in_dim3A_81 = vector.shape_cast %reduce_sum3A_80 : vector<128xf32> to vector<1x128xf32>
    %swap3A_82 = arith.constant 4 : index
    %swap3A_83 = arith.constant 0 : index
    %swap3A_84 = vector.load %arg3[%swap3A_82, %swap3A_83] : memref<16x128xf32, #tpu.memory_space<vmem>>, vector<1x128xf32>
    tpu.vector_store %arg3[%swap3A_82, %swap3A_83], %broadcast_in_dim3A_81 {strides = array<i32>} : memref<16x128xf32, #tpu.memory_space<vmem>>, vector<1x128xf32>,
    %slice3A_85 = vector.extract_strided_slice %and3A_5 {offsets = [5, 0], sizes = [1, 128], strides = [1, 1]} : vector<16x128xi32> to vector<1x128xi32>
    %eq3A_86 = vector.broadcast %slice3A_85 : vector<1x128xi32> to vector<128x128xi32>
    %eq3A_87 = arith.cmpi eq, %iota3A, %eq3A_86 : vector<128x128xi32>
    %convert_element_type3A_88 = arith.extui %eq3A_87 : vector<128x128xi1> to vector<128x128xi32>
    %convert_element_type3A_89 = arith.sitofp %convert_element_type3A_88 : vector<128x128xi32> to vector<128x128xf32>
    %get3A_90 = arith.constant 640 : index
    %get3A_91 = arith.constant 0 : index
    %get3A_92 = vector.load %arg2[%get3A_90, %get3A_91] : memref<2048x128xf32, #tpu.memory_space<vmem>>, vector<128x128xf32>
    %dot_general3A_93 = arith.constant dense<0.000000e+00> : vector<128x128xf32>
    %dot_general3A_94 = tpu.matmul %get3A_92, %convert_element_type3A_89, %dot_general3A_93 {dimension_numbers = #tpu.dot_dimension_numbers<[1], [0], [0], [1], [0, 0, 1, 1], [], []>, transpose_lhs_hint = false} : vector<128x128xf32>, vector<128x128xf32>, vector<128x128xf32> -> vector<128x128xf32>
    %mul3A_95 = arith.mulf %dot_general3A_94, %convert_element_type3A_1 : vector<128x128xf32>
    %reduce_sum3A_96 = arith.constant dense<0.000000e+00> : vector<128xf32>
    %reduce_sum3A_97 = vector.multi_reduction <add>, %mul3A_95, %reduce_sum3A_96 [0] : vector<128x128xf32> to vector<128xf32>
    %broadcast_in_dim3A_98 = vector.shape_cast %reduce_sum3A_97 : vector<128xf32> to vector<1x128xf32>
    %swap3A_99 = arith.constant 5 : index
    %swap3A_100 = arith.constant 0 : index
    %swap3A_101 = vector.load %arg3[%swap3A_99, %swap3A_100] : memref<16x128xf32, #tpu.memory_space<vmem>>, vector<1x128xf32>
    tpu.vector_store %arg3[%swap3A_99, %swap3A_100], %broadcast_in_dim3A_98 {strides = array<i32>} : memref<16x128xf32, #tpu.memory_space<vmem>>, vector<1x128xf32>,
    %slice3A_102 = vector.extract_strided_slice %and3A_5 {offsets = [6, 0], sizes = [1, 128], strides = [1, 1]} : vector<16x128xi32> to vector<1x128xi32>
    %eq3A_103 = vector.broadcast %slice3A_102 : vector<1x128xi32> to vector<128x128xi32>
    %eq3A_104 = arith.cmpi eq, %iota3A, %eq3A_103 : vector<128x128xi32>
    %convert_element_type3A_105 = arith.extui %eq3A_104 : vector<128x128xi1> to vector<128x128xi32>
    %convert_element_type3A_106 = arith.sitofp %convert_element_type3A_105 : vector<128x128xi32> to vector<128x128xf32>
    %get3A_107 = arith.constant 768 : index
    %get3A_108 = arith.constant 0 : index
    %get3A_109 = vector.load %arg2[%get3A_107, %get3A_108] : memref<2048x128xf32, #tpu.memory_space<vmem>>, vector<128x128xf32>
    %dot_general3A_110 = arith.constant dense<0.000000e+00> : vector<128x128xf32>
    %dot_general3A_111 = tpu.matmul %get3A_109, %convert_element_type3A_106, %dot_general3A_110 {dimension_numbers = #tpu.dot_dimension_numbers<[1], [0], [0], [1], [0, 0, 1, 1], [], []>, transpose_lhs_hint = false} : vector<128x128xf32>, vector<128x128xf32>, vector<128x128xf32> -> vector<128x128xf32>
    %mul3A_112 = arith.mulf %dot_general3A_111, %convert_element_type3A_1 : vector<128x128xf32>
    %reduce_sum3A_113 = arith.constant dense<0.000000e+00> : vector<128xf32>
    %reduce_sum3A_114 = vector.multi_reduction <add>, %mul3A_112, %reduce_sum3A_113 [0] : vector<128x128xf32> to vector<128xf32>
    %broadcast_in_dim3A_115 = vector.shape_cast %reduce_sum3A_114 : vector<128xf32> to vector<1x128xf32>
    %swap3A_116 = arith.constant 6 : index
    %swap3A_117 = arith.constant 0 : index
    %swap3A_118 = vector.load %arg3[%swap3A_116, %swap3A_117] : memref<16x128xf32, #tpu.memory_space<vmem>>, vector<1x128xf32>
    tpu.vector_store %arg3[%swap3A_116, %swap3A_117], %broadcast_in_dim3A_115 {strides = array<i32>} : memref<16x128xf32, #tpu.memory_space<vmem>>, vector<1x128xf32>,
    %slice3A_119 = vector.extract_strided_slice %and3A_5 {offsets = [7, 0], sizes = [1, 128], strides = [1, 1]} : vector<16x128xi32> to vector<1x128xi32>
    %eq3A_120 = vector.broadcast %slice3A_119 : vector<1x128xi32> to vector<128x128xi32>
    %eq3A_121 = arith.cmpi eq, %iota3A, %eq3A_120 : vector<128x128xi32>
    %convert_element_type3A_122 = arith.extui %eq3A_121 : vector<128x128xi1> to vector<128x128xi32>
    %convert_element_type3A_123 = arith.sitofp %convert_element_type3A_122 : vector<128x128xi32> to vector<128x128xf32>
    %get3A_124 = arith.constant 896 : index
    %get3A_125 = arith.constant 0 : index
    %get3A_126 = vector.load %arg2[%get3A_124, %get3A_125] : memref<2048x128xf32, #tpu.memory_space<vmem>>, vector<128x128xf32>
    %dot_general3A_127 = arith.constant dense<0.000000e+00> : vector<128x128xf32>
    %dot_general3A_128 = tpu.matmul %get3A_126, %convert_element_type3A_123, %dot_general3A_127 {dimension_numbers = #tpu.dot_dimension_numbers<[1], [0], [0], [1], [0, 0, 1, 1], [], []>, transpose_lhs_hint = false} : vector<128x128xf32>, vector<128x128xf32>, vector<128x128xf32> -> vector<128x128xf32>
    %mul3A_129 = arith.mulf %dot_general3A_128, %convert_element_type3A_1 : vector<128x128xf32>
    %reduce_sum3A_130 = arith.constant dense<0.000000e+00> : vector<128xf32>
    %reduce_sum3A_131 = vector.multi_reduction <add>, %mul3A_129, %reduce_sum3A_130 [0] : vector<128x128xf32> to vector<128xf32>
    %broadcast_in_dim3A_132 = vector.shape_cast %reduce_sum3A_131 : vector<128xf32> to vector<1x128xf32>
    %swap3A_133 = arith.constant 7 : index
    %swap3A_134 = arith.constant 0 : index
    %swap3A_135 = vector.load %arg3[%swap3A_133, %swap3A_134] : memref<16x128xf32, #tpu.memory_space<vmem>>, vector<1x128xf32>
    tpu.vector_store %arg3[%swap3A_133, %swap3A_134], %broadcast_in_dim3A_132 {strides = array<i32>} : memref<16x128xf32, #tpu.memory_space<vmem>>, vector<1x128xf32>,
    %slice3A_136 = vector.extract_strided_slice %and3A_5 {offsets = [8, 0], sizes = [1, 128], strides = [1, 1]} : vector<16x128xi32> to vector<1x128xi32>
    %eq3A_137 = vector.broadcast %slice3A_136 : vector<1x128xi32> to vector<128x128xi32>
    %eq3A_138 = arith.cmpi eq, %iota3A, %eq3A_137 : vector<128x128xi32>
    %convert_element_type3A_139 = arith.extui %eq3A_138 : vector<128x128xi1> to vector<128x128xi32>
    %convert_element_type3A_140 = arith.sitofp %convert_element_type3A_139 : vector<128x128xi32> to vector<128x128xf32>
    %get3A_141 = arith.constant 1024 : index
    %get3A_142 = arith.constant 0 : index
    %get3A_143 = vector.load %arg2[%get3A_141, %get3A_142] : memref<2048x128xf32, #tpu.memory_space<vmem>>, vector<128x128xf32>
    %dot_general3A_144 = arith.constant dense<0.000000e+00> : vector<128x128xf32>
    %dot_general3A_145 = tpu.matmul %get3A_143, %convert_element_type3A_140, %dot_general3A_144 {dimension_numbers = #tpu.dot_dimension_numbers<[1], [0], [0], [1], [0, 0, 1, 1], [], []>, transpose_lhs_hint = false} : vector<128x128xf32>, vector<128x128xf32>, vector<128x128xf32> -> vector<128x128xf32>
    %mul3A_146 = arith.mulf %dot_general3A_145, %convert_element_type3A_1 : vector<128x128xf32>
    %reduce_sum3A_147 = arith.constant dense<0.000000e+00> : vector<128xf32>
    %reduce_sum3A_148 = vector.multi_reduction <add>, %mul3A_146, %reduce_sum3A_147 [0] : vector<128x128xf32> to vector<128xf32>
    %broadcast_in_dim3A_149 = vector.shape_cast %reduce_sum3A_148 : vector<128xf32> to vector<1x128xf32>
    %swap3A_150 = arith.constant 8 : index
    %swap3A_151 = arith.constant 0 : index
    %swap3A_152 = vector.load %arg3[%swap3A_150, %swap3A_151] : memref<16x128xf32, #tpu.memory_space<vmem>>, vector<1x128xf32>
    tpu.vector_store %arg3[%swap3A_150, %swap3A_151], %broadcast_in_dim3A_149 {strides = array<i32>} : memref<16x128xf32, #tpu.memory_space<vmem>>, vector<1x128xf32>,
    %slice3A_153 = vector.extract_strided_slice %and3A_5 {offsets = [9, 0], sizes = [1, 128], strides = [1, 1]} : vector<16x128xi32> to vector<1x128xi32>
    %eq3A_154 = vector.broadcast %slice3A_153 : vector<1x128xi32> to vector<128x128xi32>
    %eq3A_155 = arith.cmpi eq, %iota3A, %eq3A_154 : vector<128x128xi32>
    %convert_element_type3A_156 = arith.extui %eq3A_155 : vector<128x128xi1> to vector<128x128xi32>
    %convert_element_type3A_157 = arith.sitofp %convert_element_type3A_156 : vector<128x128xi32> to vector<128x128xf32>
    %get3A_158 = arith.constant 1152 : index
    %get3A_159 = arith.constant 0 : index
    %get3A_160 = vector.load %arg2[%get3A_158, %get3A_159] : memref<2048x128xf32, #tpu.memory_space<vmem>>, vector<128x128xf32>
    %dot_general3A_161 = arith.constant dense<0.000000e+00> : vector<128x128xf32>
    %dot_general3A_162 = tpu.matmul %get3A_160, %convert_element_type3A_157, %dot_general3A_161 {dimension_numbers = #tpu.dot_dimension_numbers<[1], [0], [0], [1], [0, 0, 1, 1], [], []>, transpose_lhs_hint = false} : vector<128x128xf32>, vector<128x128xf32>, vector<128x128xf32> -> vector<128x128xf32>
    %mul3A_163 = arith.mulf %dot_general3A_162, %convert_element_type3A_1 : vector<128x128xf32>
    %reduce_sum3A_164 = arith.constant dense<0.000000e+00> : vector<128xf32>
    %reduce_sum3A_165 = vector.multi_reduction <add>, %mul3A_163, %reduce_sum3A_164 [0] : vector<128x128xf32> to vector<128xf32>
    %broadcast_in_dim3A_166 = vector.shape_cast %reduce_sum3A_165 : vector<128xf32> to vector<1x128xf32>
    %swap3A_167 = arith.constant 9 : index
    %swap3A_168 = arith.constant 0 : index
    %swap3A_169 = vector.load %arg3[%swap3A_167, %swap3A_168] : memref<16x128xf32, #tpu.memory_space<vmem>>, vector<1x128xf32>
    tpu.vector_store %arg3[%swap3A_167, %swap3A_168], %broadcast_in_dim3A_166 {strides = array<i32>} : memref<16x128xf32, #tpu.memory_space<vmem>>, vector<1x128xf32>,
    %slice3A_170 = vector.extract_strided_slice %and3A_5 {offsets = [10, 0], sizes = [1, 128], strides = [1, 1]} : vector<16x128xi32> to vector<1x128xi32>
    %eq3A_171 = vector.broadcast %slice3A_170 : vector<1x128xi32> to vector<128x128xi32>
    %eq3A_172 = arith.cmpi eq, %iota3A, %eq3A_171 : vector<128x128xi32>
    %convert_element_type3A_173 = arith.extui %eq3A_172 : vector<128x128xi1> to vector<128x128xi32>
    %convert_element_type3A_174 = arith.sitofp %convert_element_type3A_173 : vector<128x128xi32> to vector<128x128xf32>
    %get3A_175 = arith.constant 1280 : index
    %get3A_176 = arith.constant 0 : index
    %get3A_177 = vector.load %arg2[%get3A_175, %get3A_176] : memref<2048x128xf32, #tpu.memory_space<vmem>>, vector<128x128xf32>
    %dot_general3A_178 = arith.constant dense<0.000000e+00> : vector<128x128xf32>
    %dot_general3A_179 = tpu.matmul %get3A_177, %convert_element_type3A_174, %dot_general3A_178 {dimension_numbers = #tpu.dot_dimension_numbers<[1], [0], [0], [1], [0, 0, 1, 1], [], []>, transpose_lhs_hint = false} : vector<128x128xf32>, vector<128x128xf32>, vector<128x128xf32> -> vector<128x128xf32>
    %mul3A_180 = arith.mulf %dot_general3A_179, %convert_element_type3A_1 : vector<128x128xf32>
    %reduce_sum3A_181 = arith.constant dense<0.000000e+00> : vector<128xf32>
    %reduce_sum3A_182 = vector.multi_reduction <add>, %mul3A_180, %reduce_sum3A_181 [0] : vector<128x128xf32> to vector<128xf32>
    %broadcast_in_dim3A_183 = vector.shape_cast %reduce_sum3A_182 : vector<128xf32> to vector<1x128xf32>
    %swap3A_184 = arith.constant 10 : index
    %swap3A_185 = arith.constant 0 : index
    %swap3A_186 = vector.load %arg3[%swap3A_184, %swap3A_185] : memref<16x128xf32, #tpu.memory_space<vmem>>, vector<1x128xf32>
    tpu.vector_store %arg3[%swap3A_184, %swap3A_185], %broadcast_in_dim3A_183 {strides = array<i32>} : memref<16x128xf32, #tpu.memory_space<vmem>>, vector<1x128xf32>,
    %slice3A_187 = vector.extract_strided_slice %and3A_5 {offsets = [11, 0], sizes = [1, 128], strides = [1, 1]} : vector<16x128xi32> to vector<1x128xi32>
    %eq3A_188 = vector.broadcast %slice3A_187 : vector<1x128xi32> to vector<128x128xi32>
    %eq3A_189 = arith.cmpi eq, %iota3A, %eq3A_188 : vector<128x128xi32>
    %convert_element_type3A_190 = arith.extui %eq3A_189 : vector<128x128xi1> to vector<128x128xi32>
    %convert_element_type3A_191 = arith.sitofp %convert_element_type3A_190 : vector<128x128xi32> to vector<128x128xf32>
    %get3A_192 = arith.constant 1408 : index
    %get3A_193 = arith.constant 0 : index
    %get3A_194 = vector.load %arg2[%get3A_192, %get3A_193] : memref<2048x128xf32, #tpu.memory_space<vmem>>, vector<128x128xf32>
    %dot_general3A_195 = arith.constant dense<0.000000e+00> : vector<128x128xf32>
    %dot_general3A_196 = tpu.matmul %get3A_194, %convert_element_type3A_191, %dot_general3A_195 {dimension_numbers = #tpu.dot_dimension_numbers<[1], [0], [0], [1], [0, 0, 1, 1], [], []>, transpose_lhs_hint = false} : vector<128x128xf32>, vector<128x128xf32>, vector<128x128xf32> -> vector<128x128xf32>
    %mul3A_197 = arith.mulf %dot_general3A_196, %convert_element_type3A_1 : vector<128x128xf32>
    %reduce_sum3A_198 = arith.constant dense<0.000000e+00> : vector<128xf32>
    %reduce_sum3A_199 = vector.multi_reduction <add>, %mul3A_197, %reduce_sum3A_198 [0] : vector<128x128xf32> to vector<128xf32>
    %broadcast_in_dim3A_200 = vector.shape_cast %reduce_sum3A_199 : vector<128xf32> to vector<1x128xf32>
    %swap3A_201 = arith.constant 11 : index
    %swap3A_202 = arith.constant 0 : index
    %swap3A_203 = vector.load %arg3[%swap3A_201, %swap3A_202] : memref<16x128xf32, #tpu.memory_space<vmem>>, vector<1x128xf32>
    tpu.vector_store %arg3[%swap3A_201, %swap3A_202], %broadcast_in_dim3A_200 {strides = array<i32>} : memref<16x128xf32, #tpu.memory_space<vmem>>, vector<1x128xf32>,
    %slice3A_204 = vector.extract_strided_slice %and3A_5 {offsets = [12, 0], sizes = [1, 128], strides = [1, 1]} : vector<16x128xi32> to vector<1x128xi32>
    %eq3A_205 = vector.broadcast %slice3A_204 : vector<1x128xi32> to vector<128x128xi32>
    %eq3A_206 = arith.cmpi eq, %iota3A, %eq3A_205 : vector<128x128xi32>
    %convert_element_type3A_207 = arith.extui %eq3A_206 : vector<128x128xi1> to vector<128x128xi32>
    %convert_element_type3A_208 = arith.sitofp %convert_element_type3A_207 : vector<128x128xi32> to vector<128x128xf32>
    %get3A_209 = arith.constant 1536 : index
    %get3A_210 = arith.constant 0 : index
    %get3A_211 = vector.load %arg2[%get3A_209, %get3A_210] : memref<2048x128xf32, #tpu.memory_space<vmem>>, vector<128x128xf32>
    %dot_general3A_212 = arith.constant dense<0.000000e+00> : vector<128x128xf32>
    %dot_general3A_213 = tpu.matmul %get3A_211, %convert_element_type3A_208, %dot_general3A_212 {dimension_numbers = #tpu.dot_dimension_numbers<[1], [0], [0], [1], [0, 0, 1, 1], [], []>, transpose_lhs_hint = false} : vector<128x128xf32>, vector<128x128xf32>, vector<128x128xf32> -> vector<128x128xf32>
    %mul3A_214 = arith.mulf %dot_general3A_213, %convert_element_type3A_1 : vector<128x128xf32>
    %reduce_sum3A_215 = arith.constant dense<0.000000e+00> : vector<128xf32>
    %reduce_sum3A_216 = vector.multi_reduction <add>, %mul3A_214, %reduce_sum3A_215 [0] : vector<128x128xf32> to vector<128xf32>
    %broadcast_in_dim3A_217 = vector.shape_cast %reduce_sum3A_216 : vector<128xf32> to vector<1x128xf32>
    %swap3A_218 = arith.constant 12 : index
    %swap3A_219 = arith.constant 0 : index
    %swap3A_220 = vector.load %arg3[%swap3A_218, %swap3A_219] : memref<16x128xf32, #tpu.memory_space<vmem>>, vector<1x128xf32>
    tpu.vector_store %arg3[%swap3A_218, %swap3A_219], %broadcast_in_dim3A_217 {strides = array<i32>} : memref<16x128xf32, #tpu.memory_space<vmem>>, vector<1x128xf32>,
    %slice3A_221 = vector.extract_strided_slice %and3A_5 {offsets = [13, 0], sizes = [1, 128], strides = [1, 1]} : vector<16x128xi32> to vector<1x128xi32>
    %eq3A_222 = vector.broadcast %slice3A_221 : vector<1x128xi32> to vector<128x128xi32>
    %eq3A_223 = arith.cmpi eq, %iota3A, %eq3A_222 : vector<128x128xi32>
    %convert_element_type3A_224 = arith.extui %eq3A_223 : vector<128x128xi1> to vector<128x128xi32>
    %convert_element_type3A_225 = arith.sitofp %convert_element_type3A_224 : vector<128x128xi32> to vector<128x128xf32>
    %get3A_226 = arith.constant 1664 : index
    %get3A_227 = arith.constant 0 : index
    %get3A_228 = vector.load %arg2[%get3A_226, %get3A_227] : memref<2048x128xf32, #tpu.memory_space<vmem>>, vector<128x128xf32>
    %dot_general3A_229 = arith.constant dense<0.000000e+00> : vector<128x128xf32>
    %dot_general3A_230 = tpu.matmul %get3A_228, %convert_element_type3A_225, %dot_general3A_229 {dimension_numbers = #tpu.dot_dimension_numbers<[1], [0], [0], [1], [0, 0, 1, 1], [], []>, transpose_lhs_hint = false} : vector<128x128xf32>, vector<128x128xf32>, vector<128x128xf32> -> vector<128x128xf32>
    %mul3A_231 = arith.mulf %dot_general3A_230, %convert_element_type3A_1 : vector<128x128xf32>
    %reduce_sum3A_232 = arith.constant dense<0.000000e+00> : vector<128xf32>
    %reduce_sum3A_233 = vector.multi_reduction <add>, %mul3A_231, %reduce_sum3A_232 [0] : vector<128x128xf32> to vector<128xf32>
    %broadcast_in_dim3A_234 = vector.shape_cast %reduce_sum3A_233 : vector<128xf32> to vector<1x128xf32>
    %swap3A_235 = arith.constant 13 : index
    %swap3A_236 = arith.constant 0 : index
    %swap3A_237 = vector.load %arg3[%swap3A_235, %swap3A_236] : memref<16x128xf32, #tpu.memory_space<vmem>>, vector<1x128xf32>
    tpu.vector_store %arg3[%swap3A_235, %swap3A_236], %broadcast_in_dim3A_234 {strides = array<i32>} : memref<16x128xf32, #tpu.memory_space<vmem>>, vector<1x128xf32>,
    %slice3A_238 = vector.extract_strided_slice %and3A_5 {offsets = [14, 0], sizes = [1, 128], strides = [1, 1]} : vector<16x128xi32> to vector<1x128xi32>
    %eq3A_239 = vector.broadcast %slice3A_238 : vector<1x128xi32> to vector<128x128xi32>
    %eq3A_240 = arith.cmpi eq, %iota3A, %eq3A_239 : vector<128x128xi32>
    %convert_element_type3A_241 = arith.extui %eq3A_240 : vector<128x128xi1> to vector<128x128xi32>
    %convert_element_type3A_242 = arith.sitofp %convert_element_type3A_241 : vector<128x128xi32> to vector<128x128xf32>
    %get3A_243 = arith.constant 1792 : index
    %get3A_244 = arith.constant 0 : index
    %get3A_245 = vector.load %arg2[%get3A_243, %get3A_244] : memref<2048x128xf32, #tpu.memory_space<vmem>>, vector<128x128xf32>
    %dot_general3A_246 = arith.constant dense<0.000000e+00> : vector<128x128xf32>
    %dot_general3A_247 = tpu.matmul %get3A_245, %convert_element_type3A_242, %dot_general3A_246 {dimension_numbers = #tpu.dot_dimension_numbers<[1], [0], [0], [1], [0, 0, 1, 1], [], []>, transpose_lhs_hint = false} : vector<128x128xf32>, vector<128x128xf32>, vector<128x128xf32> -> vector<128x128xf32>
    %mul3A_248 = arith.mulf %dot_general3A_247, %convert_element_type3A_1 : vector<128x128xf32>
    %reduce_sum3A_249 = arith.constant dense<0.000000e+00> : vector<128xf32>
    %reduce_sum3A_250 = vector.multi_reduction <add>, %mul3A_248, %reduce_sum3A_249 [0] : vector<128x128xf32> to vector<128xf32>
    %broadcast_in_dim3A_251 = vector.shape_cast %reduce_sum3A_250 : vector<128xf32> to vector<1x128xf32>
    %swap3A_252 = arith.constant 14 : index
    %swap3A_253 = arith.constant 0 : index
    %swap3A_254 = vector.load %arg3[%swap3A_252, %swap3A_253] : memref<16x128xf32, #tpu.memory_space<vmem>>, vector<1x128xf32>
    tpu.vector_store %arg3[%swap3A_252, %swap3A_253], %broadcast_in_dim3A_251 {strides = array<i32>} : memref<16x128xf32, #tpu.memory_space<vmem>>, vector<1x128xf32>,
    %slice3A_255 = vector.extract_strided_slice %and3A_5 {offsets = [15, 0], sizes = [1, 128], strides = [1, 1]} : vector<16x128xi32> to vector<1x128xi32>
    %eq3A_256 = vector.broadcast %slice3A_255 : vector<1x128xi32> to vector<128x128xi32>
    %eq3A_257 = arith.cmpi eq, %iota3A, %eq3A_256 : vector<128x128xi32>
    %convert_element_type3A_258 = arith.extui %eq3A_257 : vector<128x128xi1> to vector<128x128xi32>
    %convert_element_type3A_259 = arith.sitofp %convert_element_type3A_258 : vector<128x128xi32> to vector<128x128xf32>
    %get3A_260 = arith.constant 1920 : index
    %get3A_261 = arith.constant 0 : index
    %get3A_262 = vector.load %arg2[%get3A_260, %get3A_261] : memref<2048x128xf32, #tpu.memory_space<vmem>>, vector<128x128xf32>
    %dot_general3A_263 = arith.constant dense<0.000000e+00> : vector<128x128xf32>
    %dot_general3A_264 = tpu.matmul %get3A_262, %convert_element_type3A_259, %dot_general3A_263 {dimension_numbers = #tpu.dot_dimension_numbers<[1], [0], [0], [1], [0, 0, 1, 1], [], []>, transpose_lhs_hint = false} : vector<128x128xf32>, vector<128x128xf32>, vector<128x128xf32> -> vector<128x128xf32>
    %mul3A_265 = arith.mulf %dot_general3A_264, %convert_element_type3A_1 : vector<128x128xf32>
    %reduce_sum3A_266 = arith.constant dense<0.000000e+00> : vector<128xf32>
    %reduce_sum3A_267 = vector.multi_reduction <add>, %mul3A_265, %reduce_sum3A_266 [0] : vector<128x128xf32> to vector<128xf32>
    %broadcast_in_dim3A_268 = vector.shape_cast %reduce_sum3A_267 : vector<128xf32> to vector<1x128xf32>
    %swap3A_269 = arith.constant 15 : index
    %swap3A_270 = arith.constant 0 : index
    %swap3A_271 = vector.load %arg3[%swap3A_269, %swap3A_270] : memref<16x128xf32, #tpu.memory_space<vmem>>, vector<1x128xf32>
    tpu.vector_store %arg3[%swap3A_269, %swap3A_270], %broadcast_in_dim3A_268 {strides = array<i32>} : memref<16x128xf32, #tpu.memory_space<vmem>>, vector<1x128xf32>,
    return
  }
  func.func @transform_0(%arg0: i32) -> (i32, i32) {
    %c0_i32 = arith.constant 0 : i32
    %c0_i32_0 = arith.constant 0 : i32
    return %arg0, %c0_i32 : i32, i32
  }
  func.func @transform_1(%arg0: i32) -> (i32, i32) {
    %c0_i32 = arith.constant 0 : i32
    %c0_i32_0 = arith.constant 0 : i32
    return %arg0, %c0_i32 : i32, i32
  }
  func.func @transform_2(%arg0: i32) -> (i32, i32) {
    %c0_i32 = arith.constant 0 : i32
    %c0_i32_0 = arith.constant 0 : i32
    return %arg0, %c0_i32 : i32, i32
  }
}

module attributes {stable_mosaic.version = 14 : i64} {
  func.func @_mlp_all_body(%arg0: i32, %arg1: memref<32x32768xf32, #tpu.memory_space<vmem>>, %arg2: memref<32x64xf32, #tpu.memory_space<vmem>>, %arg3: memref<64x1xf32, #tpu.memory_space<vmem>>, %arg4: memref<64x1xf32, #tpu.memory_space<vmem>>, %arg5: memref<1x1xf32, #tpu.memory_space<vmem>>, %arg6: memref<256x128xf32, #tpu.memory_space<vmem>>) attributes {dimension_semantics = [#tpu.dimension_semantics<arbitrary>], iteration_bounds = array<i64: 31>, scalar_prefetch = 0 : i64, scratch_operands = 0 : i64, tpu.core_type = #tpu.core_type<tc>, window_params = [{transform_indices = @transform_0, window_bounds = array<i64: 32, 32768>}, {pipeline_mode = #tpu.pipeline_mode<synchronous>, transform_indices = @transform_1, window_bounds = array<i64: 32, 64>}, {pipeline_mode = #tpu.pipeline_mode<synchronous>, transform_indices = @transform_2, window_bounds = array<i64: 64, 1>}, {pipeline_mode = #tpu.pipeline_mode<synchronous>, transform_indices = @transform_3, window_bounds = array<i64: 64, 1>}, {pipeline_mode = #tpu.pipeline_mode<synchronous>, transform_indices = @transform_4, window_bounds = array<i64: 1, 1>}, {transform_indices = @transform_5, window_bounds = array<i64: 256, 128>}]} {
    %get3A = arith.constant 0 : index
    %get3A_0 = arith.constant 0 : index
    %get3A_1 = vector.load %arg1[%get3A, %get3A_0] : memref<32x32768xf32, #tpu.memory_space<vmem>>, vector<32x32768xf32>
    %max3A = arith.constant 0.000000e+00 : f32
    %max3A_2 = vector.broadcast %max3A : f32 to vector<32x32768xf32>
    %max3A_3 = arith.maximumf %get3A_1, %max3A_2 : vector<32x32768xf32>
    %convert_element_type3A = arith.truncf %max3A_3 : vector<32x32768xf32> to vector<32x32768xbf16>
    %get3A_4 = arith.constant 0 : index
    %get3A_5 = arith.constant 0 : index
    %get3A_6 = vector.load %arg2[%get3A_4, %get3A_5] : memref<32x64xf32, #tpu.memory_space<vmem>>, vector<32x64xf32>
    %convert_element_type3A_7 = arith.truncf %get3A_6 : vector<32x64xf32> to vector<32x64xbf16>
    %dot_general3A = arith.constant dense<0.000000e+00> : vector<64x32768xf32>
    %dot_general3A_8 = tpu.matmul %convert_element_type3A_7, %convert_element_type3A, %dot_general3A {dimension_numbers = #tpu.dot_dimension_numbers<[0], [0], [1], [1], [0, 1, 1, 1], [], []>, transpose_lhs_hint = false} : vector<32x64xbf16>, vector<32x32768xbf16>, vector<64x32768xf32> -> vector<64x32768xf32>
    %get3A_9 = arith.constant 0 : index
    %get3A_10 = arith.constant 0 : index
    %get3A_11 = vector.load %arg3[%get3A_9, %get3A_10] : memref<64x1xf32, #tpu.memory_space<vmem>>, vector<64x1xf32>
    %add3A = vector.broadcast %get3A_11 : vector<64x1xf32> to vector<64x32768xf32>
    %add3A_12 = arith.addf %dot_general3A_8, %add3A : vector<64x32768xf32>
    %max3A_13 = arith.constant 0.000000e+00 : f32
    %max3A_14 = vector.broadcast %max3A_13 : f32 to vector<64x32768xf32>
    %max3A_15 = arith.maximumf %add3A_12, %max3A_14 : vector<64x32768xf32>
    %get3A_16 = arith.constant 0 : index
    %get3A_17 = arith.constant 0 : index
    %get3A_18 = vector.load %arg4[%get3A_16, %get3A_17] : memref<64x1xf32, #tpu.memory_space<vmem>>, vector<64x1xf32>
    %mul3A = vector.broadcast %get3A_18 : vector<64x1xf32> to vector<64x32768xf32>
    %mul3A_19 = arith.mulf %max3A_15, %mul3A : vector<64x32768xf32>
    %reduce_sum3A = arith.constant dense<0.000000e+00> : vector<32768xf32>
    %reduce_sum3A_20 = vector.multi_reduction <add>, %mul3A_19, %reduce_sum3A [0] : vector<64x32768xf32> to vector<32768xf32>
    %broadcast_in_dim3A = vector.shape_cast %reduce_sum3A_20 : vector<32768xf32> to vector<1x32768xf32>
    %get3A_21 = arith.constant 0 : index
    %get3A_22 = arith.constant 0 : index
    %get3A_23 = vector.load %arg5[%get3A_21, %get3A_22] : memref<1x1xf32, #tpu.memory_space<vmem>>, vector<1x1xf32>
    %get3A_24 = vector.extract %get3A_23[0, 0] : f32 from vector<1x1xf32>
    %add3A_25 = vector.broadcast %get3A_24 : f32 to vector<1x32768xf32>
    %add3A_26 = arith.addf %broadcast_in_dim3A, %add3A_25 : vector<1x32768xf32>
    %iota3A = tpu.iota {dimensions = array<i32: 1>} : vector<1x32768xi32>
    %mul3A_27 = arith.constant 32768 : i32
    %mul3A_28 = arith.muli %arg0, %mul3A_27 : i32
    %add3A_29 = vector.broadcast %mul3A_28 : i32 to vector<1x32768xi32>
    %add3A_30 = arith.addi %iota3A, %add3A_29 : vector<1x32768xi32>
    %lt3A = arith.constant 1000000 : i32
    %lt3A_31 = vector.broadcast %lt3A : i32 to vector<1x32768xi32>
    %lt3A_32 = arith.cmpi slt, %add3A_30, %lt3A_31 : vector<1x32768xi32>
    %jit3A = arith.constant 0.000000e+00 : f32
    %broadcast_in_dim3A_33 = vector.broadcast %jit3A : f32 to vector<1x32768xf32>
    %select_n3A = arith.select %lt3A_32, %add3A_26, %broadcast_in_dim3A_33 : vector<1x32768xi1>, vector<1x32768xf32>
    %slice3A = vector.extract_strided_slice %select_n3A {offsets = [0, 0], sizes = [1, 128], strides = [1, 1]} : vector<1x32768xf32> to vector<1x128xf32>
    %swap3A = arith.constant 0 : index
    %swap3A_34 = arith.constant 0 : index
    %swap3A_35 = vector.load %arg6[%swap3A, %swap3A_34] : memref<256x128xf32, #tpu.memory_space<vmem>>, vector<1x128xf32>
    tpu.vector_store %arg6[%swap3A, %swap3A_34], %slice3A {strides = array<i32>} : memref<256x128xf32, #tpu.memory_space<vmem>>, vector<1x128xf32>,
    %slice3A_36 = vector.extract_strided_slice %select_n3A {offsets = [0, 128], sizes = [1, 128], strides = [1, 1]} : vector<1x32768xf32> to vector<1x128xf32>
    %swap3A_37 = arith.constant 1 : index
    %swap3A_38 = arith.constant 0 : index
    %swap3A_39 = vector.load %arg6[%swap3A_37, %swap3A_38] : memref<256x128xf32, #tpu.memory_space<vmem>>, vector<1x128xf32>
    tpu.vector_store %arg6[%swap3A_37, %swap3A_38], %slice3A_36 {strides = array<i32>} : memref<256x128xf32, #tpu.memory_space<vmem>>, vector<1x128xf32>,
    %slice3A_40 = vector.extract_strided_slice %select_n3A {offsets = [0, 256], sizes = [1, 128], strides = [1, 1]} : vector<1x32768xf32> to vector<1x128xf32>
    %swap3A_41 = arith.constant 2 : index
    %swap3A_42 = arith.constant 0 : index
    %swap3A_43 = vector.load %arg6[%swap3A_41, %swap3A_42] : memref<256x128xf32, #tpu.memory_space<vmem>>, vector<1x128xf32>
    tpu.vector_store %arg6[%swap3A_41, %swap3A_42], %slice3A_40 {strides = array<i32>} : memref<256x128xf32, #tpu.memory_space<vmem>>, vector<1x128xf32>,
    %slice3A_44 = vector.extract_strided_slice %select_n3A {offsets = [0, 384], sizes = [1, 128], strides = [1, 1]} : vector<1x32768xf32> to vector<1x128xf32>
    %swap3A_45 = arith.constant 3 : index
    %swap3A_46 = arith.constant 0 : index
    %swap3A_47 = vector.load %arg6[%swap3A_45, %swap3A_46] : memref<256x128xf32, #tpu.memory_space<vmem>>, vector<1x128xf32>
    tpu.vector_store %arg6[%swap3A_45, %swap3A_46], %slice3A_44 {strides = array<i32>} : memref<256x128xf32, #tpu.memory_space<vmem>>, vector<1x128xf32>,
    %slice3A_48 = vector.extract_strided_slice %select_n3A {offsets = [0, 512], sizes = [1, 128], strides = [1, 1]} : vector<1x32768xf32> to vector<1x128xf32>
    %swap3A_49 = arith.constant 4 : index
    %swap3A_50 = arith.constant 0 : index
    %swap3A_51 = vector.load %arg6[%swap3A_49, %swap3A_50] : memref<256x128xf32, #tpu.memory_space<vmem>>, vector<1x128xf32>
    tpu.vector_store %arg6[%swap3A_49, %swap3A_50], %slice3A_48 {strides = array<i32>} : memref<256x128xf32, #tpu.memory_space<vmem>>, vector<1x128xf32>,
    %slice3A_52 = vector.extract_strided_slice %select_n3A {offsets = [0, 640], sizes = [1, 128], strides = [1, 1]} : vector<1x32768xf32> to vector<1x128xf32>
    %swap3A_53 = arith.constant 5 : index
    %swap3A_54 = arith.constant 0 : index
    %swap3A_55 = vector.load %arg6[%swap3A_53, %swap3A_54] : memref<256x128xf32, #tpu.memory_space<vmem>>, vector<1x128xf32>
    tpu.vector_store %arg6[%swap3A_53, %swap3A_54], %slice3A_52 {strides = array<i32>} : memref<256x128xf32, #tpu.memory_space<vmem>>, vector<1x128xf32>,
    %slice3A_56 = vector.extract_strided_slice %select_n3A {offsets = [0, 768], sizes = [1, 128], strides = [1, 1]} : vector<1x32768xf32> to vector<1x128xf32>
    %swap3A_57 = arith.constant 6 : index
    %swap3A_58 = arith.constant 0 : index
    %swap3A_59 = vector.load %arg6[%swap3A_57, %swap3A_58] : memref<256x128xf32, #tpu.memory_space<vmem>>, vector<1x128xf32>
    tpu.vector_store %arg6[%swap3A_57, %swap3A_58], %slice3A_56 {strides = array<i32>} : memref<256x128xf32, #tpu.memory_space<vmem>>, vector<1x128xf32>,
    %slice3A_60 = vector.extract_strided_slice %select_n3A {offsets = [0, 896], sizes = [1, 128], strides = [1, 1]} : vector<1x32768xf32> to vector<1x128xf32>
    %swap3A_61 = arith.constant 7 : index
    %swap3A_62 = arith.constant 0 : index
    %swap3A_63 = vector.load %arg6[%swap3A_61, %swap3A_62] : memref<256x128xf32, #tpu.memory_space<vmem>>, vector<1x128xf32>
    tpu.vector_store %arg6[%swap3A_61, %swap3A_62], %slice3A_60 {strides = array<i32>} : memref<256x128xf32, #tpu.memory_space<vmem>>, vector<1x128xf32>,
    %slice3A_64 = vector.extract_strided_slice %select_n3A {offsets = [0, 1024], sizes = [1, 128], strides = [1, 1]} : vector<1x32768xf32> to vector<1x128xf32>
    %swap3A_65 = arith.constant 8 : index
    %swap3A_66 = arith.constant 0 : index
    %swap3A_67 = vector.load %arg6[%swap3A_65, %swap3A_66] : memref<256x128xf32, #tpu.memory_space<vmem>>, vector<1x128xf32>
    tpu.vector_store %arg6[%swap3A_65, %swap3A_66], %slice3A_64 {strides = array<i32>} : memref<256x128xf32, #tpu.memory_space<vmem>>, vector<1x128xf32>,
    %slice3A_68 = vector.extract_strided_slice %select_n3A {offsets = [0, 1152], sizes = [1, 128], strides = [1, 1]} : vector<1x32768xf32> to vector<1x128xf32>
    %swap3A_69 = arith.constant 9 : index
    %swap3A_70 = arith.constant 0 : index
    %swap3A_71 = vector.load %arg6[%swap3A_69, %swap3A_70] : memref<256x128xf32, #tpu.memory_space<vmem>>, vector<1x128xf32>
    tpu.vector_store %arg6[%swap3A_69, %swap3A_70], %slice3A_68 {strides = array<i32>} : memref<256x128xf32, #tpu.memory_space<vmem>>, vector<1x128xf32>,
    %slice3A_72 = vector.extract_strided_slice %select_n3A {offsets = [0, 1280], sizes = [1, 128], strides = [1, 1]} : vector<1x32768xf32> to vector<1x128xf32>
    %swap3A_73 = arith.constant 10 : index
    %swap3A_74 = arith.constant 0 : index
    %swap3A_75 = vector.load %arg6[%swap3A_73, %swap3A_74] : memref<256x128xf32, #tpu.memory_space<vmem>>, vector<1x128xf32>
    tpu.vector_store %arg6[%swap3A_73, %swap3A_74], %slice3A_72 {strides = array<i32>} : memref<256x128xf32, #tpu.memory_space<vmem>>, vector<1x128xf32>,
    %slice3A_76 = vector.extract_strided_slice %select_n3A {offsets = [0, 1408], sizes = [1, 128], strides = [1, 1]} : vector<1x32768xf32> to vector<1x128xf32>
    %swap3A_77 = arith.constant 11 : index
    %swap3A_78 = arith.constant 0 : index
    %swap3A_79 = vector.load %arg6[%swap3A_77, %swap3A_78] : memref<256x128xf32, #tpu.memory_space<vmem>>, vector<1x128xf32>
    tpu.vector_store %arg6[%swap3A_77, %swap3A_78], %slice3A_76 {strides = array<i32>} : memref<256x128xf32, #tpu.memory_space<vmem>>, vector<1x128xf32>,
    %slice3A_80 = vector.extract_strided_slice %select_n3A {offsets = [0, 1536], sizes = [1, 128], strides = [1, 1]} : vector<1x32768xf32> to vector<1x128xf32>
    %swap3A_81 = arith.constant 12 : index
    %swap3A_82 = arith.constant 0 : index
    %swap3A_83 = vector.load %arg6[%swap3A_81, %swap3A_82] : memref<256x128xf32, #tpu.memory_space<vmem>>, vector<1x128xf32>
    tpu.vector_store %arg6[%swap3A_81, %swap3A_82], %slice3A_80 {strides = array<i32>} : memref<256x128xf32, #tpu.memory_space<vmem>>, vector<1x128xf32>,
    %slice3A_84 = vector.extract_strided_slice %select_n3A {offsets = [0, 1664], sizes = [1, 128], strides = [1, 1]} : vector<1x32768xf32> to vector<1x128xf32>
    %swap3A_85 = arith.constant 13 : index
    %swap3A_86 = arith.constant 0 : index
    %swap3A_87 = vector.load %arg6[%swap3A_85, %swap3A_86] : memref<256x128xf32, #tpu.memory_space<vmem>>, vector<1x128xf32>
    tpu.vector_store %arg6[%swap3A_85, %swap3A_86], %slice3A_84 {strides = array<i32>} : memref<256x128xf32, #tpu.memory_space<vmem>>, vector<1x128xf32>,
    %slice3A_88 = vector.extract_strided_slice %select_n3A {offsets = [0, 1792], sizes = [1, 128], strides = [1, 1]} : vector<1x32768xf32> to vector<1x128xf32>
    %swap3A_89 = arith.constant 14 : index
    %swap3A_90 = arith.constant 0 : index
    %swap3A_91 = vector.load %arg6[%swap3A_89, %swap3A_90] : memref<256x128xf32, #tpu.memory_space<vmem>>, vector<1x128xf32>
    tpu.vector_store %arg6[%swap3A_89, %swap3A_90], %slice3A_88 {strides = array<i32>} : memref<256x128xf32, #tpu.memory_space<vmem>>, vector<1x128xf32>,
    %slice3A_92 = vector.extract_strided_slice %select_n3A {offsets = [0, 1920], sizes = [1, 128], strides = [1, 1]} : vector<1x32768xf32> to vector<1x128xf32>
    %swap3A_93 = arith.constant 15 : index
    %swap3A_94 = arith.constant 0 : index
    %swap3A_95 = vector.load %arg6[%swap3A_93, %swap3A_94] : memref<256x128xf32, #tpu.memory_space<vmem>>, vector<1x128xf32>
    tpu.vector_store %arg6[%swap3A_93, %swap3A_94], %slice3A_92 {strides = array<i32>} : memref<256x128xf32, #tpu.memory_space<vmem>>, vector<1x128xf32>,
    %slice3A_96 = vector.extract_strided_slice %select_n3A {offsets = [0, 2048], sizes = [1, 128], strides = [1, 1]} : vector<1x32768xf32> to vector<1x128xf32>
    %swap3A_97 = arith.constant 16 : index
    %swap3A_98 = arith.constant 0 : index
    %swap3A_99 = vector.load %arg6[%swap3A_97, %swap3A_98] : memref<256x128xf32, #tpu.memory_space<vmem>>, vector<1x128xf32>
    tpu.vector_store %arg6[%swap3A_97, %swap3A_98], %slice3A_96 {strides = array<i32>} : memref<256x128xf32, #tpu.memory_space<vmem>>, vector<1x128xf32>,
    %slice3A_100 = vector.extract_strided_slice %select_n3A {offsets = [0, 2176], sizes = [1, 128], strides = [1, 1]} : vector<1x32768xf32> to vector<1x128xf32>
    %swap3A_101 = arith.constant 17 : index
    %swap3A_102 = arith.constant 0 : index
    %swap3A_103 = vector.load %arg6[%swap3A_101, %swap3A_102] : memref<256x128xf32, #tpu.memory_space<vmem>>, vector<1x128xf32>
    tpu.vector_store %arg6[%swap3A_101, %swap3A_102], %slice3A_100 {strides = array<i32>} : memref<256x128xf32, #tpu.memory_space<vmem>>, vector<1x128xf32>,
    %slice3A_104 = vector.extract_strided_slice %select_n3A {offsets = [0, 2304], sizes = [1, 128], strides = [1, 1]} : vector<1x32768xf32> to vector<1x128xf32>
    %swap3A_105 = arith.constant 18 : index
    %swap3A_106 = arith.constant 0 : index
    %swap3A_107 = vector.load %arg6[%swap3A_105, %swap3A_106] : memref<256x128xf32, #tpu.memory_space<vmem>>, vector<1x128xf32>
    tpu.vector_store %arg6[%swap3A_105, %swap3A_106], %slice3A_104 {strides = array<i32>} : memref<256x128xf32, #tpu.memory_space<vmem>>, vector<1x128xf32>,
    %slice3A_108 = vector.extract_strided_slice %select_n3A {offsets = [0, 2432], sizes = [1, 128], strides = [1, 1]} : vector<1x32768xf32> to vector<1x128xf32>
    %swap3A_109 = arith.constant 19 : index
    %swap3A_110 = arith.constant 0 : index
    %swap3A_111 = vector.load %arg6[%swap3A_109, %swap3A_110] : memref<256x128xf32, #tpu.memory_space<vmem>>, vector<1x128xf32>
    tpu.vector_store %arg6[%swap3A_109, %swap3A_110], %slice3A_108 {strides = array<i32>} : memref<256x128xf32, #tpu.memory_space<vmem>>, vector<1x128xf32>,
    %slice3A_112 = vector.extract_strided_slice %select_n3A {offsets = [0, 2560], sizes = [1, 128], strides = [1, 1]} : vector<1x32768xf32> to vector<1x128xf32>
    %swap3A_113 = arith.constant 20 : index
    %swap3A_114 = arith.constant 0 : index
    %swap3A_115 = vector.load %arg6[%swap3A_113, %swap3A_114] : memref<256x128xf32, #tpu.memory_space<vmem>>, vector<1x128xf32>
    tpu.vector_store %arg6[%swap3A_113, %swap3A_114], %slice3A_112 {strides = array<i32>} : memref<256x128xf32, #tpu.memory_space<vmem>>, vector<1x128xf32>,
    %slice3A_116 = vector.extract_strided_slice %select_n3A {offsets = [0, 2688], sizes = [1, 128], strides = [1, 1]} : vector<1x32768xf32> to vector<1x128xf32>
    %swap3A_117 = arith.constant 21 : index
    %swap3A_118 = arith.constant 0 : index
    %swap3A_119 = vector.load %arg6[%swap3A_117, %swap3A_118] : memref<256x128xf32, #tpu.memory_space<vmem>>, vector<1x128xf32>
    tpu.vector_store %arg6[%swap3A_117, %swap3A_118], %slice3A_116 {strides = array<i32>} : memref<256x128xf32, #tpu.memory_space<vmem>>, vector<1x128xf32>,
    %slice3A_120 = vector.extract_strided_slice %select_n3A {offsets = [0, 2816], sizes = [1, 128], strides = [1, 1]} : vector<1x32768xf32> to vector<1x128xf32>
    %swap3A_121 = arith.constant 22 : index
    %swap3A_122 = arith.constant 0 : index
    %swap3A_123 = vector.load %arg6[%swap3A_121, %swap3A_122] : memref<256x128xf32, #tpu.memory_space<vmem>>, vector<1x128xf32>
    tpu.vector_store %arg6[%swap3A_121, %swap3A_122], %slice3A_120 {strides = array<i32>} : memref<256x128xf32, #tpu.memory_space<vmem>>, vector<1x128xf32>,
    %slice3A_124 = vector.extract_strided_slice %select_n3A {offsets = [0, 2944], sizes = [1, 128], strides = [1, 1]} : vector<1x32768xf32> to vector<1x128xf32>
    %swap3A_125 = arith.constant 23 : index
    %swap3A_126 = arith.constant 0 : index
    %swap3A_127 = vector.load %arg6[%swap3A_125, %swap3A_126] : memref<256x128xf32, #tpu.memory_space<vmem>>, vector<1x128xf32>
    tpu.vector_store %arg6[%swap3A_125, %swap3A_126], %slice3A_124 {strides = array<i32>} : memref<256x128xf32, #tpu.memory_space<vmem>>, vector<1x128xf32>,
    %slice3A_128 = vector.extract_strided_slice %select_n3A {offsets = [0, 3072], sizes = [1, 128], strides = [1, 1]} : vector<1x32768xf32> to vector<1x128xf32>
    %swap3A_129 = arith.constant 24 : index
    %swap3A_130 = arith.constant 0 : index
    %swap3A_131 = vector.load %arg6[%swap3A_129, %swap3A_130] : memref<256x128xf32, #tpu.memory_space<vmem>>, vector<1x128xf32>
    tpu.vector_store %arg6[%swap3A_129, %swap3A_130], %slice3A_128 {strides = array<i32>} : memref<256x128xf32, #tpu.memory_space<vmem>>, vector<1x128xf32>,
    %slice3A_132 = vector.extract_strided_slice %select_n3A {offsets = [0, 3200], sizes = [1, 128], strides = [1, 1]} : vector<1x32768xf32> to vector<1x128xf32>
    %swap3A_133 = arith.constant 25 : index
    %swap3A_134 = arith.constant 0 : index
    %swap3A_135 = vector.load %arg6[%swap3A_133, %swap3A_134] : memref<256x128xf32, #tpu.memory_space<vmem>>, vector<1x128xf32>
    tpu.vector_store %arg6[%swap3A_133, %swap3A_134], %slice3A_132 {strides = array<i32>} : memref<256x128xf32, #tpu.memory_space<vmem>>, vector<1x128xf32>,
    %slice3A_136 = vector.extract_strided_slice %select_n3A {offsets = [0, 3328], sizes = [1, 128], strides = [1, 1]} : vector<1x32768xf32> to vector<1x128xf32>
    %swap3A_137 = arith.constant 26 : index
    %swap3A_138 = arith.constant 0 : index
    %swap3A_139 = vector.load %arg6[%swap3A_137, %swap3A_138] : memref<256x128xf32, #tpu.memory_space<vmem>>, vector<1x128xf32>
    tpu.vector_store %arg6[%swap3A_137, %swap3A_138], %slice3A_136 {strides = array<i32>} : memref<256x128xf32, #tpu.memory_space<vmem>>, vector<1x128xf32>,
    %slice3A_140 = vector.extract_strided_slice %select_n3A {offsets = [0, 3456], sizes = [1, 128], strides = [1, 1]} : vector<1x32768xf32> to vector<1x128xf32>
    %swap3A_141 = arith.constant 27 : index
    %swap3A_142 = arith.constant 0 : index
    %swap3A_143 = vector.load %arg6[%swap3A_141, %swap3A_142] : memref<256x128xf32, #tpu.memory_space<vmem>>, vector<1x128xf32>
    tpu.vector_store %arg6[%swap3A_141, %swap3A_142], %slice3A_140 {strides = array<i32>} : memref<256x128xf32, #tpu.memory_space<vmem>>, vector<1x128xf32>,
    %slice3A_144 = vector.extract_strided_slice %select_n3A {offsets = [0, 3584], sizes = [1, 128], strides = [1, 1]} : vector<1x32768xf32> to vector<1x128xf32>
    %swap3A_145 = arith.constant 28 : index
    %swap3A_146 = arith.constant 0 : index
    %swap3A_147 = vector.load %arg6[%swap3A_145, %swap3A_146] : memref<256x128xf32, #tpu.memory_space<vmem>>, vector<1x128xf32>
    tpu.vector_store %arg6[%swap3A_145, %swap3A_146], %slice3A_144 {strides = array<i32>} : memref<256x128xf32, #tpu.memory_space<vmem>>, vector<1x128xf32>,
    %slice3A_148 = vector.extract_strided_slice %select_n3A {offsets = [0, 3712], sizes = [1, 128], strides = [1, 1]} : vector<1x32768xf32> to vector<1x128xf32>
    %swap3A_149 = arith.constant 29 : index
    %swap3A_150 = arith.constant 0 : index
    %swap3A_151 = vector.load %arg6[%swap3A_149, %swap3A_150] : memref<256x128xf32, #tpu.memory_space<vmem>>, vector<1x128xf32>
    tpu.vector_store %arg6[%swap3A_149, %swap3A_150], %slice3A_148 {strides = array<i32>} : memref<256x128xf32, #tpu.memory_space<vmem>>, vector<1x128xf32>,
    %slice3A_152 = vector.extract_strided_slice %select_n3A {offsets = [0, 3840], sizes = [1, 128], strides = [1, 1]} : vector<1x32768xf32> to vector<1x128xf32>
    %swap3A_153 = arith.constant 30 : index
    %swap3A_154 = arith.constant 0 : index
    %swap3A_155 = vector.load %arg6[%swap3A_153, %swap3A_154] : memref<256x128xf32, #tpu.memory_space<vmem>>, vector<1x128xf32>
    tpu.vector_store %arg6[%swap3A_153, %swap3A_154], %slice3A_152 {strides = array<i32>} : memref<256x128xf32, #tpu.memory_space<vmem>>, vector<1x128xf32>,
    %slice3A_156 = vector.extract_strided_slice %select_n3A {offsets = [0, 3968], sizes = [1, 128], strides = [1, 1]} : vector<1x32768xf32> to vector<1x128xf32>
    %swap3A_157 = arith.constant 31 : index
    %swap3A_158 = arith.constant 0 : index
    %swap3A_159 = vector.load %arg6[%swap3A_157, %swap3A_158] : memref<256x128xf32, #tpu.memory_space<vmem>>, vector<1x128xf32>
    tpu.vector_store %arg6[%swap3A_157, %swap3A_158], %slice3A_156 {strides = array<i32>} : memref<256x128xf32, #tpu.memory_space<vmem>>, vector<1x128xf32>,
    %slice3A_160 = vector.extract_strided_slice %select_n3A {offsets = [0, 4096], sizes = [1, 128], strides = [1, 1]} : vector<1x32768xf32> to vector<1x128xf32>
    %swap3A_161 = arith.constant 32 : index
    %swap3A_162 = arith.constant 0 : index
    %swap3A_163 = vector.load %arg6[%swap3A_161, %swap3A_162] : memref<256x128xf32, #tpu.memory_space<vmem>>, vector<1x128xf32>
    tpu.vector_store %arg6[%swap3A_161, %swap3A_162], %slice3A_160 {strides = array<i32>} : memref<256x128xf32, #tpu.memory_space<vmem>>, vector<1x128xf32>,
    %slice3A_164 = vector.extract_strided_slice %select_n3A {offsets = [0, 4224], sizes = [1, 128], strides = [1, 1]} : vector<1x32768xf32> to vector<1x128xf32>
    %swap3A_165 = arith.constant 33 : index
    %swap3A_166 = arith.constant 0 : index
    %swap3A_167 = vector.load %arg6[%swap3A_165, %swap3A_166] : memref<256x128xf32, #tpu.memory_space<vmem>>, vector<1x128xf32>
    tpu.vector_store %arg6[%swap3A_165, %swap3A_166], %slice3A_164 {strides = array<i32>} : memref<256x128xf32, #tpu.memory_space<vmem>>, vector<1x128xf32>,
    %slice3A_168 = vector.extract_strided_slice %select_n3A {offsets = [0, 4352], sizes = [1, 128], strides = [1, 1]} : vector<1x32768xf32> to vector<1x128xf32>
    %swap3A_169 = arith.constant 34 : index
    %swap3A_170 = arith.constant 0 : index
    %swap3A_171 = vector.load %arg6[%swap3A_169, %swap3A_170] : memref<256x128xf32, #tpu.memory_space<vmem>>, vector<1x128xf32>
    tpu.vector_store %arg6[%swap3A_169, %swap3A_170], %slice3A_168 {strides = array<i32>} : memref<256x128xf32, #tpu.memory_space<vmem>>, vector<1x128xf32>,
    %slice3A_172 = vector.extract_strided_slice %select_n3A {offsets = [0, 4480], sizes = [1, 128], strides = [1, 1]} : vector<1x32768xf32> to vector<1x128xf32>
    %swap3A_173 = arith.constant 35 : index
    %swap3A_174 = arith.constant 0 : index
    %swap3A_175 = vector.load %arg6[%swap3A_173, %swap3A_174] : memref<256x128xf32, #tpu.memory_space<vmem>>, vector<1x128xf32>
    tpu.vector_store %arg6[%swap3A_173, %swap3A_174], %slice3A_172 {strides = array<i32>} : memref<256x128xf32, #tpu.memory_space<vmem>>, vector<1x128xf32>,
    %slice3A_176 = vector.extract_strided_slice %select_n3A {offsets = [0, 4608], sizes = [1, 128], strides = [1, 1]} : vector<1x32768xf32> to vector<1x128xf32>
    %swap3A_177 = arith.constant 36 : index
    %swap3A_178 = arith.constant 0 : index
    %swap3A_179 = vector.load %arg6[%swap3A_177, %swap3A_178] : memref<256x128xf32, #tpu.memory_space<vmem>>, vector<1x128xf32>
    tpu.vector_store %arg6[%swap3A_177, %swap3A_178], %slice3A_176 {strides = array<i32>} : memref<256x128xf32, #tpu.memory_space<vmem>>, vector<1x128xf32>,
    %slice3A_180 = vector.extract_strided_slice %select_n3A {offsets = [0, 4736], sizes = [1, 128], strides = [1, 1]} : vector<1x32768xf32> to vector<1x128xf32>
    %swap3A_181 = arith.constant 37 : index
    %swap3A_182 = arith.constant 0 : index
    %swap3A_183 = vector.load %arg6[%swap3A_181, %swap3A_182] : memref<256x128xf32, #tpu.memory_space<vmem>>, vector<1x128xf32>
    tpu.vector_store %arg6[%swap3A_181, %swap3A_182], %slice3A_180 {strides = array<i32>} : memref<256x128xf32, #tpu.memory_space<vmem>>, vector<1x128xf32>,
    %slice3A_184 = vector.extract_strided_slice %select_n3A {offsets = [0, 4864], sizes = [1, 128], strides = [1, 1]} : vector<1x32768xf32> to vector<1x128xf32>
    %swap3A_185 = arith.constant 38 : index
    %swap3A_186 = arith.constant 0 : index
    %swap3A_187 = vector.load %arg6[%swap3A_185, %swap3A_186] : memref<256x128xf32, #tpu.memory_space<vmem>>, vector<1x128xf32>
    tpu.vector_store %arg6[%swap3A_185, %swap3A_186], %slice3A_184 {strides = array<i32>} : memref<256x128xf32, #tpu.memory_space<vmem>>, vector<1x128xf32>,
    %slice3A_188 = vector.extract_strided_slice %select_n3A {offsets = [0, 4992], sizes = [1, 128], strides = [1, 1]} : vector<1x32768xf32> to vector<1x128xf32>
    %swap3A_189 = arith.constant 39 : index
    %swap3A_190 = arith.constant 0 : index
    %swap3A_191 = vector.load %arg6[%swap3A_189, %swap3A_190] : memref<256x128xf32, #tpu.memory_space<vmem>>, vector<1x128xf32>
    tpu.vector_store %arg6[%swap3A_189, %swap3A_190], %slice3A_188 {strides = array<i32>} : memref<256x128xf32, #tpu.memory_space<vmem>>, vector<1x128xf32>,
    %slice3A_192 = vector.extract_strided_slice %select_n3A {offsets = [0, 5120], sizes = [1, 128], strides = [1, 1]} : vector<1x32768xf32> to vector<1x128xf32>
    %swap3A_193 = arith.constant 40 : index
    %swap3A_194 = arith.constant 0 : index
    %swap3A_195 = vector.load %arg6[%swap3A_193, %swap3A_194] : memref<256x128xf32, #tpu.memory_space<vmem>>, vector<1x128xf32>
    tpu.vector_store %arg6[%swap3A_193, %swap3A_194], %slice3A_192 {strides = array<i32>} : memref<256x128xf32, #tpu.memory_space<vmem>>, vector<1x128xf32>,
    %slice3A_196 = vector.extract_strided_slice %select_n3A {offsets = [0, 5248], sizes = [1, 128], strides = [1, 1]} : vector<1x32768xf32> to vector<1x128xf32>
    %swap3A_197 = arith.constant 41 : index
    %swap3A_198 = arith.constant 0 : index
    %swap3A_199 = vector.load %arg6[%swap3A_197, %swap3A_198] : memref<256x128xf32, #tpu.memory_space<vmem>>, vector<1x128xf32>
    tpu.vector_store %arg6[%swap3A_197, %swap3A_198], %slice3A_196 {strides = array<i32>} : memref<256x128xf32, #tpu.memory_space<vmem>>, vector<1x128xf32>,
    %slice3A_200 = vector.extract_strided_slice %select_n3A {offsets = [0, 5376], sizes = [1, 128], strides = [1, 1]} : vector<1x32768xf32> to vector<1x128xf32>
    %swap3A_201 = arith.constant 42 : index
    %swap3A_202 = arith.constant 0 : index
    %swap3A_203 = vector.load %arg6[%swap3A_201, %swap3A_202] : memref<256x128xf32, #tpu.memory_space<vmem>>, vector<1x128xf32>
    tpu.vector_store %arg6[%swap3A_201, %swap3A_202], %slice3A_200 {strides = array<i32>} : memref<256x128xf32, #tpu.memory_space<vmem>>, vector<1x128xf32>,
    %slice3A_204 = vector.extract_strided_slice %select_n3A {offsets = [0, 5504], sizes = [1, 128], strides = [1, 1]} : vector<1x32768xf32> to vector<1x128xf32>
    %swap3A_205 = arith.constant 43 : index
    %swap3A_206 = arith.constant 0 : index
    %swap3A_207 = vector.load %arg6[%swap3A_205, %swap3A_206] : memref<256x128xf32, #tpu.memory_space<vmem>>, vector<1x128xf32>
    tpu.vector_store %arg6[%swap3A_205, %swap3A_206], %slice3A_204 {strides = array<i32>} : memref<256x128xf32, #tpu.memory_space<vmem>>, vector<1x128xf32>,
    %slice3A_208 = vector.extract_strided_slice %select_n3A {offsets = [0, 5632], sizes = [1, 128], strides = [1, 1]} : vector<1x32768xf32> to vector<1x128xf32>
    %swap3A_209 = arith.constant 44 : index
    %swap3A_210 = arith.constant 0 : index
    %swap3A_211 = vector.load %arg6[%swap3A_209, %swap3A_210] : memref<256x128xf32, #tpu.memory_space<vmem>>, vector<1x128xf32>
    tpu.vector_store %arg6[%swap3A_209, %swap3A_210], %slice3A_208 {strides = array<i32>} : memref<256x128xf32, #tpu.memory_space<vmem>>, vector<1x128xf32>,
    %slice3A_212 = vector.extract_strided_slice %select_n3A {offsets = [0, 5760], sizes = [1, 128], strides = [1, 1]} : vector<1x32768xf32> to vector<1x128xf32>
    %swap3A_213 = arith.constant 45 : index
    %swap3A_214 = arith.constant 0 : index
    %swap3A_215 = vector.load %arg6[%swap3A_213, %swap3A_214] : memref<256x128xf32, #tpu.memory_space<vmem>>, vector<1x128xf32>
    tpu.vector_store %arg6[%swap3A_213, %swap3A_214], %slice3A_212 {strides = array<i32>} : memref<256x128xf32, #tpu.memory_space<vmem>>, vector<1x128xf32>,
    %slice3A_216 = vector.extract_strided_slice %select_n3A {offsets = [0, 5888], sizes = [1, 128], strides = [1, 1]} : vector<1x32768xf32> to vector<1x128xf32>
    %swap3A_217 = arith.constant 46 : index
    %swap3A_218 = arith.constant 0 : index
    %swap3A_219 = vector.load %arg6[%swap3A_217, %swap3A_218] : memref<256x128xf32, #tpu.memory_space<vmem>>, vector<1x128xf32>
    tpu.vector_store %arg6[%swap3A_217, %swap3A_218], %slice3A_216 {strides = array<i32>} : memref<256x128xf32, #tpu.memory_space<vmem>>, vector<1x128xf32>,
    %slice3A_220 = vector.extract_strided_slice %select_n3A {offsets = [0, 6016], sizes = [1, 128], strides = [1, 1]} : vector<1x32768xf32> to vector<1x128xf32>
    %swap3A_221 = arith.constant 47 : index
    %swap3A_222 = arith.constant 0 : index
    %swap3A_223 = vector.load %arg6[%swap3A_221, %swap3A_222] : memref<256x128xf32, #tpu.memory_space<vmem>>, vector<1x128xf32>
    tpu.vector_store %arg6[%swap3A_221, %swap3A_222], %slice3A_220 {strides = array<i32>} : memref<256x128xf32, #tpu.memory_space<vmem>>, vector<1x128xf32>,
    %slice3A_224 = vector.extract_strided_slice %select_n3A {offsets = [0, 6144], sizes = [1, 128], strides = [1, 1]} : vector<1x32768xf32> to vector<1x128xf32>
    %swap3A_225 = arith.constant 48 : index
    %swap3A_226 = arith.constant 0 : index
    %swap3A_227 = vector.load %arg6[%swap3A_225, %swap3A_226] : memref<256x128xf32, #tpu.memory_space<vmem>>, vector<1x128xf32>
    tpu.vector_store %arg6[%swap3A_225, %swap3A_226], %slice3A_224 {strides = array<i32>} : memref<256x128xf32, #tpu.memory_space<vmem>>, vector<1x128xf32>,
    %slice3A_228 = vector.extract_strided_slice %select_n3A {offsets = [0, 6272], sizes = [1, 128], strides = [1, 1]} : vector<1x32768xf32> to vector<1x128xf32>
    %swap3A_229 = arith.constant 49 : index
    %swap3A_230 = arith.constant 0 : index
    %swap3A_231 = vector.load %arg6[%swap3A_229, %swap3A_230] : memref<256x128xf32, #tpu.memory_space<vmem>>, vector<1x128xf32>
    tpu.vector_store %arg6[%swap3A_229, %swap3A_230], %slice3A_228 {strides = array<i32>} : memref<256x128xf32, #tpu.memory_space<vmem>>, vector<1x128xf32>,
    %slice3A_232 = vector.extract_strided_slice %select_n3A {offsets = [0, 6400], sizes = [1, 128], strides = [1, 1]} : vector<1x32768xf32> to vector<1x128xf32>
    %swap3A_233 = arith.constant 50 : index
    %swap3A_234 = arith.constant 0 : index
    %swap3A_235 = vector.load %arg6[%swap3A_233, %swap3A_234] : memref<256x128xf32, #tpu.memory_space<vmem>>, vector<1x128xf32>
    tpu.vector_store %arg6[%swap3A_233, %swap3A_234], %slice3A_232 {strides = array<i32>} : memref<256x128xf32, #tpu.memory_space<vmem>>, vector<1x128xf32>,
    %slice3A_236 = vector.extract_strided_slice %select_n3A {offsets = [0, 6528], sizes = [1, 128], strides = [1, 1]} : vector<1x32768xf32> to vector<1x128xf32>
    %swap3A_237 = arith.constant 51 : index
    %swap3A_238 = arith.constant 0 : index
    %swap3A_239 = vector.load %arg6[%swap3A_237, %swap3A_238] : memref<256x128xf32, #tpu.memory_space<vmem>>, vector<1x128xf32>
    tpu.vector_store %arg6[%swap3A_237, %swap3A_238], %slice3A_236 {strides = array<i32>} : memref<256x128xf32, #tpu.memory_space<vmem>>, vector<1x128xf32>,
    %slice3A_240 = vector.extract_strided_slice %select_n3A {offsets = [0, 6656], sizes = [1, 128], strides = [1, 1]} : vector<1x32768xf32> to vector<1x128xf32>
    %swap3A_241 = arith.constant 52 : index
    %swap3A_242 = arith.constant 0 : index
    %swap3A_243 = vector.load %arg6[%swap3A_241, %swap3A_242] : memref<256x128xf32, #tpu.memory_space<vmem>>, vector<1x128xf32>
    tpu.vector_store %arg6[%swap3A_241, %swap3A_242], %slice3A_240 {strides = array<i32>} : memref<256x128xf32, #tpu.memory_space<vmem>>, vector<1x128xf32>,
    %slice3A_244 = vector.extract_strided_slice %select_n3A {offsets = [0, 6784], sizes = [1, 128], strides = [1, 1]} : vector<1x32768xf32> to vector<1x128xf32>
    %swap3A_245 = arith.constant 53 : index
    %swap3A_246 = arith.constant 0 : index
    %swap3A_247 = vector.load %arg6[%swap3A_245, %swap3A_246] : memref<256x128xf32, #tpu.memory_space<vmem>>, vector<1x128xf32>
    tpu.vector_store %arg6[%swap3A_245, %swap3A_246], %slice3A_244 {strides = array<i32>} : memref<256x128xf32, #tpu.memory_space<vmem>>, vector<1x128xf32>,
    %slice3A_248 = vector.extract_strided_slice %select_n3A {offsets = [0, 6912], sizes = [1, 128], strides = [1, 1]} : vector<1x32768xf32> to vector<1x128xf32>
    %swap3A_249 = arith.constant 54 : index
    %swap3A_250 = arith.constant 0 : index
    %swap3A_251 = vector.load %arg6[%swap3A_249, %swap3A_250] : memref<256x128xf32, #tpu.memory_space<vmem>>, vector<1x128xf32>
    tpu.vector_store %arg6[%swap3A_249, %swap3A_250], %slice3A_248 {strides = array<i32>} : memref<256x128xf32, #tpu.memory_space<vmem>>, vector<1x128xf32>,
    %slice3A_252 = vector.extract_strided_slice %select_n3A {offsets = [0, 7040], sizes = [1, 128], strides = [1, 1]} : vector<1x32768xf32> to vector<1x128xf32>
    %swap3A_253 = arith.constant 55 : index
    %swap3A_254 = arith.constant 0 : index
    %swap3A_255 = vector.load %arg6[%swap3A_253, %swap3A_254] : memref<256x128xf32, #tpu.memory_space<vmem>>, vector<1x128xf32>
    tpu.vector_store %arg6[%swap3A_253, %swap3A_254], %slice3A_252 {strides = array<i32>} : memref<256x128xf32, #tpu.memory_space<vmem>>, vector<1x128xf32>,
    %slice3A_256 = vector.extract_strided_slice %select_n3A {offsets = [0, 7168], sizes = [1, 128], strides = [1, 1]} : vector<1x32768xf32> to vector<1x128xf32>
    %swap3A_257 = arith.constant 56 : index
    %swap3A_258 = arith.constant 0 : index
    %swap3A_259 = vector.load %arg6[%swap3A_257, %swap3A_258] : memref<256x128xf32, #tpu.memory_space<vmem>>, vector<1x128xf32>
    tpu.vector_store %arg6[%swap3A_257, %swap3A_258], %slice3A_256 {strides = array<i32>} : memref<256x128xf32, #tpu.memory_space<vmem>>, vector<1x128xf32>,
    %slice3A_260 = vector.extract_strided_slice %select_n3A {offsets = [0, 7296], sizes = [1, 128], strides = [1, 1]} : vector<1x32768xf32> to vector<1x128xf32>
    %swap3A_261 = arith.constant 57 : index
    %swap3A_262 = arith.constant 0 : index
    %swap3A_263 = vector.load %arg6[%swap3A_261, %swap3A_262] : memref<256x128xf32, #tpu.memory_space<vmem>>, vector<1x128xf32>
    tpu.vector_store %arg6[%swap3A_261, %swap3A_262], %slice3A_260 {strides = array<i32>} : memref<256x128xf32, #tpu.memory_space<vmem>>, vector<1x128xf32>,
    %slice3A_264 = vector.extract_strided_slice %select_n3A {offsets = [0, 7424], sizes = [1, 128], strides = [1, 1]} : vector<1x32768xf32> to vector<1x128xf32>
    %swap3A_265 = arith.constant 58 : index
    %swap3A_266 = arith.constant 0 : index
    %swap3A_267 = vector.load %arg6[%swap3A_265, %swap3A_266] : memref<256x128xf32, #tpu.memory_space<vmem>>, vector<1x128xf32>
    tpu.vector_store %arg6[%swap3A_265, %swap3A_266], %slice3A_264 {strides = array<i32>} : memref<256x128xf32, #tpu.memory_space<vmem>>, vector<1x128xf32>,
    %slice3A_268 = vector.extract_strided_slice %select_n3A {offsets = [0, 7552], sizes = [1, 128], strides = [1, 1]} : vector<1x32768xf32> to vector<1x128xf32>
    %swap3A_269 = arith.constant 59 : index
    %swap3A_270 = arith.constant 0 : index
    %swap3A_271 = vector.load %arg6[%swap3A_269, %swap3A_270] : memref<256x128xf32, #tpu.memory_space<vmem>>, vector<1x128xf32>
    tpu.vector_store %arg6[%swap3A_269, %swap3A_270], %slice3A_268 {strides = array<i32>} : memref<256x128xf32, #tpu.memory_space<vmem>>, vector<1x128xf32>,
    %slice3A_272 = vector.extract_strided_slice %select_n3A {offsets = [0, 7680], sizes = [1, 128], strides = [1, 1]} : vector<1x32768xf32> to vector<1x128xf32>
    %swap3A_273 = arith.constant 60 : index
    %swap3A_274 = arith.constant 0 : index
    %swap3A_275 = vector.load %arg6[%swap3A_273, %swap3A_274] : memref<256x128xf32, #tpu.memory_space<vmem>>, vector<1x128xf32>
    tpu.vector_store %arg6[%swap3A_273, %swap3A_274], %slice3A_272 {strides = array<i32>} : memref<256x128xf32, #tpu.memory_space<vmem>>, vector<1x128xf32>,
    %slice3A_276 = vector.extract_strided_slice %select_n3A {offsets = [0, 7808], sizes = [1, 128], strides = [1, 1]} : vector<1x32768xf32> to vector<1x128xf32>
    %swap3A_277 = arith.constant 61 : index
    %swap3A_278 = arith.constant 0 : index
    %swap3A_279 = vector.load %arg6[%swap3A_277, %swap3A_278] : memref<256x128xf32, #tpu.memory_space<vmem>>, vector<1x128xf32>
    tpu.vector_store %arg6[%swap3A_277, %swap3A_278], %slice3A_276 {strides = array<i32>} : memref<256x128xf32, #tpu.memory_space<vmem>>, vector<1x128xf32>,
    %slice3A_280 = vector.extract_strided_slice %select_n3A {offsets = [0, 7936], sizes = [1, 128], strides = [1, 1]} : vector<1x32768xf32> to vector<1x128xf32>
    %swap3A_281 = arith.constant 62 : index
    %swap3A_282 = arith.constant 0 : index
    %swap3A_283 = vector.load %arg6[%swap3A_281, %swap3A_282] : memref<256x128xf32, #tpu.memory_space<vmem>>, vector<1x128xf32>
    tpu.vector_store %arg6[%swap3A_281, %swap3A_282], %slice3A_280 {strides = array<i32>} : memref<256x128xf32, #tpu.memory_space<vmem>>, vector<1x128xf32>,
    %slice3A_284 = vector.extract_strided_slice %select_n3A {offsets = [0, 8064], sizes = [1, 128], strides = [1, 1]} : vector<1x32768xf32> to vector<1x128xf32>
    %swap3A_285 = arith.constant 63 : index
    %swap3A_286 = arith.constant 0 : index
    %swap3A_287 = vector.load %arg6[%swap3A_285, %swap3A_286] : memref<256x128xf32, #tpu.memory_space<vmem>>, vector<1x128xf32>
    tpu.vector_store %arg6[%swap3A_285, %swap3A_286], %slice3A_284 {strides = array<i32>} : memref<256x128xf32, #tpu.memory_space<vmem>>, vector<1x128xf32>,
    %slice3A_288 = vector.extract_strided_slice %select_n3A {offsets = [0, 8192], sizes = [1, 128], strides = [1, 1]} : vector<1x32768xf32> to vector<1x128xf32>
    %swap3A_289 = arith.constant 64 : index
    %swap3A_290 = arith.constant 0 : index
    %swap3A_291 = vector.load %arg6[%swap3A_289, %swap3A_290] : memref<256x128xf32, #tpu.memory_space<vmem>>, vector<1x128xf32>
    tpu.vector_store %arg6[%swap3A_289, %swap3A_290], %slice3A_288 {strides = array<i32>} : memref<256x128xf32, #tpu.memory_space<vmem>>, vector<1x128xf32>,
    %slice3A_292 = vector.extract_strided_slice %select_n3A {offsets = [0, 8320], sizes = [1, 128], strides = [1, 1]} : vector<1x32768xf32> to vector<1x128xf32>
    %swap3A_293 = arith.constant 65 : index
    %swap3A_294 = arith.constant 0 : index
    %swap3A_295 = vector.load %arg6[%swap3A_293, %swap3A_294] : memref<256x128xf32, #tpu.memory_space<vmem>>, vector<1x128xf32>
    tpu.vector_store %arg6[%swap3A_293, %swap3A_294], %slice3A_292 {strides = array<i32>} : memref<256x128xf32, #tpu.memory_space<vmem>>, vector<1x128xf32>,
    %slice3A_296 = vector.extract_strided_slice %select_n3A {offsets = [0, 8448], sizes = [1, 128], strides = [1, 1]} : vector<1x32768xf32> to vector<1x128xf32>
    %swap3A_297 = arith.constant 66 : index
    %swap3A_298 = arith.constant 0 : index
    %swap3A_299 = vector.load %arg6[%swap3A_297, %swap3A_298] : memref<256x128xf32, #tpu.memory_space<vmem>>, vector<1x128xf32>
    tpu.vector_store %arg6[%swap3A_297, %swap3A_298], %slice3A_296 {strides = array<i32>} : memref<256x128xf32, #tpu.memory_space<vmem>>, vector<1x128xf32>,
    %slice3A_300 = vector.extract_strided_slice %select_n3A {offsets = [0, 8576], sizes = [1, 128], strides = [1, 1]} : vector<1x32768xf32> to vector<1x128xf32>
    %swap3A_301 = arith.constant 67 : index
    %swap3A_302 = arith.constant 0 : index
    %swap3A_303 = vector.load %arg6[%swap3A_301, %swap3A_302] : memref<256x128xf32, #tpu.memory_space<vmem>>, vector<1x128xf32>
    tpu.vector_store %arg6[%swap3A_301, %swap3A_302], %slice3A_300 {strides = array<i32>} : memref<256x128xf32, #tpu.memory_space<vmem>>, vector<1x128xf32>,
    %slice3A_304 = vector.extract_strided_slice %select_n3A {offsets = [0, 8704], sizes = [1, 128], strides = [1, 1]} : vector<1x32768xf32> to vector<1x128xf32>
    %swap3A_305 = arith.constant 68 : index
    %swap3A_306 = arith.constant 0 : index
    %swap3A_307 = vector.load %arg6[%swap3A_305, %swap3A_306] : memref<256x128xf32, #tpu.memory_space<vmem>>, vector<1x128xf32>
    tpu.vector_store %arg6[%swap3A_305, %swap3A_306], %slice3A_304 {strides = array<i32>} : memref<256x128xf32, #tpu.memory_space<vmem>>, vector<1x128xf32>,
    %slice3A_308 = vector.extract_strided_slice %select_n3A {offsets = [0, 8832], sizes = [1, 128], strides = [1, 1]} : vector<1x32768xf32> to vector<1x128xf32>
    %swap3A_309 = arith.constant 69 : index
    %swap3A_310 = arith.constant 0 : index
    %swap3A_311 = vector.load %arg6[%swap3A_309, %swap3A_310] : memref<256x128xf32, #tpu.memory_space<vmem>>, vector<1x128xf32>
    tpu.vector_store %arg6[%swap3A_309, %swap3A_310], %slice3A_308 {strides = array<i32>} : memref<256x128xf32, #tpu.memory_space<vmem>>, vector<1x128xf32>,
    %slice3A_312 = vector.extract_strided_slice %select_n3A {offsets = [0, 8960], sizes = [1, 128], strides = [1, 1]} : vector<1x32768xf32> to vector<1x128xf32>
    %swap3A_313 = arith.constant 70 : index
    %swap3A_314 = arith.constant 0 : index
    %swap3A_315 = vector.load %arg6[%swap3A_313, %swap3A_314] : memref<256x128xf32, #tpu.memory_space<vmem>>, vector<1x128xf32>
    tpu.vector_store %arg6[%swap3A_313, %swap3A_314], %slice3A_312 {strides = array<i32>} : memref<256x128xf32, #tpu.memory_space<vmem>>, vector<1x128xf32>,
    %slice3A_316 = vector.extract_strided_slice %select_n3A {offsets = [0, 9088], sizes = [1, 128], strides = [1, 1]} : vector<1x32768xf32> to vector<1x128xf32>
    %swap3A_317 = arith.constant 71 : index
    %swap3A_318 = arith.constant 0 : index
    %swap3A_319 = vector.load %arg6[%swap3A_317, %swap3A_318] : memref<256x128xf32, #tpu.memory_space<vmem>>, vector<1x128xf32>
    tpu.vector_store %arg6[%swap3A_317, %swap3A_318], %slice3A_316 {strides = array<i32>} : memref<256x128xf32, #tpu.memory_space<vmem>>, vector<1x128xf32>,
    %slice3A_320 = vector.extract_strided_slice %select_n3A {offsets = [0, 9216], sizes = [1, 128], strides = [1, 1]} : vector<1x32768xf32> to vector<1x128xf32>
    %swap3A_321 = arith.constant 72 : index
    %swap3A_322 = arith.constant 0 : index
    %swap3A_323 = vector.load %arg6[%swap3A_321, %swap3A_322] : memref<256x128xf32, #tpu.memory_space<vmem>>, vector<1x128xf32>
    tpu.vector_store %arg6[%swap3A_321, %swap3A_322], %slice3A_320 {strides = array<i32>} : memref<256x128xf32, #tpu.memory_space<vmem>>, vector<1x128xf32>,
    %slice3A_324 = vector.extract_strided_slice %select_n3A {offsets = [0, 9344], sizes = [1, 128], strides = [1, 1]} : vector<1x32768xf32> to vector<1x128xf32>
    %swap3A_325 = arith.constant 73 : index
    %swap3A_326 = arith.constant 0 : index
    %swap3A_327 = vector.load %arg6[%swap3A_325, %swap3A_326] : memref<256x128xf32, #tpu.memory_space<vmem>>, vector<1x128xf32>
    tpu.vector_store %arg6[%swap3A_325, %swap3A_326], %slice3A_324 {strides = array<i32>} : memref<256x128xf32, #tpu.memory_space<vmem>>, vector<1x128xf32>,
    %slice3A_328 = vector.extract_strided_slice %select_n3A {offsets = [0, 9472], sizes = [1, 128], strides = [1, 1]} : vector<1x32768xf32> to vector<1x128xf32>
    %swap3A_329 = arith.constant 74 : index
    %swap3A_330 = arith.constant 0 : index
    %swap3A_331 = vector.load %arg6[%swap3A_329, %swap3A_330] : memref<256x128xf32, #tpu.memory_space<vmem>>, vector<1x128xf32>
    tpu.vector_store %arg6[%swap3A_329, %swap3A_330], %slice3A_328 {strides = array<i32>} : memref<256x128xf32, #tpu.memory_space<vmem>>, vector<1x128xf32>,
    %slice3A_332 = vector.extract_strided_slice %select_n3A {offsets = [0, 9600], sizes = [1, 128], strides = [1, 1]} : vector<1x32768xf32> to vector<1x128xf32>
    %swap3A_333 = arith.constant 75 : index
    %swap3A_334 = arith.constant 0 : index
    %swap3A_335 = vector.load %arg6[%swap3A_333, %swap3A_334] : memref<256x128xf32, #tpu.memory_space<vmem>>, vector<1x128xf32>
    tpu.vector_store %arg6[%swap3A_333, %swap3A_334], %slice3A_332 {strides = array<i32>} : memref<256x128xf32, #tpu.memory_space<vmem>>, vector<1x128xf32>,
    %slice3A_336 = vector.extract_strided_slice %select_n3A {offsets = [0, 9728], sizes = [1, 128], strides = [1, 1]} : vector<1x32768xf32> to vector<1x128xf32>
    %swap3A_337 = arith.constant 76 : index
    %swap3A_338 = arith.constant 0 : index
    %swap3A_339 = vector.load %arg6[%swap3A_337, %swap3A_338] : memref<256x128xf32, #tpu.memory_space<vmem>>, vector<1x128xf32>
    tpu.vector_store %arg6[%swap3A_337, %swap3A_338], %slice3A_336 {strides = array<i32>} : memref<256x128xf32, #tpu.memory_space<vmem>>, vector<1x128xf32>,
    %slice3A_340 = vector.extract_strided_slice %select_n3A {offsets = [0, 9856], sizes = [1, 128], strides = [1, 1]} : vector<1x32768xf32> to vector<1x128xf32>
    %swap3A_341 = arith.constant 77 : index
    %swap3A_342 = arith.constant 0 : index
    %swap3A_343 = vector.load %arg6[%swap3A_341, %swap3A_342] : memref<256x128xf32, #tpu.memory_space<vmem>>, vector<1x128xf32>
    tpu.vector_store %arg6[%swap3A_341, %swap3A_342], %slice3A_340 {strides = array<i32>} : memref<256x128xf32, #tpu.memory_space<vmem>>, vector<1x128xf32>,
    %slice3A_344 = vector.extract_strided_slice %select_n3A {offsets = [0, 9984], sizes = [1, 128], strides = [1, 1]} : vector<1x32768xf32> to vector<1x128xf32>
    %swap3A_345 = arith.constant 78 : index
    %swap3A_346 = arith.constant 0 : index
    %swap3A_347 = vector.load %arg6[%swap3A_345, %swap3A_346] : memref<256x128xf32, #tpu.memory_space<vmem>>, vector<1x128xf32>
    tpu.vector_store %arg6[%swap3A_345, %swap3A_346], %slice3A_344 {strides = array<i32>} : memref<256x128xf32, #tpu.memory_space<vmem>>, vector<1x128xf32>,
    %slice3A_348 = vector.extract_strided_slice %select_n3A {offsets = [0, 10112], sizes = [1, 128], strides = [1, 1]} : vector<1x32768xf32> to vector<1x128xf32>
    %swap3A_349 = arith.constant 79 : index
    %swap3A_350 = arith.constant 0 : index
    %swap3A_351 = vector.load %arg6[%swap3A_349, %swap3A_350] : memref<256x128xf32, #tpu.memory_space<vmem>>, vector<1x128xf32>
    tpu.vector_store %arg6[%swap3A_349, %swap3A_350], %slice3A_348 {strides = array<i32>} : memref<256x128xf32, #tpu.memory_space<vmem>>, vector<1x128xf32>,
    %slice3A_352 = vector.extract_strided_slice %select_n3A {offsets = [0, 10240], sizes = [1, 128], strides = [1, 1]} : vector<1x32768xf32> to vector<1x128xf32>
    %swap3A_353 = arith.constant 80 : index
    %swap3A_354 = arith.constant 0 : index
    %swap3A_355 = vector.load %arg6[%swap3A_353, %swap3A_354] : memref<256x128xf32, #tpu.memory_space<vmem>>, vector<1x128xf32>
    tpu.vector_store %arg6[%swap3A_353, %swap3A_354], %slice3A_352 {strides = array<i32>} : memref<256x128xf32, #tpu.memory_space<vmem>>, vector<1x128xf32>,
    %slice3A_356 = vector.extract_strided_slice %select_n3A {offsets = [0, 10368], sizes = [1, 128], strides = [1, 1]} : vector<1x32768xf32> to vector<1x128xf32>
    %swap3A_357 = arith.constant 81 : index
    %swap3A_358 = arith.constant 0 : index
    %swap3A_359 = vector.load %arg6[%swap3A_357, %swap3A_358] : memref<256x128xf32, #tpu.memory_space<vmem>>, vector<1x128xf32>
    tpu.vector_store %arg6[%swap3A_357, %swap3A_358], %slice3A_356 {strides = array<i32>} : memref<256x128xf32, #tpu.memory_space<vmem>>, vector<1x128xf32>,
    %slice3A_360 = vector.extract_strided_slice %select_n3A {offsets = [0, 10496], sizes = [1, 128], strides = [1, 1]} : vector<1x32768xf32> to vector<1x128xf32>
    %swap3A_361 = arith.constant 82 : index
    %swap3A_362 = arith.constant 0 : index
    %swap3A_363 = vector.load %arg6[%swap3A_361, %swap3A_362] : memref<256x128xf32, #tpu.memory_space<vmem>>, vector<1x128xf32>
    tpu.vector_store %arg6[%swap3A_361, %swap3A_362], %slice3A_360 {strides = array<i32>} : memref<256x128xf32, #tpu.memory_space<vmem>>, vector<1x128xf32>,
    %slice3A_364 = vector.extract_strided_slice %select_n3A {offsets = [0, 10624], sizes = [1, 128], strides = [1, 1]} : vector<1x32768xf32> to vector<1x128xf32>
    %swap3A_365 = arith.constant 83 : index
    %swap3A_366 = arith.constant 0 : index
    %swap3A_367 = vector.load %arg6[%swap3A_365, %swap3A_366] : memref<256x128xf32, #tpu.memory_space<vmem>>, vector<1x128xf32>
    tpu.vector_store %arg6[%swap3A_365, %swap3A_366], %slice3A_364 {strides = array<i32>} : memref<256x128xf32, #tpu.memory_space<vmem>>, vector<1x128xf32>,
    %slice3A_368 = vector.extract_strided_slice %select_n3A {offsets = [0, 10752], sizes = [1, 128], strides = [1, 1]} : vector<1x32768xf32> to vector<1x128xf32>
    %swap3A_369 = arith.constant 84 : index
    %swap3A_370 = arith.constant 0 : index
    %swap3A_371 = vector.load %arg6[%swap3A_369, %swap3A_370] : memref<256x128xf32, #tpu.memory_space<vmem>>, vector<1x128xf32>
    tpu.vector_store %arg6[%swap3A_369, %swap3A_370], %slice3A_368 {strides = array<i32>} : memref<256x128xf32, #tpu.memory_space<vmem>>, vector<1x128xf32>,
    %slice3A_372 = vector.extract_strided_slice %select_n3A {offsets = [0, 10880], sizes = [1, 128], strides = [1, 1]} : vector<1x32768xf32> to vector<1x128xf32>
    %swap3A_373 = arith.constant 85 : index
    %swap3A_374 = arith.constant 0 : index
    %swap3A_375 = vector.load %arg6[%swap3A_373, %swap3A_374] : memref<256x128xf32, #tpu.memory_space<vmem>>, vector<1x128xf32>
    tpu.vector_store %arg6[%swap3A_373, %swap3A_374], %slice3A_372 {strides = array<i32>} : memref<256x128xf32, #tpu.memory_space<vmem>>, vector<1x128xf32>,
    %slice3A_376 = vector.extract_strided_slice %select_n3A {offsets = [0, 11008], sizes = [1, 128], strides = [1, 1]} : vector<1x32768xf32> to vector<1x128xf32>
    %swap3A_377 = arith.constant 86 : index
    %swap3A_378 = arith.constant 0 : index
    %swap3A_379 = vector.load %arg6[%swap3A_377, %swap3A_378] : memref<256x128xf32, #tpu.memory_space<vmem>>, vector<1x128xf32>
    tpu.vector_store %arg6[%swap3A_377, %swap3A_378], %slice3A_376 {strides = array<i32>} : memref<256x128xf32, #tpu.memory_space<vmem>>, vector<1x128xf32>,
    %slice3A_380 = vector.extract_strided_slice %select_n3A {offsets = [0, 11136], sizes = [1, 128], strides = [1, 1]} : vector<1x32768xf32> to vector<1x128xf32>
    %swap3A_381 = arith.constant 87 : index
    %swap3A_382 = arith.constant 0 : index
    %swap3A_383 = vector.load %arg6[%swap3A_381, %swap3A_382] : memref<256x128xf32, #tpu.memory_space<vmem>>, vector<1x128xf32>
    tpu.vector_store %arg6[%swap3A_381, %swap3A_382], %slice3A_380 {strides = array<i32>} : memref<256x128xf32, #tpu.memory_space<vmem>>, vector<1x128xf32>,
    %slice3A_384 = vector.extract_strided_slice %select_n3A {offsets = [0, 11264], sizes = [1, 128], strides = [1, 1]} : vector<1x32768xf32> to vector<1x128xf32>
    %swap3A_385 = arith.constant 88 : index
    %swap3A_386 = arith.constant 0 : index
    %swap3A_387 = vector.load %arg6[%swap3A_385, %swap3A_386] : memref<256x128xf32, #tpu.memory_space<vmem>>, vector<1x128xf32>
    tpu.vector_store %arg6[%swap3A_385, %swap3A_386], %slice3A_384 {strides = array<i32>} : memref<256x128xf32, #tpu.memory_space<vmem>>, vector<1x128xf32>,
    %slice3A_388 = vector.extract_strided_slice %select_n3A {offsets = [0, 11392], sizes = [1, 128], strides = [1, 1]} : vector<1x32768xf32> to vector<1x128xf32>
    %swap3A_389 = arith.constant 89 : index
    %swap3A_390 = arith.constant 0 : index
    %swap3A_391 = vector.load %arg6[%swap3A_389, %swap3A_390] : memref<256x128xf32, #tpu.memory_space<vmem>>, vector<1x128xf32>
    tpu.vector_store %arg6[%swap3A_389, %swap3A_390], %slice3A_388 {strides = array<i32>} : memref<256x128xf32, #tpu.memory_space<vmem>>, vector<1x128xf32>,
    %slice3A_392 = vector.extract_strided_slice %select_n3A {offsets = [0, 11520], sizes = [1, 128], strides = [1, 1]} : vector<1x32768xf32> to vector<1x128xf32>
    %swap3A_393 = arith.constant 90 : index
    %swap3A_394 = arith.constant 0 : index
    %swap3A_395 = vector.load %arg6[%swap3A_393, %swap3A_394] : memref<256x128xf32, #tpu.memory_space<vmem>>, vector<1x128xf32>
    tpu.vector_store %arg6[%swap3A_393, %swap3A_394], %slice3A_392 {strides = array<i32>} : memref<256x128xf32, #tpu.memory_space<vmem>>, vector<1x128xf32>,
    %slice3A_396 = vector.extract_strided_slice %select_n3A {offsets = [0, 11648], sizes = [1, 128], strides = [1, 1]} : vector<1x32768xf32> to vector<1x128xf32>
    %swap3A_397 = arith.constant 91 : index
    %swap3A_398 = arith.constant 0 : index
    %swap3A_399 = vector.load %arg6[%swap3A_397, %swap3A_398] : memref<256x128xf32, #tpu.memory_space<vmem>>, vector<1x128xf32>
    tpu.vector_store %arg6[%swap3A_397, %swap3A_398], %slice3A_396 {strides = array<i32>} : memref<256x128xf32, #tpu.memory_space<vmem>>, vector<1x128xf32>,
    %slice3A_400 = vector.extract_strided_slice %select_n3A {offsets = [0, 11776], sizes = [1, 128], strides = [1, 1]} : vector<1x32768xf32> to vector<1x128xf32>
    %swap3A_401 = arith.constant 92 : index
    %swap3A_402 = arith.constant 0 : index
    %swap3A_403 = vector.load %arg6[%swap3A_401, %swap3A_402] : memref<256x128xf32, #tpu.memory_space<vmem>>, vector<1x128xf32>
    tpu.vector_store %arg6[%swap3A_401, %swap3A_402], %slice3A_400 {strides = array<i32>} : memref<256x128xf32, #tpu.memory_space<vmem>>, vector<1x128xf32>,
    %slice3A_404 = vector.extract_strided_slice %select_n3A {offsets = [0, 11904], sizes = [1, 128], strides = [1, 1]} : vector<1x32768xf32> to vector<1x128xf32>
    %swap3A_405 = arith.constant 93 : index
    %swap3A_406 = arith.constant 0 : index
    %swap3A_407 = vector.load %arg6[%swap3A_405, %swap3A_406] : memref<256x128xf32, #tpu.memory_space<vmem>>, vector<1x128xf32>
    tpu.vector_store %arg6[%swap3A_405, %swap3A_406], %slice3A_404 {strides = array<i32>} : memref<256x128xf32, #tpu.memory_space<vmem>>, vector<1x128xf32>,
    %slice3A_408 = vector.extract_strided_slice %select_n3A {offsets = [0, 12032], sizes = [1, 128], strides = [1, 1]} : vector<1x32768xf32> to vector<1x128xf32>
    %swap3A_409 = arith.constant 94 : index
    %swap3A_410 = arith.constant 0 : index
    %swap3A_411 = vector.load %arg6[%swap3A_409, %swap3A_410] : memref<256x128xf32, #tpu.memory_space<vmem>>, vector<1x128xf32>
    tpu.vector_store %arg6[%swap3A_409, %swap3A_410], %slice3A_408 {strides = array<i32>} : memref<256x128xf32, #tpu.memory_space<vmem>>, vector<1x128xf32>,
    %slice3A_412 = vector.extract_strided_slice %select_n3A {offsets = [0, 12160], sizes = [1, 128], strides = [1, 1]} : vector<1x32768xf32> to vector<1x128xf32>
    %swap3A_413 = arith.constant 95 : index
    %swap3A_414 = arith.constant 0 : index
    %swap3A_415 = vector.load %arg6[%swap3A_413, %swap3A_414] : memref<256x128xf32, #tpu.memory_space<vmem>>, vector<1x128xf32>
    tpu.vector_store %arg6[%swap3A_413, %swap3A_414], %slice3A_412 {strides = array<i32>} : memref<256x128xf32, #tpu.memory_space<vmem>>, vector<1x128xf32>,
    %slice3A_416 = vector.extract_strided_slice %select_n3A {offsets = [0, 12288], sizes = [1, 128], strides = [1, 1]} : vector<1x32768xf32> to vector<1x128xf32>
    %swap3A_417 = arith.constant 96 : index
    %swap3A_418 = arith.constant 0 : index
    %swap3A_419 = vector.load %arg6[%swap3A_417, %swap3A_418] : memref<256x128xf32, #tpu.memory_space<vmem>>, vector<1x128xf32>
    tpu.vector_store %arg6[%swap3A_417, %swap3A_418], %slice3A_416 {strides = array<i32>} : memref<256x128xf32, #tpu.memory_space<vmem>>, vector<1x128xf32>,
    %slice3A_420 = vector.extract_strided_slice %select_n3A {offsets = [0, 12416], sizes = [1, 128], strides = [1, 1]} : vector<1x32768xf32> to vector<1x128xf32>
    %swap3A_421 = arith.constant 97 : index
    %swap3A_422 = arith.constant 0 : index
    %swap3A_423 = vector.load %arg6[%swap3A_421, %swap3A_422] : memref<256x128xf32, #tpu.memory_space<vmem>>, vector<1x128xf32>
    tpu.vector_store %arg6[%swap3A_421, %swap3A_422], %slice3A_420 {strides = array<i32>} : memref<256x128xf32, #tpu.memory_space<vmem>>, vector<1x128xf32>,
    %slice3A_424 = vector.extract_strided_slice %select_n3A {offsets = [0, 12544], sizes = [1, 128], strides = [1, 1]} : vector<1x32768xf32> to vector<1x128xf32>
    %swap3A_425 = arith.constant 98 : index
    %swap3A_426 = arith.constant 0 : index
    %swap3A_427 = vector.load %arg6[%swap3A_425, %swap3A_426] : memref<256x128xf32, #tpu.memory_space<vmem>>, vector<1x128xf32>
    tpu.vector_store %arg6[%swap3A_425, %swap3A_426], %slice3A_424 {strides = array<i32>} : memref<256x128xf32, #tpu.memory_space<vmem>>, vector<1x128xf32>,
    %slice3A_428 = vector.extract_strided_slice %select_n3A {offsets = [0, 12672], sizes = [1, 128], strides = [1, 1]} : vector<1x32768xf32> to vector<1x128xf32>
    %swap3A_429 = arith.constant 99 : index
    %swap3A_430 = arith.constant 0 : index
    %swap3A_431 = vector.load %arg6[%swap3A_429, %swap3A_430] : memref<256x128xf32, #tpu.memory_space<vmem>>, vector<1x128xf32>
    tpu.vector_store %arg6[%swap3A_429, %swap3A_430], %slice3A_428 {strides = array<i32>} : memref<256x128xf32, #tpu.memory_space<vmem>>, vector<1x128xf32>,
    %slice3A_432 = vector.extract_strided_slice %select_n3A {offsets = [0, 12800], sizes = [1, 128], strides = [1, 1]} : vector<1x32768xf32> to vector<1x128xf32>
    %swap3A_433 = arith.constant 100 : index
    %swap3A_434 = arith.constant 0 : index
    %swap3A_435 = vector.load %arg6[%swap3A_433, %swap3A_434] : memref<256x128xf32, #tpu.memory_space<vmem>>, vector<1x128xf32>
    tpu.vector_store %arg6[%swap3A_433, %swap3A_434], %slice3A_432 {strides = array<i32>} : memref<256x128xf32, #tpu.memory_space<vmem>>, vector<1x128xf32>,
    %slice3A_436 = vector.extract_strided_slice %select_n3A {offsets = [0, 12928], sizes = [1, 128], strides = [1, 1]} : vector<1x32768xf32> to vector<1x128xf32>
    %swap3A_437 = arith.constant 101 : index
    %swap3A_438 = arith.constant 0 : index
    %swap3A_439 = vector.load %arg6[%swap3A_437, %swap3A_438] : memref<256x128xf32, #tpu.memory_space<vmem>>, vector<1x128xf32>
    tpu.vector_store %arg6[%swap3A_437, %swap3A_438], %slice3A_436 {strides = array<i32>} : memref<256x128xf32, #tpu.memory_space<vmem>>, vector<1x128xf32>,
    %slice3A_440 = vector.extract_strided_slice %select_n3A {offsets = [0, 13056], sizes = [1, 128], strides = [1, 1]} : vector<1x32768xf32> to vector<1x128xf32>
    %swap3A_441 = arith.constant 102 : index
    %swap3A_442 = arith.constant 0 : index
    %swap3A_443 = vector.load %arg6[%swap3A_441, %swap3A_442] : memref<256x128xf32, #tpu.memory_space<vmem>>, vector<1x128xf32>
    tpu.vector_store %arg6[%swap3A_441, %swap3A_442], %slice3A_440 {strides = array<i32>} : memref<256x128xf32, #tpu.memory_space<vmem>>, vector<1x128xf32>,
    %slice3A_444 = vector.extract_strided_slice %select_n3A {offsets = [0, 13184], sizes = [1, 128], strides = [1, 1]} : vector<1x32768xf32> to vector<1x128xf32>
    %swap3A_445 = arith.constant 103 : index
    %swap3A_446 = arith.constant 0 : index
    %swap3A_447 = vector.load %arg6[%swap3A_445, %swap3A_446] : memref<256x128xf32, #tpu.memory_space<vmem>>, vector<1x128xf32>
    tpu.vector_store %arg6[%swap3A_445, %swap3A_446], %slice3A_444 {strides = array<i32>} : memref<256x128xf32, #tpu.memory_space<vmem>>, vector<1x128xf32>,
    %slice3A_448 = vector.extract_strided_slice %select_n3A {offsets = [0, 13312], sizes = [1, 128], strides = [1, 1]} : vector<1x32768xf32> to vector<1x128xf32>
    %swap3A_449 = arith.constant 104 : index
    %swap3A_450 = arith.constant 0 : index
    %swap3A_451 = vector.load %arg6[%swap3A_449, %swap3A_450] : memref<256x128xf32, #tpu.memory_space<vmem>>, vector<1x128xf32>
    tpu.vector_store %arg6[%swap3A_449, %swap3A_450], %slice3A_448 {strides = array<i32>} : memref<256x128xf32, #tpu.memory_space<vmem>>, vector<1x128xf32>,
    %slice3A_452 = vector.extract_strided_slice %select_n3A {offsets = [0, 13440], sizes = [1, 128], strides = [1, 1]} : vector<1x32768xf32> to vector<1x128xf32>
    %swap3A_453 = arith.constant 105 : index
    %swap3A_454 = arith.constant 0 : index
    %swap3A_455 = vector.load %arg6[%swap3A_453, %swap3A_454] : memref<256x128xf32, #tpu.memory_space<vmem>>, vector<1x128xf32>
    tpu.vector_store %arg6[%swap3A_453, %swap3A_454], %slice3A_452 {strides = array<i32>} : memref<256x128xf32, #tpu.memory_space<vmem>>, vector<1x128xf32>,
    %slice3A_456 = vector.extract_strided_slice %select_n3A {offsets = [0, 13568], sizes = [1, 128], strides = [1, 1]} : vector<1x32768xf32> to vector<1x128xf32>
    %swap3A_457 = arith.constant 106 : index
    %swap3A_458 = arith.constant 0 : index
    %swap3A_459 = vector.load %arg6[%swap3A_457, %swap3A_458] : memref<256x128xf32, #tpu.memory_space<vmem>>, vector<1x128xf32>
    tpu.vector_store %arg6[%swap3A_457, %swap3A_458], %slice3A_456 {strides = array<i32>} : memref<256x128xf32, #tpu.memory_space<vmem>>, vector<1x128xf32>,
    %slice3A_460 = vector.extract_strided_slice %select_n3A {offsets = [0, 13696], sizes = [1, 128], strides = [1, 1]} : vector<1x32768xf32> to vector<1x128xf32>
    %swap3A_461 = arith.constant 107 : index
    %swap3A_462 = arith.constant 0 : index
    %swap3A_463 = vector.load %arg6[%swap3A_461, %swap3A_462] : memref<256x128xf32, #tpu.memory_space<vmem>>, vector<1x128xf32>
    tpu.vector_store %arg6[%swap3A_461, %swap3A_462], %slice3A_460 {strides = array<i32>} : memref<256x128xf32, #tpu.memory_space<vmem>>, vector<1x128xf32>,
    %slice3A_464 = vector.extract_strided_slice %select_n3A {offsets = [0, 13824], sizes = [1, 128], strides = [1, 1]} : vector<1x32768xf32> to vector<1x128xf32>
    %swap3A_465 = arith.constant 108 : index
    %swap3A_466 = arith.constant 0 : index
    %swap3A_467 = vector.load %arg6[%swap3A_465, %swap3A_466] : memref<256x128xf32, #tpu.memory_space<vmem>>, vector<1x128xf32>
    tpu.vector_store %arg6[%swap3A_465, %swap3A_466], %slice3A_464 {strides = array<i32>} : memref<256x128xf32, #tpu.memory_space<vmem>>, vector<1x128xf32>,
    %slice3A_468 = vector.extract_strided_slice %select_n3A {offsets = [0, 13952], sizes = [1, 128], strides = [1, 1]} : vector<1x32768xf32> to vector<1x128xf32>
    %swap3A_469 = arith.constant 109 : index
    %swap3A_470 = arith.constant 0 : index
    %swap3A_471 = vector.load %arg6[%swap3A_469, %swap3A_470] : memref<256x128xf32, #tpu.memory_space<vmem>>, vector<1x128xf32>
    tpu.vector_store %arg6[%swap3A_469, %swap3A_470], %slice3A_468 {strides = array<i32>} : memref<256x128xf32, #tpu.memory_space<vmem>>, vector<1x128xf32>,
    %slice3A_472 = vector.extract_strided_slice %select_n3A {offsets = [0, 14080], sizes = [1, 128], strides = [1, 1]} : vector<1x32768xf32> to vector<1x128xf32>
    %swap3A_473 = arith.constant 110 : index
    %swap3A_474 = arith.constant 0 : index
    %swap3A_475 = vector.load %arg6[%swap3A_473, %swap3A_474] : memref<256x128xf32, #tpu.memory_space<vmem>>, vector<1x128xf32>
    tpu.vector_store %arg6[%swap3A_473, %swap3A_474], %slice3A_472 {strides = array<i32>} : memref<256x128xf32, #tpu.memory_space<vmem>>, vector<1x128xf32>,
    %slice3A_476 = vector.extract_strided_slice %select_n3A {offsets = [0, 14208], sizes = [1, 128], strides = [1, 1]} : vector<1x32768xf32> to vector<1x128xf32>
    %swap3A_477 = arith.constant 111 : index
    %swap3A_478 = arith.constant 0 : index
    %swap3A_479 = vector.load %arg6[%swap3A_477, %swap3A_478] : memref<256x128xf32, #tpu.memory_space<vmem>>, vector<1x128xf32>
    tpu.vector_store %arg6[%swap3A_477, %swap3A_478], %slice3A_476 {strides = array<i32>} : memref<256x128xf32, #tpu.memory_space<vmem>>, vector<1x128xf32>,
    %slice3A_480 = vector.extract_strided_slice %select_n3A {offsets = [0, 14336], sizes = [1, 128], strides = [1, 1]} : vector<1x32768xf32> to vector<1x128xf32>
    %swap3A_481 = arith.constant 112 : index
    %swap3A_482 = arith.constant 0 : index
    %swap3A_483 = vector.load %arg6[%swap3A_481, %swap3A_482] : memref<256x128xf32, #tpu.memory_space<vmem>>, vector<1x128xf32>
    tpu.vector_store %arg6[%swap3A_481, %swap3A_482], %slice3A_480 {strides = array<i32>} : memref<256x128xf32, #tpu.memory_space<vmem>>, vector<1x128xf32>,
    %slice3A_484 = vector.extract_strided_slice %select_n3A {offsets = [0, 14464], sizes = [1, 128], strides = [1, 1]} : vector<1x32768xf32> to vector<1x128xf32>
    %swap3A_485 = arith.constant 113 : index
    %swap3A_486 = arith.constant 0 : index
    %swap3A_487 = vector.load %arg6[%swap3A_485, %swap3A_486] : memref<256x128xf32, #tpu.memory_space<vmem>>, vector<1x128xf32>
    tpu.vector_store %arg6[%swap3A_485, %swap3A_486], %slice3A_484 {strides = array<i32>} : memref<256x128xf32, #tpu.memory_space<vmem>>, vector<1x128xf32>,
    %slice3A_488 = vector.extract_strided_slice %select_n3A {offsets = [0, 14592], sizes = [1, 128], strides = [1, 1]} : vector<1x32768xf32> to vector<1x128xf32>
    %swap3A_489 = arith.constant 114 : index
    %swap3A_490 = arith.constant 0 : index
    %swap3A_491 = vector.load %arg6[%swap3A_489, %swap3A_490] : memref<256x128xf32, #tpu.memory_space<vmem>>, vector<1x128xf32>
    tpu.vector_store %arg6[%swap3A_489, %swap3A_490], %slice3A_488 {strides = array<i32>} : memref<256x128xf32, #tpu.memory_space<vmem>>, vector<1x128xf32>,
    %slice3A_492 = vector.extract_strided_slice %select_n3A {offsets = [0, 14720], sizes = [1, 128], strides = [1, 1]} : vector<1x32768xf32> to vector<1x128xf32>
    %swap3A_493 = arith.constant 115 : index
    %swap3A_494 = arith.constant 0 : index
    %swap3A_495 = vector.load %arg6[%swap3A_493, %swap3A_494] : memref<256x128xf32, #tpu.memory_space<vmem>>, vector<1x128xf32>
    tpu.vector_store %arg6[%swap3A_493, %swap3A_494], %slice3A_492 {strides = array<i32>} : memref<256x128xf32, #tpu.memory_space<vmem>>, vector<1x128xf32>,
    %slice3A_496 = vector.extract_strided_slice %select_n3A {offsets = [0, 14848], sizes = [1, 128], strides = [1, 1]} : vector<1x32768xf32> to vector<1x128xf32>
    %swap3A_497 = arith.constant 116 : index
    %swap3A_498 = arith.constant 0 : index
    %swap3A_499 = vector.load %arg6[%swap3A_497, %swap3A_498] : memref<256x128xf32, #tpu.memory_space<vmem>>, vector<1x128xf32>
    tpu.vector_store %arg6[%swap3A_497, %swap3A_498], %slice3A_496 {strides = array<i32>} : memref<256x128xf32, #tpu.memory_space<vmem>>, vector<1x128xf32>,
    %slice3A_500 = vector.extract_strided_slice %select_n3A {offsets = [0, 14976], sizes = [1, 128], strides = [1, 1]} : vector<1x32768xf32> to vector<1x128xf32>
    %swap3A_501 = arith.constant 117 : index
    %swap3A_502 = arith.constant 0 : index
    %swap3A_503 = vector.load %arg6[%swap3A_501, %swap3A_502] : memref<256x128xf32, #tpu.memory_space<vmem>>, vector<1x128xf32>
    tpu.vector_store %arg6[%swap3A_501, %swap3A_502], %slice3A_500 {strides = array<i32>} : memref<256x128xf32, #tpu.memory_space<vmem>>, vector<1x128xf32>,
    %slice3A_504 = vector.extract_strided_slice %select_n3A {offsets = [0, 15104], sizes = [1, 128], strides = [1, 1]} : vector<1x32768xf32> to vector<1x128xf32>
    %swap3A_505 = arith.constant 118 : index
    %swap3A_506 = arith.constant 0 : index
    %swap3A_507 = vector.load %arg6[%swap3A_505, %swap3A_506] : memref<256x128xf32, #tpu.memory_space<vmem>>, vector<1x128xf32>
    tpu.vector_store %arg6[%swap3A_505, %swap3A_506], %slice3A_504 {strides = array<i32>} : memref<256x128xf32, #tpu.memory_space<vmem>>, vector<1x128xf32>,
    %slice3A_508 = vector.extract_strided_slice %select_n3A {offsets = [0, 15232], sizes = [1, 128], strides = [1, 1]} : vector<1x32768xf32> to vector<1x128xf32>
    %swap3A_509 = arith.constant 119 : index
    %swap3A_510 = arith.constant 0 : index
    %swap3A_511 = vector.load %arg6[%swap3A_509, %swap3A_510] : memref<256x128xf32, #tpu.memory_space<vmem>>, vector<1x128xf32>
    tpu.vector_store %arg6[%swap3A_509, %swap3A_510], %slice3A_508 {strides = array<i32>} : memref<256x128xf32, #tpu.memory_space<vmem>>, vector<1x128xf32>,
    %slice3A_512 = vector.extract_strided_slice %select_n3A {offsets = [0, 15360], sizes = [1, 128], strides = [1, 1]} : vector<1x32768xf32> to vector<1x128xf32>
    %swap3A_513 = arith.constant 120 : index
    %swap3A_514 = arith.constant 0 : index
    %swap3A_515 = vector.load %arg6[%swap3A_513, %swap3A_514] : memref<256x128xf32, #tpu.memory_space<vmem>>, vector<1x128xf32>
    tpu.vector_store %arg6[%swap3A_513, %swap3A_514], %slice3A_512 {strides = array<i32>} : memref<256x128xf32, #tpu.memory_space<vmem>>, vector<1x128xf32>,
    %slice3A_516 = vector.extract_strided_slice %select_n3A {offsets = [0, 15488], sizes = [1, 128], strides = [1, 1]} : vector<1x32768xf32> to vector<1x128xf32>
    %swap3A_517 = arith.constant 121 : index
    %swap3A_518 = arith.constant 0 : index
    %swap3A_519 = vector.load %arg6[%swap3A_517, %swap3A_518] : memref<256x128xf32, #tpu.memory_space<vmem>>, vector<1x128xf32>
    tpu.vector_store %arg6[%swap3A_517, %swap3A_518], %slice3A_516 {strides = array<i32>} : memref<256x128xf32, #tpu.memory_space<vmem>>, vector<1x128xf32>,
    %slice3A_520 = vector.extract_strided_slice %select_n3A {offsets = [0, 15616], sizes = [1, 128], strides = [1, 1]} : vector<1x32768xf32> to vector<1x128xf32>
    %swap3A_521 = arith.constant 122 : index
    %swap3A_522 = arith.constant 0 : index
    %swap3A_523 = vector.load %arg6[%swap3A_521, %swap3A_522] : memref<256x128xf32, #tpu.memory_space<vmem>>, vector<1x128xf32>
    tpu.vector_store %arg6[%swap3A_521, %swap3A_522], %slice3A_520 {strides = array<i32>} : memref<256x128xf32, #tpu.memory_space<vmem>>, vector<1x128xf32>,
    %slice3A_524 = vector.extract_strided_slice %select_n3A {offsets = [0, 15744], sizes = [1, 128], strides = [1, 1]} : vector<1x32768xf32> to vector<1x128xf32>
    %swap3A_525 = arith.constant 123 : index
    %swap3A_526 = arith.constant 0 : index
    %swap3A_527 = vector.load %arg6[%swap3A_525, %swap3A_526] : memref<256x128xf32, #tpu.memory_space<vmem>>, vector<1x128xf32>
    tpu.vector_store %arg6[%swap3A_525, %swap3A_526], %slice3A_524 {strides = array<i32>} : memref<256x128xf32, #tpu.memory_space<vmem>>, vector<1x128xf32>,
    %slice3A_528 = vector.extract_strided_slice %select_n3A {offsets = [0, 15872], sizes = [1, 128], strides = [1, 1]} : vector<1x32768xf32> to vector<1x128xf32>
    %swap3A_529 = arith.constant 124 : index
    %swap3A_530 = arith.constant 0 : index
    %swap3A_531 = vector.load %arg6[%swap3A_529, %swap3A_530] : memref<256x128xf32, #tpu.memory_space<vmem>>, vector<1x128xf32>
    tpu.vector_store %arg6[%swap3A_529, %swap3A_530], %slice3A_528 {strides = array<i32>} : memref<256x128xf32, #tpu.memory_space<vmem>>, vector<1x128xf32>,
    %slice3A_532 = vector.extract_strided_slice %select_n3A {offsets = [0, 16000], sizes = [1, 128], strides = [1, 1]} : vector<1x32768xf32> to vector<1x128xf32>
    %swap3A_533 = arith.constant 125 : index
    %swap3A_534 = arith.constant 0 : index
    %swap3A_535 = vector.load %arg6[%swap3A_533, %swap3A_534] : memref<256x128xf32, #tpu.memory_space<vmem>>, vector<1x128xf32>
    tpu.vector_store %arg6[%swap3A_533, %swap3A_534], %slice3A_532 {strides = array<i32>} : memref<256x128xf32, #tpu.memory_space<vmem>>, vector<1x128xf32>,
    %slice3A_536 = vector.extract_strided_slice %select_n3A {offsets = [0, 16128], sizes = [1, 128], strides = [1, 1]} : vector<1x32768xf32> to vector<1x128xf32>
    %swap3A_537 = arith.constant 126 : index
    %swap3A_538 = arith.constant 0 : index
    %swap3A_539 = vector.load %arg6[%swap3A_537, %swap3A_538] : memref<256x128xf32, #tpu.memory_space<vmem>>, vector<1x128xf32>
    tpu.vector_store %arg6[%swap3A_537, %swap3A_538], %slice3A_536 {strides = array<i32>} : memref<256x128xf32, #tpu.memory_space<vmem>>, vector<1x128xf32>,
    %slice3A_540 = vector.extract_strided_slice %select_n3A {offsets = [0, 16256], sizes = [1, 128], strides = [1, 1]} : vector<1x32768xf32> to vector<1x128xf32>
    %swap3A_541 = arith.constant 127 : index
    %swap3A_542 = arith.constant 0 : index
    %swap3A_543 = vector.load %arg6[%swap3A_541, %swap3A_542] : memref<256x128xf32, #tpu.memory_space<vmem>>, vector<1x128xf32>
    tpu.vector_store %arg6[%swap3A_541, %swap3A_542], %slice3A_540 {strides = array<i32>} : memref<256x128xf32, #tpu.memory_space<vmem>>, vector<1x128xf32>,
    %slice3A_544 = vector.extract_strided_slice %select_n3A {offsets = [0, 16384], sizes = [1, 128], strides = [1, 1]} : vector<1x32768xf32> to vector<1x128xf32>
    %swap3A_545 = arith.constant 128 : index
    %swap3A_546 = arith.constant 0 : index
    %swap3A_547 = vector.load %arg6[%swap3A_545, %swap3A_546] : memref<256x128xf32, #tpu.memory_space<vmem>>, vector<1x128xf32>
    tpu.vector_store %arg6[%swap3A_545, %swap3A_546], %slice3A_544 {strides = array<i32>} : memref<256x128xf32, #tpu.memory_space<vmem>>, vector<1x128xf32>,
    %slice3A_548 = vector.extract_strided_slice %select_n3A {offsets = [0, 16512], sizes = [1, 128], strides = [1, 1]} : vector<1x32768xf32> to vector<1x128xf32>
    %swap3A_549 = arith.constant 129 : index
    %swap3A_550 = arith.constant 0 : index
    %swap3A_551 = vector.load %arg6[%swap3A_549, %swap3A_550] : memref<256x128xf32, #tpu.memory_space<vmem>>, vector<1x128xf32>
    tpu.vector_store %arg6[%swap3A_549, %swap3A_550], %slice3A_548 {strides = array<i32>} : memref<256x128xf32, #tpu.memory_space<vmem>>, vector<1x128xf32>,
    %slice3A_552 = vector.extract_strided_slice %select_n3A {offsets = [0, 16640], sizes = [1, 128], strides = [1, 1]} : vector<1x32768xf32> to vector<1x128xf32>
    %swap3A_553 = arith.constant 130 : index
    %swap3A_554 = arith.constant 0 : index
    %swap3A_555 = vector.load %arg6[%swap3A_553, %swap3A_554] : memref<256x128xf32, #tpu.memory_space<vmem>>, vector<1x128xf32>
    tpu.vector_store %arg6[%swap3A_553, %swap3A_554], %slice3A_552 {strides = array<i32>} : memref<256x128xf32, #tpu.memory_space<vmem>>, vector<1x128xf32>,
    %slice3A_556 = vector.extract_strided_slice %select_n3A {offsets = [0, 16768], sizes = [1, 128], strides = [1, 1]} : vector<1x32768xf32> to vector<1x128xf32>
    %swap3A_557 = arith.constant 131 : index
    %swap3A_558 = arith.constant 0 : index
    %swap3A_559 = vector.load %arg6[%swap3A_557, %swap3A_558] : memref<256x128xf32, #tpu.memory_space<vmem>>, vector<1x128xf32>
    tpu.vector_store %arg6[%swap3A_557, %swap3A_558], %slice3A_556 {strides = array<i32>} : memref<256x128xf32, #tpu.memory_space<vmem>>, vector<1x128xf32>,
    %slice3A_560 = vector.extract_strided_slice %select_n3A {offsets = [0, 16896], sizes = [1, 128], strides = [1, 1]} : vector<1x32768xf32> to vector<1x128xf32>
    %swap3A_561 = arith.constant 132 : index
    %swap3A_562 = arith.constant 0 : index
    %swap3A_563 = vector.load %arg6[%swap3A_561, %swap3A_562] : memref<256x128xf32, #tpu.memory_space<vmem>>, vector<1x128xf32>
    tpu.vector_store %arg6[%swap3A_561, %swap3A_562], %slice3A_560 {strides = array<i32>} : memref<256x128xf32, #tpu.memory_space<vmem>>, vector<1x128xf32>,
    %slice3A_564 = vector.extract_strided_slice %select_n3A {offsets = [0, 17024], sizes = [1, 128], strides = [1, 1]} : vector<1x32768xf32> to vector<1x128xf32>
    %swap3A_565 = arith.constant 133 : index
    %swap3A_566 = arith.constant 0 : index
    %swap3A_567 = vector.load %arg6[%swap3A_565, %swap3A_566] : memref<256x128xf32, #tpu.memory_space<vmem>>, vector<1x128xf32>
    tpu.vector_store %arg6[%swap3A_565, %swap3A_566], %slice3A_564 {strides = array<i32>} : memref<256x128xf32, #tpu.memory_space<vmem>>, vector<1x128xf32>,
    %slice3A_568 = vector.extract_strided_slice %select_n3A {offsets = [0, 17152], sizes = [1, 128], strides = [1, 1]} : vector<1x32768xf32> to vector<1x128xf32>
    %swap3A_569 = arith.constant 134 : index
    %swap3A_570 = arith.constant 0 : index
    %swap3A_571 = vector.load %arg6[%swap3A_569, %swap3A_570] : memref<256x128xf32, #tpu.memory_space<vmem>>, vector<1x128xf32>
    tpu.vector_store %arg6[%swap3A_569, %swap3A_570], %slice3A_568 {strides = array<i32>} : memref<256x128xf32, #tpu.memory_space<vmem>>, vector<1x128xf32>,
    %slice3A_572 = vector.extract_strided_slice %select_n3A {offsets = [0, 17280], sizes = [1, 128], strides = [1, 1]} : vector<1x32768xf32> to vector<1x128xf32>
    %swap3A_573 = arith.constant 135 : index
    %swap3A_574 = arith.constant 0 : index
    %swap3A_575 = vector.load %arg6[%swap3A_573, %swap3A_574] : memref<256x128xf32, #tpu.memory_space<vmem>>, vector<1x128xf32>
    tpu.vector_store %arg6[%swap3A_573, %swap3A_574], %slice3A_572 {strides = array<i32>} : memref<256x128xf32, #tpu.memory_space<vmem>>, vector<1x128xf32>,
    %slice3A_576 = vector.extract_strided_slice %select_n3A {offsets = [0, 17408], sizes = [1, 128], strides = [1, 1]} : vector<1x32768xf32> to vector<1x128xf32>
    %swap3A_577 = arith.constant 136 : index
    %swap3A_578 = arith.constant 0 : index
    %swap3A_579 = vector.load %arg6[%swap3A_577, %swap3A_578] : memref<256x128xf32, #tpu.memory_space<vmem>>, vector<1x128xf32>
    tpu.vector_store %arg6[%swap3A_577, %swap3A_578], %slice3A_576 {strides = array<i32>} : memref<256x128xf32, #tpu.memory_space<vmem>>, vector<1x128xf32>,
    %slice3A_580 = vector.extract_strided_slice %select_n3A {offsets = [0, 17536], sizes = [1, 128], strides = [1, 1]} : vector<1x32768xf32> to vector<1x128xf32>
    %swap3A_581 = arith.constant 137 : index
    %swap3A_582 = arith.constant 0 : index
    %swap3A_583 = vector.load %arg6[%swap3A_581, %swap3A_582] : memref<256x128xf32, #tpu.memory_space<vmem>>, vector<1x128xf32>
    tpu.vector_store %arg6[%swap3A_581, %swap3A_582], %slice3A_580 {strides = array<i32>} : memref<256x128xf32, #tpu.memory_space<vmem>>, vector<1x128xf32>,
    %slice3A_584 = vector.extract_strided_slice %select_n3A {offsets = [0, 17664], sizes = [1, 128], strides = [1, 1]} : vector<1x32768xf32> to vector<1x128xf32>
    %swap3A_585 = arith.constant 138 : index
    %swap3A_586 = arith.constant 0 : index
    %swap3A_587 = vector.load %arg6[%swap3A_585, %swap3A_586] : memref<256x128xf32, #tpu.memory_space<vmem>>, vector<1x128xf32>
    tpu.vector_store %arg6[%swap3A_585, %swap3A_586], %slice3A_584 {strides = array<i32>} : memref<256x128xf32, #tpu.memory_space<vmem>>, vector<1x128xf32>,
    %slice3A_588 = vector.extract_strided_slice %select_n3A {offsets = [0, 17792], sizes = [1, 128], strides = [1, 1]} : vector<1x32768xf32> to vector<1x128xf32>
    %swap3A_589 = arith.constant 139 : index
    %swap3A_590 = arith.constant 0 : index
    %swap3A_591 = vector.load %arg6[%swap3A_589, %swap3A_590] : memref<256x128xf32, #tpu.memory_space<vmem>>, vector<1x128xf32>
    tpu.vector_store %arg6[%swap3A_589, %swap3A_590], %slice3A_588 {strides = array<i32>} : memref<256x128xf32, #tpu.memory_space<vmem>>, vector<1x128xf32>,
    %slice3A_592 = vector.extract_strided_slice %select_n3A {offsets = [0, 17920], sizes = [1, 128], strides = [1, 1]} : vector<1x32768xf32> to vector<1x128xf32>
    %swap3A_593 = arith.constant 140 : index
    %swap3A_594 = arith.constant 0 : index
    %swap3A_595 = vector.load %arg6[%swap3A_593, %swap3A_594] : memref<256x128xf32, #tpu.memory_space<vmem>>, vector<1x128xf32>
    tpu.vector_store %arg6[%swap3A_593, %swap3A_594], %slice3A_592 {strides = array<i32>} : memref<256x128xf32, #tpu.memory_space<vmem>>, vector<1x128xf32>,
    %slice3A_596 = vector.extract_strided_slice %select_n3A {offsets = [0, 18048], sizes = [1, 128], strides = [1, 1]} : vector<1x32768xf32> to vector<1x128xf32>
    %swap3A_597 = arith.constant 141 : index
    %swap3A_598 = arith.constant 0 : index
    %swap3A_599 = vector.load %arg6[%swap3A_597, %swap3A_598] : memref<256x128xf32, #tpu.memory_space<vmem>>, vector<1x128xf32>
    tpu.vector_store %arg6[%swap3A_597, %swap3A_598], %slice3A_596 {strides = array<i32>} : memref<256x128xf32, #tpu.memory_space<vmem>>, vector<1x128xf32>,
    %slice3A_600 = vector.extract_strided_slice %select_n3A {offsets = [0, 18176], sizes = [1, 128], strides = [1, 1]} : vector<1x32768xf32> to vector<1x128xf32>
    %swap3A_601 = arith.constant 142 : index
    %swap3A_602 = arith.constant 0 : index
    %swap3A_603 = vector.load %arg6[%swap3A_601, %swap3A_602] : memref<256x128xf32, #tpu.memory_space<vmem>>, vector<1x128xf32>
    tpu.vector_store %arg6[%swap3A_601, %swap3A_602], %slice3A_600 {strides = array<i32>} : memref<256x128xf32, #tpu.memory_space<vmem>>, vector<1x128xf32>,
    %slice3A_604 = vector.extract_strided_slice %select_n3A {offsets = [0, 18304], sizes = [1, 128], strides = [1, 1]} : vector<1x32768xf32> to vector<1x128xf32>
    %swap3A_605 = arith.constant 143 : index
    %swap3A_606 = arith.constant 0 : index
    %swap3A_607 = vector.load %arg6[%swap3A_605, %swap3A_606] : memref<256x128xf32, #tpu.memory_space<vmem>>, vector<1x128xf32>
    tpu.vector_store %arg6[%swap3A_605, %swap3A_606], %slice3A_604 {strides = array<i32>} : memref<256x128xf32, #tpu.memory_space<vmem>>, vector<1x128xf32>,
    %slice3A_608 = vector.extract_strided_slice %select_n3A {offsets = [0, 18432], sizes = [1, 128], strides = [1, 1]} : vector<1x32768xf32> to vector<1x128xf32>
    %swap3A_609 = arith.constant 144 : index
    %swap3A_610 = arith.constant 0 : index
    %swap3A_611 = vector.load %arg6[%swap3A_609, %swap3A_610] : memref<256x128xf32, #tpu.memory_space<vmem>>, vector<1x128xf32>
    tpu.vector_store %arg6[%swap3A_609, %swap3A_610], %slice3A_608 {strides = array<i32>} : memref<256x128xf32, #tpu.memory_space<vmem>>, vector<1x128xf32>,
    %slice3A_612 = vector.extract_strided_slice %select_n3A {offsets = [0, 18560], sizes = [1, 128], strides = [1, 1]} : vector<1x32768xf32> to vector<1x128xf32>
    %swap3A_613 = arith.constant 145 : index
    %swap3A_614 = arith.constant 0 : index
    %swap3A_615 = vector.load %arg6[%swap3A_613, %swap3A_614] : memref<256x128xf32, #tpu.memory_space<vmem>>, vector<1x128xf32>
    tpu.vector_store %arg6[%swap3A_613, %swap3A_614], %slice3A_612 {strides = array<i32>} : memref<256x128xf32, #tpu.memory_space<vmem>>, vector<1x128xf32>,
    %slice3A_616 = vector.extract_strided_slice %select_n3A {offsets = [0, 18688], sizes = [1, 128], strides = [1, 1]} : vector<1x32768xf32> to vector<1x128xf32>
    %swap3A_617 = arith.constant 146 : index
    %swap3A_618 = arith.constant 0 : index
    %swap3A_619 = vector.load %arg6[%swap3A_617, %swap3A_618] : memref<256x128xf32, #tpu.memory_space<vmem>>, vector<1x128xf32>
    tpu.vector_store %arg6[%swap3A_617, %swap3A_618], %slice3A_616 {strides = array<i32>} : memref<256x128xf32, #tpu.memory_space<vmem>>, vector<1x128xf32>,
    %slice3A_620 = vector.extract_strided_slice %select_n3A {offsets = [0, 18816], sizes = [1, 128], strides = [1, 1]} : vector<1x32768xf32> to vector<1x128xf32>
    %swap3A_621 = arith.constant 147 : index
    %swap3A_622 = arith.constant 0 : index
    %swap3A_623 = vector.load %arg6[%swap3A_621, %swap3A_622] : memref<256x128xf32, #tpu.memory_space<vmem>>, vector<1x128xf32>
    tpu.vector_store %arg6[%swap3A_621, %swap3A_622], %slice3A_620 {strides = array<i32>} : memref<256x128xf32, #tpu.memory_space<vmem>>, vector<1x128xf32>,
    %slice3A_624 = vector.extract_strided_slice %select_n3A {offsets = [0, 18944], sizes = [1, 128], strides = [1, 1]} : vector<1x32768xf32> to vector<1x128xf32>
    %swap3A_625 = arith.constant 148 : index
    %swap3A_626 = arith.constant 0 : index
    %swap3A_627 = vector.load %arg6[%swap3A_625, %swap3A_626] : memref<256x128xf32, #tpu.memory_space<vmem>>, vector<1x128xf32>
    tpu.vector_store %arg6[%swap3A_625, %swap3A_626], %slice3A_624 {strides = array<i32>} : memref<256x128xf32, #tpu.memory_space<vmem>>, vector<1x128xf32>,
    %slice3A_628 = vector.extract_strided_slice %select_n3A {offsets = [0, 19072], sizes = [1, 128], strides = [1, 1]} : vector<1x32768xf32> to vector<1x128xf32>
    %swap3A_629 = arith.constant 149 : index
    %swap3A_630 = arith.constant 0 : index
    %swap3A_631 = vector.load %arg6[%swap3A_629, %swap3A_630] : memref<256x128xf32, #tpu.memory_space<vmem>>, vector<1x128xf32>
    tpu.vector_store %arg6[%swap3A_629, %swap3A_630], %slice3A_628 {strides = array<i32>} : memref<256x128xf32, #tpu.memory_space<vmem>>, vector<1x128xf32>,
    %slice3A_632 = vector.extract_strided_slice %select_n3A {offsets = [0, 19200], sizes = [1, 128], strides = [1, 1]} : vector<1x32768xf32> to vector<1x128xf32>
    %swap3A_633 = arith.constant 150 : index
    %swap3A_634 = arith.constant 0 : index
    %swap3A_635 = vector.load %arg6[%swap3A_633, %swap3A_634] : memref<256x128xf32, #tpu.memory_space<vmem>>, vector<1x128xf32>
    tpu.vector_store %arg6[%swap3A_633, %swap3A_634], %slice3A_632 {strides = array<i32>} : memref<256x128xf32, #tpu.memory_space<vmem>>, vector<1x128xf32>,
    %slice3A_636 = vector.extract_strided_slice %select_n3A {offsets = [0, 19328], sizes = [1, 128], strides = [1, 1]} : vector<1x32768xf32> to vector<1x128xf32>
    %swap3A_637 = arith.constant 151 : index
    %swap3A_638 = arith.constant 0 : index
    %swap3A_639 = vector.load %arg6[%swap3A_637, %swap3A_638] : memref<256x128xf32, #tpu.memory_space<vmem>>, vector<1x128xf32>
    tpu.vector_store %arg6[%swap3A_637, %swap3A_638], %slice3A_636 {strides = array<i32>} : memref<256x128xf32, #tpu.memory_space<vmem>>, vector<1x128xf32>,
    %slice3A_640 = vector.extract_strided_slice %select_n3A {offsets = [0, 19456], sizes = [1, 128], strides = [1, 1]} : vector<1x32768xf32> to vector<1x128xf32>
    %swap3A_641 = arith.constant 152 : index
    %swap3A_642 = arith.constant 0 : index
    %swap3A_643 = vector.load %arg6[%swap3A_641, %swap3A_642] : memref<256x128xf32, #tpu.memory_space<vmem>>, vector<1x128xf32>
    tpu.vector_store %arg6[%swap3A_641, %swap3A_642], %slice3A_640 {strides = array<i32>} : memref<256x128xf32, #tpu.memory_space<vmem>>, vector<1x128xf32>,
    %slice3A_644 = vector.extract_strided_slice %select_n3A {offsets = [0, 19584], sizes = [1, 128], strides = [1, 1]} : vector<1x32768xf32> to vector<1x128xf32>
    %swap3A_645 = arith.constant 153 : index
    %swap3A_646 = arith.constant 0 : index
    %swap3A_647 = vector.load %arg6[%swap3A_645, %swap3A_646] : memref<256x128xf32, #tpu.memory_space<vmem>>, vector<1x128xf32>
    tpu.vector_store %arg6[%swap3A_645, %swap3A_646], %slice3A_644 {strides = array<i32>} : memref<256x128xf32, #tpu.memory_space<vmem>>, vector<1x128xf32>,
    %slice3A_648 = vector.extract_strided_slice %select_n3A {offsets = [0, 19712], sizes = [1, 128], strides = [1, 1]} : vector<1x32768xf32> to vector<1x128xf32>
    %swap3A_649 = arith.constant 154 : index
    %swap3A_650 = arith.constant 0 : index
    %swap3A_651 = vector.load %arg6[%swap3A_649, %swap3A_650] : memref<256x128xf32, #tpu.memory_space<vmem>>, vector<1x128xf32>
    tpu.vector_store %arg6[%swap3A_649, %swap3A_650], %slice3A_648 {strides = array<i32>} : memref<256x128xf32, #tpu.memory_space<vmem>>, vector<1x128xf32>,
    %slice3A_652 = vector.extract_strided_slice %select_n3A {offsets = [0, 19840], sizes = [1, 128], strides = [1, 1]} : vector<1x32768xf32> to vector<1x128xf32>
    %swap3A_653 = arith.constant 155 : index
    %swap3A_654 = arith.constant 0 : index
    %swap3A_655 = vector.load %arg6[%swap3A_653, %swap3A_654] : memref<256x128xf32, #tpu.memory_space<vmem>>, vector<1x128xf32>
    tpu.vector_store %arg6[%swap3A_653, %swap3A_654], %slice3A_652 {strides = array<i32>} : memref<256x128xf32, #tpu.memory_space<vmem>>, vector<1x128xf32>,
    %slice3A_656 = vector.extract_strided_slice %select_n3A {offsets = [0, 19968], sizes = [1, 128], strides = [1, 1]} : vector<1x32768xf32> to vector<1x128xf32>
    %swap3A_657 = arith.constant 156 : index
    %swap3A_658 = arith.constant 0 : index
    %swap3A_659 = vector.load %arg6[%swap3A_657, %swap3A_658] : memref<256x128xf32, #tpu.memory_space<vmem>>, vector<1x128xf32>
    tpu.vector_store %arg6[%swap3A_657, %swap3A_658], %slice3A_656 {strides = array<i32>} : memref<256x128xf32, #tpu.memory_space<vmem>>, vector<1x128xf32>,
    %slice3A_660 = vector.extract_strided_slice %select_n3A {offsets = [0, 20096], sizes = [1, 128], strides = [1, 1]} : vector<1x32768xf32> to vector<1x128xf32>
    %swap3A_661 = arith.constant 157 : index
    %swap3A_662 = arith.constant 0 : index
    %swap3A_663 = vector.load %arg6[%swap3A_661, %swap3A_662] : memref<256x128xf32, #tpu.memory_space<vmem>>, vector<1x128xf32>
    tpu.vector_store %arg6[%swap3A_661, %swap3A_662], %slice3A_660 {strides = array<i32>} : memref<256x128xf32, #tpu.memory_space<vmem>>, vector<1x128xf32>,
    %slice3A_664 = vector.extract_strided_slice %select_n3A {offsets = [0, 20224], sizes = [1, 128], strides = [1, 1]} : vector<1x32768xf32> to vector<1x128xf32>
    %swap3A_665 = arith.constant 158 : index
    %swap3A_666 = arith.constant 0 : index
    %swap3A_667 = vector.load %arg6[%swap3A_665, %swap3A_666] : memref<256x128xf32, #tpu.memory_space<vmem>>, vector<1x128xf32>
    tpu.vector_store %arg6[%swap3A_665, %swap3A_666], %slice3A_664 {strides = array<i32>} : memref<256x128xf32, #tpu.memory_space<vmem>>, vector<1x128xf32>,
    %slice3A_668 = vector.extract_strided_slice %select_n3A {offsets = [0, 20352], sizes = [1, 128], strides = [1, 1]} : vector<1x32768xf32> to vector<1x128xf32>
    %swap3A_669 = arith.constant 159 : index
    %swap3A_670 = arith.constant 0 : index
    %swap3A_671 = vector.load %arg6[%swap3A_669, %swap3A_670] : memref<256x128xf32, #tpu.memory_space<vmem>>, vector<1x128xf32>
    tpu.vector_store %arg6[%swap3A_669, %swap3A_670], %slice3A_668 {strides = array<i32>} : memref<256x128xf32, #tpu.memory_space<vmem>>, vector<1x128xf32>,
    %slice3A_672 = vector.extract_strided_slice %select_n3A {offsets = [0, 20480], sizes = [1, 128], strides = [1, 1]} : vector<1x32768xf32> to vector<1x128xf32>
    %swap3A_673 = arith.constant 160 : index
    %swap3A_674 = arith.constant 0 : index
    %swap3A_675 = vector.load %arg6[%swap3A_673, %swap3A_674] : memref<256x128xf32, #tpu.memory_space<vmem>>, vector<1x128xf32>
    tpu.vector_store %arg6[%swap3A_673, %swap3A_674], %slice3A_672 {strides = array<i32>} : memref<256x128xf32, #tpu.memory_space<vmem>>, vector<1x128xf32>,
    %slice3A_676 = vector.extract_strided_slice %select_n3A {offsets = [0, 20608], sizes = [1, 128], strides = [1, 1]} : vector<1x32768xf32> to vector<1x128xf32>
    %swap3A_677 = arith.constant 161 : index
    %swap3A_678 = arith.constant 0 : index
    %swap3A_679 = vector.load %arg6[%swap3A_677, %swap3A_678] : memref<256x128xf32, #tpu.memory_space<vmem>>, vector<1x128xf32>
    tpu.vector_store %arg6[%swap3A_677, %swap3A_678], %slice3A_676 {strides = array<i32>} : memref<256x128xf32, #tpu.memory_space<vmem>>, vector<1x128xf32>,
    %slice3A_680 = vector.extract_strided_slice %select_n3A {offsets = [0, 20736], sizes = [1, 128], strides = [1, 1]} : vector<1x32768xf32> to vector<1x128xf32>
    %swap3A_681 = arith.constant 162 : index
    %swap3A_682 = arith.constant 0 : index
    %swap3A_683 = vector.load %arg6[%swap3A_681, %swap3A_682] : memref<256x128xf32, #tpu.memory_space<vmem>>, vector<1x128xf32>
    tpu.vector_store %arg6[%swap3A_681, %swap3A_682], %slice3A_680 {strides = array<i32>} : memref<256x128xf32, #tpu.memory_space<vmem>>, vector<1x128xf32>,
    %slice3A_684 = vector.extract_strided_slice %select_n3A {offsets = [0, 20864], sizes = [1, 128], strides = [1, 1]} : vector<1x32768xf32> to vector<1x128xf32>
    %swap3A_685 = arith.constant 163 : index
    %swap3A_686 = arith.constant 0 : index
    %swap3A_687 = vector.load %arg6[%swap3A_685, %swap3A_686] : memref<256x128xf32, #tpu.memory_space<vmem>>, vector<1x128xf32>
    tpu.vector_store %arg6[%swap3A_685, %swap3A_686], %slice3A_684 {strides = array<i32>} : memref<256x128xf32, #tpu.memory_space<vmem>>, vector<1x128xf32>,
    %slice3A_688 = vector.extract_strided_slice %select_n3A {offsets = [0, 20992], sizes = [1, 128], strides = [1, 1]} : vector<1x32768xf32> to vector<1x128xf32>
    %swap3A_689 = arith.constant 164 : index
    %swap3A_690 = arith.constant 0 : index
    %swap3A_691 = vector.load %arg6[%swap3A_689, %swap3A_690] : memref<256x128xf32, #tpu.memory_space<vmem>>, vector<1x128xf32>
    tpu.vector_store %arg6[%swap3A_689, %swap3A_690], %slice3A_688 {strides = array<i32>} : memref<256x128xf32, #tpu.memory_space<vmem>>, vector<1x128xf32>,
    %slice3A_692 = vector.extract_strided_slice %select_n3A {offsets = [0, 21120], sizes = [1, 128], strides = [1, 1]} : vector<1x32768xf32> to vector<1x128xf32>
    %swap3A_693 = arith.constant 165 : index
    %swap3A_694 = arith.constant 0 : index
    %swap3A_695 = vector.load %arg6[%swap3A_693, %swap3A_694] : memref<256x128xf32, #tpu.memory_space<vmem>>, vector<1x128xf32>
    tpu.vector_store %arg6[%swap3A_693, %swap3A_694], %slice3A_692 {strides = array<i32>} : memref<256x128xf32, #tpu.memory_space<vmem>>, vector<1x128xf32>,
    %slice3A_696 = vector.extract_strided_slice %select_n3A {offsets = [0, 21248], sizes = [1, 128], strides = [1, 1]} : vector<1x32768xf32> to vector<1x128xf32>
    %swap3A_697 = arith.constant 166 : index
    %swap3A_698 = arith.constant 0 : index
    %swap3A_699 = vector.load %arg6[%swap3A_697, %swap3A_698] : memref<256x128xf32, #tpu.memory_space<vmem>>, vector<1x128xf32>
    tpu.vector_store %arg6[%swap3A_697, %swap3A_698], %slice3A_696 {strides = array<i32>} : memref<256x128xf32, #tpu.memory_space<vmem>>, vector<1x128xf32>,
    %slice3A_700 = vector.extract_strided_slice %select_n3A {offsets = [0, 21376], sizes = [1, 128], strides = [1, 1]} : vector<1x32768xf32> to vector<1x128xf32>
    %swap3A_701 = arith.constant 167 : index
    %swap3A_702 = arith.constant 0 : index
    %swap3A_703 = vector.load %arg6[%swap3A_701, %swap3A_702] : memref<256x128xf32, #tpu.memory_space<vmem>>, vector<1x128xf32>
    tpu.vector_store %arg6[%swap3A_701, %swap3A_702], %slice3A_700 {strides = array<i32>} : memref<256x128xf32, #tpu.memory_space<vmem>>, vector<1x128xf32>,
    %slice3A_704 = vector.extract_strided_slice %select_n3A {offsets = [0, 21504], sizes = [1, 128], strides = [1, 1]} : vector<1x32768xf32> to vector<1x128xf32>
    %swap3A_705 = arith.constant 168 : index
    %swap3A_706 = arith.constant 0 : index
    %swap3A_707 = vector.load %arg6[%swap3A_705, %swap3A_706] : memref<256x128xf32, #tpu.memory_space<vmem>>, vector<1x128xf32>
    tpu.vector_store %arg6[%swap3A_705, %swap3A_706], %slice3A_704 {strides = array<i32>} : memref<256x128xf32, #tpu.memory_space<vmem>>, vector<1x128xf32>,
    %slice3A_708 = vector.extract_strided_slice %select_n3A {offsets = [0, 21632], sizes = [1, 128], strides = [1, 1]} : vector<1x32768xf32> to vector<1x128xf32>
    %swap3A_709 = arith.constant 169 : index
    %swap3A_710 = arith.constant 0 : index
    %swap3A_711 = vector.load %arg6[%swap3A_709, %swap3A_710] : memref<256x128xf32, #tpu.memory_space<vmem>>, vector<1x128xf32>
    tpu.vector_store %arg6[%swap3A_709, %swap3A_710], %slice3A_708 {strides = array<i32>} : memref<256x128xf32, #tpu.memory_space<vmem>>, vector<1x128xf32>,
    %slice3A_712 = vector.extract_strided_slice %select_n3A {offsets = [0, 21760], sizes = [1, 128], strides = [1, 1]} : vector<1x32768xf32> to vector<1x128xf32>
    %swap3A_713 = arith.constant 170 : index
    %swap3A_714 = arith.constant 0 : index
    %swap3A_715 = vector.load %arg6[%swap3A_713, %swap3A_714] : memref<256x128xf32, #tpu.memory_space<vmem>>, vector<1x128xf32>
    tpu.vector_store %arg6[%swap3A_713, %swap3A_714], %slice3A_712 {strides = array<i32>} : memref<256x128xf32, #tpu.memory_space<vmem>>, vector<1x128xf32>,
    %slice3A_716 = vector.extract_strided_slice %select_n3A {offsets = [0, 21888], sizes = [1, 128], strides = [1, 1]} : vector<1x32768xf32> to vector<1x128xf32>
    %swap3A_717 = arith.constant 171 : index
    %swap3A_718 = arith.constant 0 : index
    %swap3A_719 = vector.load %arg6[%swap3A_717, %swap3A_718] : memref<256x128xf32, #tpu.memory_space<vmem>>, vector<1x128xf32>
    tpu.vector_store %arg6[%swap3A_717, %swap3A_718], %slice3A_716 {strides = array<i32>} : memref<256x128xf32, #tpu.memory_space<vmem>>, vector<1x128xf32>,
    %slice3A_720 = vector.extract_strided_slice %select_n3A {offsets = [0, 22016], sizes = [1, 128], strides = [1, 1]} : vector<1x32768xf32> to vector<1x128xf32>
    %swap3A_721 = arith.constant 172 : index
    %swap3A_722 = arith.constant 0 : index
    %swap3A_723 = vector.load %arg6[%swap3A_721, %swap3A_722] : memref<256x128xf32, #tpu.memory_space<vmem>>, vector<1x128xf32>
    tpu.vector_store %arg6[%swap3A_721, %swap3A_722], %slice3A_720 {strides = array<i32>} : memref<256x128xf32, #tpu.memory_space<vmem>>, vector<1x128xf32>,
    %slice3A_724 = vector.extract_strided_slice %select_n3A {offsets = [0, 22144], sizes = [1, 128], strides = [1, 1]} : vector<1x32768xf32> to vector<1x128xf32>
    %swap3A_725 = arith.constant 173 : index
    %swap3A_726 = arith.constant 0 : index
    %swap3A_727 = vector.load %arg6[%swap3A_725, %swap3A_726] : memref<256x128xf32, #tpu.memory_space<vmem>>, vector<1x128xf32>
    tpu.vector_store %arg6[%swap3A_725, %swap3A_726], %slice3A_724 {strides = array<i32>} : memref<256x128xf32, #tpu.memory_space<vmem>>, vector<1x128xf32>,
    %slice3A_728 = vector.extract_strided_slice %select_n3A {offsets = [0, 22272], sizes = [1, 128], strides = [1, 1]} : vector<1x32768xf32> to vector<1x128xf32>
    %swap3A_729 = arith.constant 174 : index
    %swap3A_730 = arith.constant 0 : index
    %swap3A_731 = vector.load %arg6[%swap3A_729, %swap3A_730] : memref<256x128xf32, #tpu.memory_space<vmem>>, vector<1x128xf32>
    tpu.vector_store %arg6[%swap3A_729, %swap3A_730], %slice3A_728 {strides = array<i32>} : memref<256x128xf32, #tpu.memory_space<vmem>>, vector<1x128xf32>,
    %slice3A_732 = vector.extract_strided_slice %select_n3A {offsets = [0, 22400], sizes = [1, 128], strides = [1, 1]} : vector<1x32768xf32> to vector<1x128xf32>
    %swap3A_733 = arith.constant 175 : index
    %swap3A_734 = arith.constant 0 : index
    %swap3A_735 = vector.load %arg6[%swap3A_733, %swap3A_734] : memref<256x128xf32, #tpu.memory_space<vmem>>, vector<1x128xf32>
    tpu.vector_store %arg6[%swap3A_733, %swap3A_734], %slice3A_732 {strides = array<i32>} : memref<256x128xf32, #tpu.memory_space<vmem>>, vector<1x128xf32>,
    %slice3A_736 = vector.extract_strided_slice %select_n3A {offsets = [0, 22528], sizes = [1, 128], strides = [1, 1]} : vector<1x32768xf32> to vector<1x128xf32>
    %swap3A_737 = arith.constant 176 : index
    %swap3A_738 = arith.constant 0 : index
    %swap3A_739 = vector.load %arg6[%swap3A_737, %swap3A_738] : memref<256x128xf32, #tpu.memory_space<vmem>>, vector<1x128xf32>
    tpu.vector_store %arg6[%swap3A_737, %swap3A_738], %slice3A_736 {strides = array<i32>} : memref<256x128xf32, #tpu.memory_space<vmem>>, vector<1x128xf32>,
    %slice3A_740 = vector.extract_strided_slice %select_n3A {offsets = [0, 22656], sizes = [1, 128], strides = [1, 1]} : vector<1x32768xf32> to vector<1x128xf32>
    %swap3A_741 = arith.constant 177 : index
    %swap3A_742 = arith.constant 0 : index
    %swap3A_743 = vector.load %arg6[%swap3A_741, %swap3A_742] : memref<256x128xf32, #tpu.memory_space<vmem>>, vector<1x128xf32>
    tpu.vector_store %arg6[%swap3A_741, %swap3A_742], %slice3A_740 {strides = array<i32>} : memref<256x128xf32, #tpu.memory_space<vmem>>, vector<1x128xf32>,
    %slice3A_744 = vector.extract_strided_slice %select_n3A {offsets = [0, 22784], sizes = [1, 128], strides = [1, 1]} : vector<1x32768xf32> to vector<1x128xf32>
    %swap3A_745 = arith.constant 178 : index
    %swap3A_746 = arith.constant 0 : index
    %swap3A_747 = vector.load %arg6[%swap3A_745, %swap3A_746] : memref<256x128xf32, #tpu.memory_space<vmem>>, vector<1x128xf32>
    tpu.vector_store %arg6[%swap3A_745, %swap3A_746], %slice3A_744 {strides = array<i32>} : memref<256x128xf32, #tpu.memory_space<vmem>>, vector<1x128xf32>,
    %slice3A_748 = vector.extract_strided_slice %select_n3A {offsets = [0, 22912], sizes = [1, 128], strides = [1, 1]} : vector<1x32768xf32> to vector<1x128xf32>
    %swap3A_749 = arith.constant 179 : index
    %swap3A_750 = arith.constant 0 : index
    %swap3A_751 = vector.load %arg6[%swap3A_749, %swap3A_750] : memref<256x128xf32, #tpu.memory_space<vmem>>, vector<1x128xf32>
    tpu.vector_store %arg6[%swap3A_749, %swap3A_750], %slice3A_748 {strides = array<i32>} : memref<256x128xf32, #tpu.memory_space<vmem>>, vector<1x128xf32>,
    %slice3A_752 = vector.extract_strided_slice %select_n3A {offsets = [0, 23040], sizes = [1, 128], strides = [1, 1]} : vector<1x32768xf32> to vector<1x128xf32>
    %swap3A_753 = arith.constant 180 : index
    %swap3A_754 = arith.constant 0 : index
    %swap3A_755 = vector.load %arg6[%swap3A_753, %swap3A_754] : memref<256x128xf32, #tpu.memory_space<vmem>>, vector<1x128xf32>
    tpu.vector_store %arg6[%swap3A_753, %swap3A_754], %slice3A_752 {strides = array<i32>} : memref<256x128xf32, #tpu.memory_space<vmem>>, vector<1x128xf32>,
    %slice3A_756 = vector.extract_strided_slice %select_n3A {offsets = [0, 23168], sizes = [1, 128], strides = [1, 1]} : vector<1x32768xf32> to vector<1x128xf32>
    %swap3A_757 = arith.constant 181 : index
    %swap3A_758 = arith.constant 0 : index
    %swap3A_759 = vector.load %arg6[%swap3A_757, %swap3A_758] : memref<256x128xf32, #tpu.memory_space<vmem>>, vector<1x128xf32>
    tpu.vector_store %arg6[%swap3A_757, %swap3A_758], %slice3A_756 {strides = array<i32>} : memref<256x128xf32, #tpu.memory_space<vmem>>, vector<1x128xf32>,
    %slice3A_760 = vector.extract_strided_slice %select_n3A {offsets = [0, 23296], sizes = [1, 128], strides = [1, 1]} : vector<1x32768xf32> to vector<1x128xf32>
    %swap3A_761 = arith.constant 182 : index
    %swap3A_762 = arith.constant 0 : index
    %swap3A_763 = vector.load %arg6[%swap3A_761, %swap3A_762] : memref<256x128xf32, #tpu.memory_space<vmem>>, vector<1x128xf32>
    tpu.vector_store %arg6[%swap3A_761, %swap3A_762], %slice3A_760 {strides = array<i32>} : memref<256x128xf32, #tpu.memory_space<vmem>>, vector<1x128xf32>,
    %slice3A_764 = vector.extract_strided_slice %select_n3A {offsets = [0, 23424], sizes = [1, 128], strides = [1, 1]} : vector<1x32768xf32> to vector<1x128xf32>
    %swap3A_765 = arith.constant 183 : index
    %swap3A_766 = arith.constant 0 : index
    %swap3A_767 = vector.load %arg6[%swap3A_765, %swap3A_766] : memref<256x128xf32, #tpu.memory_space<vmem>>, vector<1x128xf32>
    tpu.vector_store %arg6[%swap3A_765, %swap3A_766], %slice3A_764 {strides = array<i32>} : memref<256x128xf32, #tpu.memory_space<vmem>>, vector<1x128xf32>,
    %slice3A_768 = vector.extract_strided_slice %select_n3A {offsets = [0, 23552], sizes = [1, 128], strides = [1, 1]} : vector<1x32768xf32> to vector<1x128xf32>
    %swap3A_769 = arith.constant 184 : index
    %swap3A_770 = arith.constant 0 : index
    %swap3A_771 = vector.load %arg6[%swap3A_769, %swap3A_770] : memref<256x128xf32, #tpu.memory_space<vmem>>, vector<1x128xf32>
    tpu.vector_store %arg6[%swap3A_769, %swap3A_770], %slice3A_768 {strides = array<i32>} : memref<256x128xf32, #tpu.memory_space<vmem>>, vector<1x128xf32>,
    %slice3A_772 = vector.extract_strided_slice %select_n3A {offsets = [0, 23680], sizes = [1, 128], strides = [1, 1]} : vector<1x32768xf32> to vector<1x128xf32>
    %swap3A_773 = arith.constant 185 : index
    %swap3A_774 = arith.constant 0 : index
    %swap3A_775 = vector.load %arg6[%swap3A_773, %swap3A_774] : memref<256x128xf32, #tpu.memory_space<vmem>>, vector<1x128xf32>
    tpu.vector_store %arg6[%swap3A_773, %swap3A_774], %slice3A_772 {strides = array<i32>} : memref<256x128xf32, #tpu.memory_space<vmem>>, vector<1x128xf32>,
    %slice3A_776 = vector.extract_strided_slice %select_n3A {offsets = [0, 23808], sizes = [1, 128], strides = [1, 1]} : vector<1x32768xf32> to vector<1x128xf32>
    %swap3A_777 = arith.constant 186 : index
    %swap3A_778 = arith.constant 0 : index
    %swap3A_779 = vector.load %arg6[%swap3A_777, %swap3A_778] : memref<256x128xf32, #tpu.memory_space<vmem>>, vector<1x128xf32>
    tpu.vector_store %arg6[%swap3A_777, %swap3A_778], %slice3A_776 {strides = array<i32>} : memref<256x128xf32, #tpu.memory_space<vmem>>, vector<1x128xf32>,
    %slice3A_780 = vector.extract_strided_slice %select_n3A {offsets = [0, 23936], sizes = [1, 128], strides = [1, 1]} : vector<1x32768xf32> to vector<1x128xf32>
    %swap3A_781 = arith.constant 187 : index
    %swap3A_782 = arith.constant 0 : index
    %swap3A_783 = vector.load %arg6[%swap3A_781, %swap3A_782] : memref<256x128xf32, #tpu.memory_space<vmem>>, vector<1x128xf32>
    tpu.vector_store %arg6[%swap3A_781, %swap3A_782], %slice3A_780 {strides = array<i32>} : memref<256x128xf32, #tpu.memory_space<vmem>>, vector<1x128xf32>,
    %slice3A_784 = vector.extract_strided_slice %select_n3A {offsets = [0, 24064], sizes = [1, 128], strides = [1, 1]} : vector<1x32768xf32> to vector<1x128xf32>
    %swap3A_785 = arith.constant 188 : index
    %swap3A_786 = arith.constant 0 : index
    %swap3A_787 = vector.load %arg6[%swap3A_785, %swap3A_786] : memref<256x128xf32, #tpu.memory_space<vmem>>, vector<1x128xf32>
    tpu.vector_store %arg6[%swap3A_785, %swap3A_786], %slice3A_784 {strides = array<i32>} : memref<256x128xf32, #tpu.memory_space<vmem>>, vector<1x128xf32>,
    %slice3A_788 = vector.extract_strided_slice %select_n3A {offsets = [0, 24192], sizes = [1, 128], strides = [1, 1]} : vector<1x32768xf32> to vector<1x128xf32>
    %swap3A_789 = arith.constant 189 : index
    %swap3A_790 = arith.constant 0 : index
    %swap3A_791 = vector.load %arg6[%swap3A_789, %swap3A_790] : memref<256x128xf32, #tpu.memory_space<vmem>>, vector<1x128xf32>
    tpu.vector_store %arg6[%swap3A_789, %swap3A_790], %slice3A_788 {strides = array<i32>} : memref<256x128xf32, #tpu.memory_space<vmem>>, vector<1x128xf32>,
    %slice3A_792 = vector.extract_strided_slice %select_n3A {offsets = [0, 24320], sizes = [1, 128], strides = [1, 1]} : vector<1x32768xf32> to vector<1x128xf32>
    %swap3A_793 = arith.constant 190 : index
    %swap3A_794 = arith.constant 0 : index
    %swap3A_795 = vector.load %arg6[%swap3A_793, %swap3A_794] : memref<256x128xf32, #tpu.memory_space<vmem>>, vector<1x128xf32>
    tpu.vector_store %arg6[%swap3A_793, %swap3A_794], %slice3A_792 {strides = array<i32>} : memref<256x128xf32, #tpu.memory_space<vmem>>, vector<1x128xf32>,
    %slice3A_796 = vector.extract_strided_slice %select_n3A {offsets = [0, 24448], sizes = [1, 128], strides = [1, 1]} : vector<1x32768xf32> to vector<1x128xf32>
    %swap3A_797 = arith.constant 191 : index
    %swap3A_798 = arith.constant 0 : index
    %swap3A_799 = vector.load %arg6[%swap3A_797, %swap3A_798] : memref<256x128xf32, #tpu.memory_space<vmem>>, vector<1x128xf32>
    tpu.vector_store %arg6[%swap3A_797, %swap3A_798], %slice3A_796 {strides = array<i32>} : memref<256x128xf32, #tpu.memory_space<vmem>>, vector<1x128xf32>,
    %slice3A_800 = vector.extract_strided_slice %select_n3A {offsets = [0, 24576], sizes = [1, 128], strides = [1, 1]} : vector<1x32768xf32> to vector<1x128xf32>
    %swap3A_801 = arith.constant 192 : index
    %swap3A_802 = arith.constant 0 : index
    %swap3A_803 = vector.load %arg6[%swap3A_801, %swap3A_802] : memref<256x128xf32, #tpu.memory_space<vmem>>, vector<1x128xf32>
    tpu.vector_store %arg6[%swap3A_801, %swap3A_802], %slice3A_800 {strides = array<i32>} : memref<256x128xf32, #tpu.memory_space<vmem>>, vector<1x128xf32>,
    %slice3A_804 = vector.extract_strided_slice %select_n3A {offsets = [0, 24704], sizes = [1, 128], strides = [1, 1]} : vector<1x32768xf32> to vector<1x128xf32>
    %swap3A_805 = arith.constant 193 : index
    %swap3A_806 = arith.constant 0 : index
    %swap3A_807 = vector.load %arg6[%swap3A_805, %swap3A_806] : memref<256x128xf32, #tpu.memory_space<vmem>>, vector<1x128xf32>
    tpu.vector_store %arg6[%swap3A_805, %swap3A_806], %slice3A_804 {strides = array<i32>} : memref<256x128xf32, #tpu.memory_space<vmem>>, vector<1x128xf32>,
    %slice3A_808 = vector.extract_strided_slice %select_n3A {offsets = [0, 24832], sizes = [1, 128], strides = [1, 1]} : vector<1x32768xf32> to vector<1x128xf32>
    %swap3A_809 = arith.constant 194 : index
    %swap3A_810 = arith.constant 0 : index
    %swap3A_811 = vector.load %arg6[%swap3A_809, %swap3A_810] : memref<256x128xf32, #tpu.memory_space<vmem>>, vector<1x128xf32>
    tpu.vector_store %arg6[%swap3A_809, %swap3A_810], %slice3A_808 {strides = array<i32>} : memref<256x128xf32, #tpu.memory_space<vmem>>, vector<1x128xf32>,
    %slice3A_812 = vector.extract_strided_slice %select_n3A {offsets = [0, 24960], sizes = [1, 128], strides = [1, 1]} : vector<1x32768xf32> to vector<1x128xf32>
    %swap3A_813 = arith.constant 195 : index
    %swap3A_814 = arith.constant 0 : index
    %swap3A_815 = vector.load %arg6[%swap3A_813, %swap3A_814] : memref<256x128xf32, #tpu.memory_space<vmem>>, vector<1x128xf32>
    tpu.vector_store %arg6[%swap3A_813, %swap3A_814], %slice3A_812 {strides = array<i32>} : memref<256x128xf32, #tpu.memory_space<vmem>>, vector<1x128xf32>,
    %slice3A_816 = vector.extract_strided_slice %select_n3A {offsets = [0, 25088], sizes = [1, 128], strides = [1, 1]} : vector<1x32768xf32> to vector<1x128xf32>
    %swap3A_817 = arith.constant 196 : index
    %swap3A_818 = arith.constant 0 : index
    %swap3A_819 = vector.load %arg6[%swap3A_817, %swap3A_818] : memref<256x128xf32, #tpu.memory_space<vmem>>, vector<1x128xf32>
    tpu.vector_store %arg6[%swap3A_817, %swap3A_818], %slice3A_816 {strides = array<i32>} : memref<256x128xf32, #tpu.memory_space<vmem>>, vector<1x128xf32>,
    %slice3A_820 = vector.extract_strided_slice %select_n3A {offsets = [0, 25216], sizes = [1, 128], strides = [1, 1]} : vector<1x32768xf32> to vector<1x128xf32>
    %swap3A_821 = arith.constant 197 : index
    %swap3A_822 = arith.constant 0 : index
    %swap3A_823 = vector.load %arg6[%swap3A_821, %swap3A_822] : memref<256x128xf32, #tpu.memory_space<vmem>>, vector<1x128xf32>
    tpu.vector_store %arg6[%swap3A_821, %swap3A_822], %slice3A_820 {strides = array<i32>} : memref<256x128xf32, #tpu.memory_space<vmem>>, vector<1x128xf32>,
    %slice3A_824 = vector.extract_strided_slice %select_n3A {offsets = [0, 25344], sizes = [1, 128], strides = [1, 1]} : vector<1x32768xf32> to vector<1x128xf32>
    %swap3A_825 = arith.constant 198 : index
    %swap3A_826 = arith.constant 0 : index
    %swap3A_827 = vector.load %arg6[%swap3A_825, %swap3A_826] : memref<256x128xf32, #tpu.memory_space<vmem>>, vector<1x128xf32>
    tpu.vector_store %arg6[%swap3A_825, %swap3A_826], %slice3A_824 {strides = array<i32>} : memref<256x128xf32, #tpu.memory_space<vmem>>, vector<1x128xf32>,
    %slice3A_828 = vector.extract_strided_slice %select_n3A {offsets = [0, 25472], sizes = [1, 128], strides = [1, 1]} : vector<1x32768xf32> to vector<1x128xf32>
    %swap3A_829 = arith.constant 199 : index
    %swap3A_830 = arith.constant 0 : index
    %swap3A_831 = vector.load %arg6[%swap3A_829, %swap3A_830] : memref<256x128xf32, #tpu.memory_space<vmem>>, vector<1x128xf32>
    tpu.vector_store %arg6[%swap3A_829, %swap3A_830], %slice3A_828 {strides = array<i32>} : memref<256x128xf32, #tpu.memory_space<vmem>>, vector<1x128xf32>,
    %slice3A_832 = vector.extract_strided_slice %select_n3A {offsets = [0, 25600], sizes = [1, 128], strides = [1, 1]} : vector<1x32768xf32> to vector<1x128xf32>
    %swap3A_833 = arith.constant 200 : index
    %swap3A_834 = arith.constant 0 : index
    %swap3A_835 = vector.load %arg6[%swap3A_833, %swap3A_834] : memref<256x128xf32, #tpu.memory_space<vmem>>, vector<1x128xf32>
    tpu.vector_store %arg6[%swap3A_833, %swap3A_834], %slice3A_832 {strides = array<i32>} : memref<256x128xf32, #tpu.memory_space<vmem>>, vector<1x128xf32>,
    %slice3A_836 = vector.extract_strided_slice %select_n3A {offsets = [0, 25728], sizes = [1, 128], strides = [1, 1]} : vector<1x32768xf32> to vector<1x128xf32>
    %swap3A_837 = arith.constant 201 : index
    %swap3A_838 = arith.constant 0 : index
    %swap3A_839 = vector.load %arg6[%swap3A_837, %swap3A_838] : memref<256x128xf32, #tpu.memory_space<vmem>>, vector<1x128xf32>
    tpu.vector_store %arg6[%swap3A_837, %swap3A_838], %slice3A_836 {strides = array<i32>} : memref<256x128xf32, #tpu.memory_space<vmem>>, vector<1x128xf32>,
    %slice3A_840 = vector.extract_strided_slice %select_n3A {offsets = [0, 25856], sizes = [1, 128], strides = [1, 1]} : vector<1x32768xf32> to vector<1x128xf32>
    %swap3A_841 = arith.constant 202 : index
    %swap3A_842 = arith.constant 0 : index
    %swap3A_843 = vector.load %arg6[%swap3A_841, %swap3A_842] : memref<256x128xf32, #tpu.memory_space<vmem>>, vector<1x128xf32>
    tpu.vector_store %arg6[%swap3A_841, %swap3A_842], %slice3A_840 {strides = array<i32>} : memref<256x128xf32, #tpu.memory_space<vmem>>, vector<1x128xf32>,
    %slice3A_844 = vector.extract_strided_slice %select_n3A {offsets = [0, 25984], sizes = [1, 128], strides = [1, 1]} : vector<1x32768xf32> to vector<1x128xf32>
    %swap3A_845 = arith.constant 203 : index
    %swap3A_846 = arith.constant 0 : index
    %swap3A_847 = vector.load %arg6[%swap3A_845, %swap3A_846] : memref<256x128xf32, #tpu.memory_space<vmem>>, vector<1x128xf32>
    tpu.vector_store %arg6[%swap3A_845, %swap3A_846], %slice3A_844 {strides = array<i32>} : memref<256x128xf32, #tpu.memory_space<vmem>>, vector<1x128xf32>,
    %slice3A_848 = vector.extract_strided_slice %select_n3A {offsets = [0, 26112], sizes = [1, 128], strides = [1, 1]} : vector<1x32768xf32> to vector<1x128xf32>
    %swap3A_849 = arith.constant 204 : index
    %swap3A_850 = arith.constant 0 : index
    %swap3A_851 = vector.load %arg6[%swap3A_849, %swap3A_850] : memref<256x128xf32, #tpu.memory_space<vmem>>, vector<1x128xf32>
    tpu.vector_store %arg6[%swap3A_849, %swap3A_850], %slice3A_848 {strides = array<i32>} : memref<256x128xf32, #tpu.memory_space<vmem>>, vector<1x128xf32>,
    %slice3A_852 = vector.extract_strided_slice %select_n3A {offsets = [0, 26240], sizes = [1, 128], strides = [1, 1]} : vector<1x32768xf32> to vector<1x128xf32>
    %swap3A_853 = arith.constant 205 : index
    %swap3A_854 = arith.constant 0 : index
    %swap3A_855 = vector.load %arg6[%swap3A_853, %swap3A_854] : memref<256x128xf32, #tpu.memory_space<vmem>>, vector<1x128xf32>
    tpu.vector_store %arg6[%swap3A_853, %swap3A_854], %slice3A_852 {strides = array<i32>} : memref<256x128xf32, #tpu.memory_space<vmem>>, vector<1x128xf32>,
    %slice3A_856 = vector.extract_strided_slice %select_n3A {offsets = [0, 26368], sizes = [1, 128], strides = [1, 1]} : vector<1x32768xf32> to vector<1x128xf32>
    %swap3A_857 = arith.constant 206 : index
    %swap3A_858 = arith.constant 0 : index
    %swap3A_859 = vector.load %arg6[%swap3A_857, %swap3A_858] : memref<256x128xf32, #tpu.memory_space<vmem>>, vector<1x128xf32>
    tpu.vector_store %arg6[%swap3A_857, %swap3A_858], %slice3A_856 {strides = array<i32>} : memref<256x128xf32, #tpu.memory_space<vmem>>, vector<1x128xf32>,
    %slice3A_860 = vector.extract_strided_slice %select_n3A {offsets = [0, 26496], sizes = [1, 128], strides = [1, 1]} : vector<1x32768xf32> to vector<1x128xf32>
    %swap3A_861 = arith.constant 207 : index
    %swap3A_862 = arith.constant 0 : index
    %swap3A_863 = vector.load %arg6[%swap3A_861, %swap3A_862] : memref<256x128xf32, #tpu.memory_space<vmem>>, vector<1x128xf32>
    tpu.vector_store %arg6[%swap3A_861, %swap3A_862], %slice3A_860 {strides = array<i32>} : memref<256x128xf32, #tpu.memory_space<vmem>>, vector<1x128xf32>,
    %slice3A_864 = vector.extract_strided_slice %select_n3A {offsets = [0, 26624], sizes = [1, 128], strides = [1, 1]} : vector<1x32768xf32> to vector<1x128xf32>
    %swap3A_865 = arith.constant 208 : index
    %swap3A_866 = arith.constant 0 : index
    %swap3A_867 = vector.load %arg6[%swap3A_865, %swap3A_866] : memref<256x128xf32, #tpu.memory_space<vmem>>, vector<1x128xf32>
    tpu.vector_store %arg6[%swap3A_865, %swap3A_866], %slice3A_864 {strides = array<i32>} : memref<256x128xf32, #tpu.memory_space<vmem>>, vector<1x128xf32>,
    %slice3A_868 = vector.extract_strided_slice %select_n3A {offsets = [0, 26752], sizes = [1, 128], strides = [1, 1]} : vector<1x32768xf32> to vector<1x128xf32>
    %swap3A_869 = arith.constant 209 : index
    %swap3A_870 = arith.constant 0 : index
    %swap3A_871 = vector.load %arg6[%swap3A_869, %swap3A_870] : memref<256x128xf32, #tpu.memory_space<vmem>>, vector<1x128xf32>
    tpu.vector_store %arg6[%swap3A_869, %swap3A_870], %slice3A_868 {strides = array<i32>} : memref<256x128xf32, #tpu.memory_space<vmem>>, vector<1x128xf32>,
    %slice3A_872 = vector.extract_strided_slice %select_n3A {offsets = [0, 26880], sizes = [1, 128], strides = [1, 1]} : vector<1x32768xf32> to vector<1x128xf32>
    %swap3A_873 = arith.constant 210 : index
    %swap3A_874 = arith.constant 0 : index
    %swap3A_875 = vector.load %arg6[%swap3A_873, %swap3A_874] : memref<256x128xf32, #tpu.memory_space<vmem>>, vector<1x128xf32>
    tpu.vector_store %arg6[%swap3A_873, %swap3A_874], %slice3A_872 {strides = array<i32>} : memref<256x128xf32, #tpu.memory_space<vmem>>, vector<1x128xf32>,
    %slice3A_876 = vector.extract_strided_slice %select_n3A {offsets = [0, 27008], sizes = [1, 128], strides = [1, 1]} : vector<1x32768xf32> to vector<1x128xf32>
    %swap3A_877 = arith.constant 211 : index
    %swap3A_878 = arith.constant 0 : index
    %swap3A_879 = vector.load %arg6[%swap3A_877, %swap3A_878] : memref<256x128xf32, #tpu.memory_space<vmem>>, vector<1x128xf32>
    tpu.vector_store %arg6[%swap3A_877, %swap3A_878], %slice3A_876 {strides = array<i32>} : memref<256x128xf32, #tpu.memory_space<vmem>>, vector<1x128xf32>,
    %slice3A_880 = vector.extract_strided_slice %select_n3A {offsets = [0, 27136], sizes = [1, 128], strides = [1, 1]} : vector<1x32768xf32> to vector<1x128xf32>
    %swap3A_881 = arith.constant 212 : index
    %swap3A_882 = arith.constant 0 : index
    %swap3A_883 = vector.load %arg6[%swap3A_881, %swap3A_882] : memref<256x128xf32, #tpu.memory_space<vmem>>, vector<1x128xf32>
    tpu.vector_store %arg6[%swap3A_881, %swap3A_882], %slice3A_880 {strides = array<i32>} : memref<256x128xf32, #tpu.memory_space<vmem>>, vector<1x128xf32>,
    %slice3A_884 = vector.extract_strided_slice %select_n3A {offsets = [0, 27264], sizes = [1, 128], strides = [1, 1]} : vector<1x32768xf32> to vector<1x128xf32>
    %swap3A_885 = arith.constant 213 : index
    %swap3A_886 = arith.constant 0 : index
    %swap3A_887 = vector.load %arg6[%swap3A_885, %swap3A_886] : memref<256x128xf32, #tpu.memory_space<vmem>>, vector<1x128xf32>
    tpu.vector_store %arg6[%swap3A_885, %swap3A_886], %slice3A_884 {strides = array<i32>} : memref<256x128xf32, #tpu.memory_space<vmem>>, vector<1x128xf32>,
    %slice3A_888 = vector.extract_strided_slice %select_n3A {offsets = [0, 27392], sizes = [1, 128], strides = [1, 1]} : vector<1x32768xf32> to vector<1x128xf32>
    %swap3A_889 = arith.constant 214 : index
    %swap3A_890 = arith.constant 0 : index
    %swap3A_891 = vector.load %arg6[%swap3A_889, %swap3A_890] : memref<256x128xf32, #tpu.memory_space<vmem>>, vector<1x128xf32>
    tpu.vector_store %arg6[%swap3A_889, %swap3A_890], %slice3A_888 {strides = array<i32>} : memref<256x128xf32, #tpu.memory_space<vmem>>, vector<1x128xf32>,
    %slice3A_892 = vector.extract_strided_slice %select_n3A {offsets = [0, 27520], sizes = [1, 128], strides = [1, 1]} : vector<1x32768xf32> to vector<1x128xf32>
    %swap3A_893 = arith.constant 215 : index
    %swap3A_894 = arith.constant 0 : index
    %swap3A_895 = vector.load %arg6[%swap3A_893, %swap3A_894] : memref<256x128xf32, #tpu.memory_space<vmem>>, vector<1x128xf32>
    tpu.vector_store %arg6[%swap3A_893, %swap3A_894], %slice3A_892 {strides = array<i32>} : memref<256x128xf32, #tpu.memory_space<vmem>>, vector<1x128xf32>,
    %slice3A_896 = vector.extract_strided_slice %select_n3A {offsets = [0, 27648], sizes = [1, 128], strides = [1, 1]} : vector<1x32768xf32> to vector<1x128xf32>
    %swap3A_897 = arith.constant 216 : index
    %swap3A_898 = arith.constant 0 : index
    %swap3A_899 = vector.load %arg6[%swap3A_897, %swap3A_898] : memref<256x128xf32, #tpu.memory_space<vmem>>, vector<1x128xf32>
    tpu.vector_store %arg6[%swap3A_897, %swap3A_898], %slice3A_896 {strides = array<i32>} : memref<256x128xf32, #tpu.memory_space<vmem>>, vector<1x128xf32>,
    %slice3A_900 = vector.extract_strided_slice %select_n3A {offsets = [0, 27776], sizes = [1, 128], strides = [1, 1]} : vector<1x32768xf32> to vector<1x128xf32>
    %swap3A_901 = arith.constant 217 : index
    %swap3A_902 = arith.constant 0 : index
    %swap3A_903 = vector.load %arg6[%swap3A_901, %swap3A_902] : memref<256x128xf32, #tpu.memory_space<vmem>>, vector<1x128xf32>
    tpu.vector_store %arg6[%swap3A_901, %swap3A_902], %slice3A_900 {strides = array<i32>} : memref<256x128xf32, #tpu.memory_space<vmem>>, vector<1x128xf32>,
    %slice3A_904 = vector.extract_strided_slice %select_n3A {offsets = [0, 27904], sizes = [1, 128], strides = [1, 1]} : vector<1x32768xf32> to vector<1x128xf32>
    %swap3A_905 = arith.constant 218 : index
    %swap3A_906 = arith.constant 0 : index
    %swap3A_907 = vector.load %arg6[%swap3A_905, %swap3A_906] : memref<256x128xf32, #tpu.memory_space<vmem>>, vector<1x128xf32>
    tpu.vector_store %arg6[%swap3A_905, %swap3A_906], %slice3A_904 {strides = array<i32>} : memref<256x128xf32, #tpu.memory_space<vmem>>, vector<1x128xf32>,
    %slice3A_908 = vector.extract_strided_slice %select_n3A {offsets = [0, 28032], sizes = [1, 128], strides = [1, 1]} : vector<1x32768xf32> to vector<1x128xf32>
    %swap3A_909 = arith.constant 219 : index
    %swap3A_910 = arith.constant 0 : index
    %swap3A_911 = vector.load %arg6[%swap3A_909, %swap3A_910] : memref<256x128xf32, #tpu.memory_space<vmem>>, vector<1x128xf32>
    tpu.vector_store %arg6[%swap3A_909, %swap3A_910], %slice3A_908 {strides = array<i32>} : memref<256x128xf32, #tpu.memory_space<vmem>>, vector<1x128xf32>,
    %slice3A_912 = vector.extract_strided_slice %select_n3A {offsets = [0, 28160], sizes = [1, 128], strides = [1, 1]} : vector<1x32768xf32> to vector<1x128xf32>
    %swap3A_913 = arith.constant 220 : index
    %swap3A_914 = arith.constant 0 : index
    %swap3A_915 = vector.load %arg6[%swap3A_913, %swap3A_914] : memref<256x128xf32, #tpu.memory_space<vmem>>, vector<1x128xf32>
    tpu.vector_store %arg6[%swap3A_913, %swap3A_914], %slice3A_912 {strides = array<i32>} : memref<256x128xf32, #tpu.memory_space<vmem>>, vector<1x128xf32>,
    %slice3A_916 = vector.extract_strided_slice %select_n3A {offsets = [0, 28288], sizes = [1, 128], strides = [1, 1]} : vector<1x32768xf32> to vector<1x128xf32>
    %swap3A_917 = arith.constant 221 : index
    %swap3A_918 = arith.constant 0 : index
    %swap3A_919 = vector.load %arg6[%swap3A_917, %swap3A_918] : memref<256x128xf32, #tpu.memory_space<vmem>>, vector<1x128xf32>
    tpu.vector_store %arg6[%swap3A_917, %swap3A_918], %slice3A_916 {strides = array<i32>} : memref<256x128xf32, #tpu.memory_space<vmem>>, vector<1x128xf32>,
    %slice3A_920 = vector.extract_strided_slice %select_n3A {offsets = [0, 28416], sizes = [1, 128], strides = [1, 1]} : vector<1x32768xf32> to vector<1x128xf32>
    %swap3A_921 = arith.constant 222 : index
    %swap3A_922 = arith.constant 0 : index
    %swap3A_923 = vector.load %arg6[%swap3A_921, %swap3A_922] : memref<256x128xf32, #tpu.memory_space<vmem>>, vector<1x128xf32>
    tpu.vector_store %arg6[%swap3A_921, %swap3A_922], %slice3A_920 {strides = array<i32>} : memref<256x128xf32, #tpu.memory_space<vmem>>, vector<1x128xf32>,
    %slice3A_924 = vector.extract_strided_slice %select_n3A {offsets = [0, 28544], sizes = [1, 128], strides = [1, 1]} : vector<1x32768xf32> to vector<1x128xf32>
    %swap3A_925 = arith.constant 223 : index
    %swap3A_926 = arith.constant 0 : index
    %swap3A_927 = vector.load %arg6[%swap3A_925, %swap3A_926] : memref<256x128xf32, #tpu.memory_space<vmem>>, vector<1x128xf32>
    tpu.vector_store %arg6[%swap3A_925, %swap3A_926], %slice3A_924 {strides = array<i32>} : memref<256x128xf32, #tpu.memory_space<vmem>>, vector<1x128xf32>,
    %slice3A_928 = vector.extract_strided_slice %select_n3A {offsets = [0, 28672], sizes = [1, 128], strides = [1, 1]} : vector<1x32768xf32> to vector<1x128xf32>
    %swap3A_929 = arith.constant 224 : index
    %swap3A_930 = arith.constant 0 : index
    %swap3A_931 = vector.load %arg6[%swap3A_929, %swap3A_930] : memref<256x128xf32, #tpu.memory_space<vmem>>, vector<1x128xf32>
    tpu.vector_store %arg6[%swap3A_929, %swap3A_930], %slice3A_928 {strides = array<i32>} : memref<256x128xf32, #tpu.memory_space<vmem>>, vector<1x128xf32>,
    %slice3A_932 = vector.extract_strided_slice %select_n3A {offsets = [0, 28800], sizes = [1, 128], strides = [1, 1]} : vector<1x32768xf32> to vector<1x128xf32>
    %swap3A_933 = arith.constant 225 : index
    %swap3A_934 = arith.constant 0 : index
    %swap3A_935 = vector.load %arg6[%swap3A_933, %swap3A_934] : memref<256x128xf32, #tpu.memory_space<vmem>>, vector<1x128xf32>
    tpu.vector_store %arg6[%swap3A_933, %swap3A_934], %slice3A_932 {strides = array<i32>} : memref<256x128xf32, #tpu.memory_space<vmem>>, vector<1x128xf32>,
    %slice3A_936 = vector.extract_strided_slice %select_n3A {offsets = [0, 28928], sizes = [1, 128], strides = [1, 1]} : vector<1x32768xf32> to vector<1x128xf32>
    %swap3A_937 = arith.constant 226 : index
    %swap3A_938 = arith.constant 0 : index
    %swap3A_939 = vector.load %arg6[%swap3A_937, %swap3A_938] : memref<256x128xf32, #tpu.memory_space<vmem>>, vector<1x128xf32>
    tpu.vector_store %arg6[%swap3A_937, %swap3A_938], %slice3A_936 {strides = array<i32>} : memref<256x128xf32, #tpu.memory_space<vmem>>, vector<1x128xf32>,
    %slice3A_940 = vector.extract_strided_slice %select_n3A {offsets = [0, 29056], sizes = [1, 128], strides = [1, 1]} : vector<1x32768xf32> to vector<1x128xf32>
    %swap3A_941 = arith.constant 227 : index
    %swap3A_942 = arith.constant 0 : index
    %swap3A_943 = vector.load %arg6[%swap3A_941, %swap3A_942] : memref<256x128xf32, #tpu.memory_space<vmem>>, vector<1x128xf32>
    tpu.vector_store %arg6[%swap3A_941, %swap3A_942], %slice3A_940 {strides = array<i32>} : memref<256x128xf32, #tpu.memory_space<vmem>>, vector<1x128xf32>,
    %slice3A_944 = vector.extract_strided_slice %select_n3A {offsets = [0, 29184], sizes = [1, 128], strides = [1, 1]} : vector<1x32768xf32> to vector<1x128xf32>
    %swap3A_945 = arith.constant 228 : index
    %swap3A_946 = arith.constant 0 : index
    %swap3A_947 = vector.load %arg6[%swap3A_945, %swap3A_946] : memref<256x128xf32, #tpu.memory_space<vmem>>, vector<1x128xf32>
    tpu.vector_store %arg6[%swap3A_945, %swap3A_946], %slice3A_944 {strides = array<i32>} : memref<256x128xf32, #tpu.memory_space<vmem>>, vector<1x128xf32>,
    %slice3A_948 = vector.extract_strided_slice %select_n3A {offsets = [0, 29312], sizes = [1, 128], strides = [1, 1]} : vector<1x32768xf32> to vector<1x128xf32>
    %swap3A_949 = arith.constant 229 : index
    %swap3A_950 = arith.constant 0 : index
    %swap3A_951 = vector.load %arg6[%swap3A_949, %swap3A_950] : memref<256x128xf32, #tpu.memory_space<vmem>>, vector<1x128xf32>
    tpu.vector_store %arg6[%swap3A_949, %swap3A_950], %slice3A_948 {strides = array<i32>} : memref<256x128xf32, #tpu.memory_space<vmem>>, vector<1x128xf32>,
    %slice3A_952 = vector.extract_strided_slice %select_n3A {offsets = [0, 29440], sizes = [1, 128], strides = [1, 1]} : vector<1x32768xf32> to vector<1x128xf32>
    %swap3A_953 = arith.constant 230 : index
    %swap3A_954 = arith.constant 0 : index
    %swap3A_955 = vector.load %arg6[%swap3A_953, %swap3A_954] : memref<256x128xf32, #tpu.memory_space<vmem>>, vector<1x128xf32>
    tpu.vector_store %arg6[%swap3A_953, %swap3A_954], %slice3A_952 {strides = array<i32>} : memref<256x128xf32, #tpu.memory_space<vmem>>, vector<1x128xf32>,
    %slice3A_956 = vector.extract_strided_slice %select_n3A {offsets = [0, 29568], sizes = [1, 128], strides = [1, 1]} : vector<1x32768xf32> to vector<1x128xf32>
    %swap3A_957 = arith.constant 231 : index
    %swap3A_958 = arith.constant 0 : index
    %swap3A_959 = vector.load %arg6[%swap3A_957, %swap3A_958] : memref<256x128xf32, #tpu.memory_space<vmem>>, vector<1x128xf32>
    tpu.vector_store %arg6[%swap3A_957, %swap3A_958], %slice3A_956 {strides = array<i32>} : memref<256x128xf32, #tpu.memory_space<vmem>>, vector<1x128xf32>,
    %slice3A_960 = vector.extract_strided_slice %select_n3A {offsets = [0, 29696], sizes = [1, 128], strides = [1, 1]} : vector<1x32768xf32> to vector<1x128xf32>
    %swap3A_961 = arith.constant 232 : index
    %swap3A_962 = arith.constant 0 : index
    %swap3A_963 = vector.load %arg6[%swap3A_961, %swap3A_962] : memref<256x128xf32, #tpu.memory_space<vmem>>, vector<1x128xf32>
    tpu.vector_store %arg6[%swap3A_961, %swap3A_962], %slice3A_960 {strides = array<i32>} : memref<256x128xf32, #tpu.memory_space<vmem>>, vector<1x128xf32>,
    %slice3A_964 = vector.extract_strided_slice %select_n3A {offsets = [0, 29824], sizes = [1, 128], strides = [1, 1]} : vector<1x32768xf32> to vector<1x128xf32>
    %swap3A_965 = arith.constant 233 : index
    %swap3A_966 = arith.constant 0 : index
    %swap3A_967 = vector.load %arg6[%swap3A_965, %swap3A_966] : memref<256x128xf32, #tpu.memory_space<vmem>>, vector<1x128xf32>
    tpu.vector_store %arg6[%swap3A_965, %swap3A_966], %slice3A_964 {strides = array<i32>} : memref<256x128xf32, #tpu.memory_space<vmem>>, vector<1x128xf32>,
    %slice3A_968 = vector.extract_strided_slice %select_n3A {offsets = [0, 29952], sizes = [1, 128], strides = [1, 1]} : vector<1x32768xf32> to vector<1x128xf32>
    %swap3A_969 = arith.constant 234 : index
    %swap3A_970 = arith.constant 0 : index
    %swap3A_971 = vector.load %arg6[%swap3A_969, %swap3A_970] : memref<256x128xf32, #tpu.memory_space<vmem>>, vector<1x128xf32>
    tpu.vector_store %arg6[%swap3A_969, %swap3A_970], %slice3A_968 {strides = array<i32>} : memref<256x128xf32, #tpu.memory_space<vmem>>, vector<1x128xf32>,
    %slice3A_972 = vector.extract_strided_slice %select_n3A {offsets = [0, 30080], sizes = [1, 128], strides = [1, 1]} : vector<1x32768xf32> to vector<1x128xf32>
    %swap3A_973 = arith.constant 235 : index
    %swap3A_974 = arith.constant 0 : index
    %swap3A_975 = vector.load %arg6[%swap3A_973, %swap3A_974] : memref<256x128xf32, #tpu.memory_space<vmem>>, vector<1x128xf32>
    tpu.vector_store %arg6[%swap3A_973, %swap3A_974], %slice3A_972 {strides = array<i32>} : memref<256x128xf32, #tpu.memory_space<vmem>>, vector<1x128xf32>,
    %slice3A_976 = vector.extract_strided_slice %select_n3A {offsets = [0, 30208], sizes = [1, 128], strides = [1, 1]} : vector<1x32768xf32> to vector<1x128xf32>
    %swap3A_977 = arith.constant 236 : index
    %swap3A_978 = arith.constant 0 : index
    %swap3A_979 = vector.load %arg6[%swap3A_977, %swap3A_978] : memref<256x128xf32, #tpu.memory_space<vmem>>, vector<1x128xf32>
    tpu.vector_store %arg6[%swap3A_977, %swap3A_978], %slice3A_976 {strides = array<i32>} : memref<256x128xf32, #tpu.memory_space<vmem>>, vector<1x128xf32>,
    %slice3A_980 = vector.extract_strided_slice %select_n3A {offsets = [0, 30336], sizes = [1, 128], strides = [1, 1]} : vector<1x32768xf32> to vector<1x128xf32>
    %swap3A_981 = arith.constant 237 : index
    %swap3A_982 = arith.constant 0 : index
    %swap3A_983 = vector.load %arg6[%swap3A_981, %swap3A_982] : memref<256x128xf32, #tpu.memory_space<vmem>>, vector<1x128xf32>
    tpu.vector_store %arg6[%swap3A_981, %swap3A_982], %slice3A_980 {strides = array<i32>} : memref<256x128xf32, #tpu.memory_space<vmem>>, vector<1x128xf32>,
    %slice3A_984 = vector.extract_strided_slice %select_n3A {offsets = [0, 30464], sizes = [1, 128], strides = [1, 1]} : vector<1x32768xf32> to vector<1x128xf32>
    %swap3A_985 = arith.constant 238 : index
    %swap3A_986 = arith.constant 0 : index
    %swap3A_987 = vector.load %arg6[%swap3A_985, %swap3A_986] : memref<256x128xf32, #tpu.memory_space<vmem>>, vector<1x128xf32>
    tpu.vector_store %arg6[%swap3A_985, %swap3A_986], %slice3A_984 {strides = array<i32>} : memref<256x128xf32, #tpu.memory_space<vmem>>, vector<1x128xf32>,
    %slice3A_988 = vector.extract_strided_slice %select_n3A {offsets = [0, 30592], sizes = [1, 128], strides = [1, 1]} : vector<1x32768xf32> to vector<1x128xf32>
    %swap3A_989 = arith.constant 239 : index
    %swap3A_990 = arith.constant 0 : index
    %swap3A_991 = vector.load %arg6[%swap3A_989, %swap3A_990] : memref<256x128xf32, #tpu.memory_space<vmem>>, vector<1x128xf32>
    tpu.vector_store %arg6[%swap3A_989, %swap3A_990], %slice3A_988 {strides = array<i32>} : memref<256x128xf32, #tpu.memory_space<vmem>>, vector<1x128xf32>,
    %slice3A_992 = vector.extract_strided_slice %select_n3A {offsets = [0, 30720], sizes = [1, 128], strides = [1, 1]} : vector<1x32768xf32> to vector<1x128xf32>
    %swap3A_993 = arith.constant 240 : index
    %swap3A_994 = arith.constant 0 : index
    %swap3A_995 = vector.load %arg6[%swap3A_993, %swap3A_994] : memref<256x128xf32, #tpu.memory_space<vmem>>, vector<1x128xf32>
    tpu.vector_store %arg6[%swap3A_993, %swap3A_994], %slice3A_992 {strides = array<i32>} : memref<256x128xf32, #tpu.memory_space<vmem>>, vector<1x128xf32>,
    %slice3A_996 = vector.extract_strided_slice %select_n3A {offsets = [0, 30848], sizes = [1, 128], strides = [1, 1]} : vector<1x32768xf32> to vector<1x128xf32>
    %swap3A_997 = arith.constant 241 : index
    %swap3A_998 = arith.constant 0 : index
    %swap3A_999 = vector.load %arg6[%swap3A_997, %swap3A_998] : memref<256x128xf32, #tpu.memory_space<vmem>>, vector<1x128xf32>
    tpu.vector_store %arg6[%swap3A_997, %swap3A_998], %slice3A_996 {strides = array<i32>} : memref<256x128xf32, #tpu.memory_space<vmem>>, vector<1x128xf32>,
    %slice3A_1000 = vector.extract_strided_slice %select_n3A {offsets = [0, 30976], sizes = [1, 128], strides = [1, 1]} : vector<1x32768xf32> to vector<1x128xf32>
    %swap3A_1001 = arith.constant 242 : index
    %swap3A_1002 = arith.constant 0 : index
    %swap3A_1003 = vector.load %arg6[%swap3A_1001, %swap3A_1002] : memref<256x128xf32, #tpu.memory_space<vmem>>, vector<1x128xf32>
    tpu.vector_store %arg6[%swap3A_1001, %swap3A_1002], %slice3A_1000 {strides = array<i32>} : memref<256x128xf32, #tpu.memory_space<vmem>>, vector<1x128xf32>,
    %slice3A_1004 = vector.extract_strided_slice %select_n3A {offsets = [0, 31104], sizes = [1, 128], strides = [1, 1]} : vector<1x32768xf32> to vector<1x128xf32>
    %swap3A_1005 = arith.constant 243 : index
    %swap3A_1006 = arith.constant 0 : index
    %swap3A_1007 = vector.load %arg6[%swap3A_1005, %swap3A_1006] : memref<256x128xf32, #tpu.memory_space<vmem>>, vector<1x128xf32>
    tpu.vector_store %arg6[%swap3A_1005, %swap3A_1006], %slice3A_1004 {strides = array<i32>} : memref<256x128xf32, #tpu.memory_space<vmem>>, vector<1x128xf32>,
    %slice3A_1008 = vector.extract_strided_slice %select_n3A {offsets = [0, 31232], sizes = [1, 128], strides = [1, 1]} : vector<1x32768xf32> to vector<1x128xf32>
    %swap3A_1009 = arith.constant 244 : index
    %swap3A_1010 = arith.constant 0 : index
    %swap3A_1011 = vector.load %arg6[%swap3A_1009, %swap3A_1010] : memref<256x128xf32, #tpu.memory_space<vmem>>, vector<1x128xf32>
    tpu.vector_store %arg6[%swap3A_1009, %swap3A_1010], %slice3A_1008 {strides = array<i32>} : memref<256x128xf32, #tpu.memory_space<vmem>>, vector<1x128xf32>,
    %slice3A_1012 = vector.extract_strided_slice %select_n3A {offsets = [0, 31360], sizes = [1, 128], strides = [1, 1]} : vector<1x32768xf32> to vector<1x128xf32>
    %swap3A_1013 = arith.constant 245 : index
    %swap3A_1014 = arith.constant 0 : index
    %swap3A_1015 = vector.load %arg6[%swap3A_1013, %swap3A_1014] : memref<256x128xf32, #tpu.memory_space<vmem>>, vector<1x128xf32>
    tpu.vector_store %arg6[%swap3A_1013, %swap3A_1014], %slice3A_1012 {strides = array<i32>} : memref<256x128xf32, #tpu.memory_space<vmem>>, vector<1x128xf32>,
    %slice3A_1016 = vector.extract_strided_slice %select_n3A {offsets = [0, 31488], sizes = [1, 128], strides = [1, 1]} : vector<1x32768xf32> to vector<1x128xf32>
    %swap3A_1017 = arith.constant 246 : index
    %swap3A_1018 = arith.constant 0 : index
    %swap3A_1019 = vector.load %arg6[%swap3A_1017, %swap3A_1018] : memref<256x128xf32, #tpu.memory_space<vmem>>, vector<1x128xf32>
    tpu.vector_store %arg6[%swap3A_1017, %swap3A_1018], %slice3A_1016 {strides = array<i32>} : memref<256x128xf32, #tpu.memory_space<vmem>>, vector<1x128xf32>,
    %slice3A_1020 = vector.extract_strided_slice %select_n3A {offsets = [0, 31616], sizes = [1, 128], strides = [1, 1]} : vector<1x32768xf32> to vector<1x128xf32>
    %swap3A_1021 = arith.constant 247 : index
    %swap3A_1022 = arith.constant 0 : index
    %swap3A_1023 = vector.load %arg6[%swap3A_1021, %swap3A_1022] : memref<256x128xf32, #tpu.memory_space<vmem>>, vector<1x128xf32>
    tpu.vector_store %arg6[%swap3A_1021, %swap3A_1022], %slice3A_1020 {strides = array<i32>} : memref<256x128xf32, #tpu.memory_space<vmem>>, vector<1x128xf32>,
    %slice3A_1024 = vector.extract_strided_slice %select_n3A {offsets = [0, 31744], sizes = [1, 128], strides = [1, 1]} : vector<1x32768xf32> to vector<1x128xf32>
    %swap3A_1025 = arith.constant 248 : index
    %swap3A_1026 = arith.constant 0 : index
    %swap3A_1027 = vector.load %arg6[%swap3A_1025, %swap3A_1026] : memref<256x128xf32, #tpu.memory_space<vmem>>, vector<1x128xf32>
    tpu.vector_store %arg6[%swap3A_1025, %swap3A_1026], %slice3A_1024 {strides = array<i32>} : memref<256x128xf32, #tpu.memory_space<vmem>>, vector<1x128xf32>,
    %slice3A_1028 = vector.extract_strided_slice %select_n3A {offsets = [0, 31872], sizes = [1, 128], strides = [1, 1]} : vector<1x32768xf32> to vector<1x128xf32>
    %swap3A_1029 = arith.constant 249 : index
    %swap3A_1030 = arith.constant 0 : index
    %swap3A_1031 = vector.load %arg6[%swap3A_1029, %swap3A_1030] : memref<256x128xf32, #tpu.memory_space<vmem>>, vector<1x128xf32>
    tpu.vector_store %arg6[%swap3A_1029, %swap3A_1030], %slice3A_1028 {strides = array<i32>} : memref<256x128xf32, #tpu.memory_space<vmem>>, vector<1x128xf32>,
    %slice3A_1032 = vector.extract_strided_slice %select_n3A {offsets = [0, 32000], sizes = [1, 128], strides = [1, 1]} : vector<1x32768xf32> to vector<1x128xf32>
    %swap3A_1033 = arith.constant 250 : index
    %swap3A_1034 = arith.constant 0 : index
    %swap3A_1035 = vector.load %arg6[%swap3A_1033, %swap3A_1034] : memref<256x128xf32, #tpu.memory_space<vmem>>, vector<1x128xf32>
    tpu.vector_store %arg6[%swap3A_1033, %swap3A_1034], %slice3A_1032 {strides = array<i32>} : memref<256x128xf32, #tpu.memory_space<vmem>>, vector<1x128xf32>,
    %slice3A_1036 = vector.extract_strided_slice %select_n3A {offsets = [0, 32128], sizes = [1, 128], strides = [1, 1]} : vector<1x32768xf32> to vector<1x128xf32>
    %swap3A_1037 = arith.constant 251 : index
    %swap3A_1038 = arith.constant 0 : index
    %swap3A_1039 = vector.load %arg6[%swap3A_1037, %swap3A_1038] : memref<256x128xf32, #tpu.memory_space<vmem>>, vector<1x128xf32>
    tpu.vector_store %arg6[%swap3A_1037, %swap3A_1038], %slice3A_1036 {strides = array<i32>} : memref<256x128xf32, #tpu.memory_space<vmem>>, vector<1x128xf32>,
    %slice3A_1040 = vector.extract_strided_slice %select_n3A {offsets = [0, 32256], sizes = [1, 128], strides = [1, 1]} : vector<1x32768xf32> to vector<1x128xf32>
    %swap3A_1041 = arith.constant 252 : index
    %swap3A_1042 = arith.constant 0 : index
    %swap3A_1043 = vector.load %arg6[%swap3A_1041, %swap3A_1042] : memref<256x128xf32, #tpu.memory_space<vmem>>, vector<1x128xf32>
    tpu.vector_store %arg6[%swap3A_1041, %swap3A_1042], %slice3A_1040 {strides = array<i32>} : memref<256x128xf32, #tpu.memory_space<vmem>>, vector<1x128xf32>,
    %slice3A_1044 = vector.extract_strided_slice %select_n3A {offsets = [0, 32384], sizes = [1, 128], strides = [1, 1]} : vector<1x32768xf32> to vector<1x128xf32>
    %swap3A_1045 = arith.constant 253 : index
    %swap3A_1046 = arith.constant 0 : index
    %swap3A_1047 = vector.load %arg6[%swap3A_1045, %swap3A_1046] : memref<256x128xf32, #tpu.memory_space<vmem>>, vector<1x128xf32>
    tpu.vector_store %arg6[%swap3A_1045, %swap3A_1046], %slice3A_1044 {strides = array<i32>} : memref<256x128xf32, #tpu.memory_space<vmem>>, vector<1x128xf32>,
    %slice3A_1048 = vector.extract_strided_slice %select_n3A {offsets = [0, 32512], sizes = [1, 128], strides = [1, 1]} : vector<1x32768xf32> to vector<1x128xf32>
    %swap3A_1049 = arith.constant 254 : index
    %swap3A_1050 = arith.constant 0 : index
    %swap3A_1051 = vector.load %arg6[%swap3A_1049, %swap3A_1050] : memref<256x128xf32, #tpu.memory_space<vmem>>, vector<1x128xf32>
    tpu.vector_store %arg6[%swap3A_1049, %swap3A_1050], %slice3A_1048 {strides = array<i32>} : memref<256x128xf32, #tpu.memory_space<vmem>>, vector<1x128xf32>,
    %slice3A_1052 = vector.extract_strided_slice %select_n3A {offsets = [0, 32640], sizes = [1, 128], strides = [1, 1]} : vector<1x32768xf32> to vector<1x128xf32>
    %swap3A_1053 = arith.constant 255 : index
    %swap3A_1054 = arith.constant 0 : index
    %swap3A_1055 = vector.load %arg6[%swap3A_1053, %swap3A_1054] : memref<256x128xf32, #tpu.memory_space<vmem>>, vector<1x128xf32>
    tpu.vector_store %arg6[%swap3A_1053, %swap3A_1054], %slice3A_1052 {strides = array<i32>} : memref<256x128xf32, #tpu.memory_space<vmem>>, vector<1x128xf32>,
    return
  }
  func.func @transform_0(%arg0: i32) -> (i32, i32) {
    %c0_i32 = arith.constant 0 : i32
    %c0_i32_0 = arith.constant 0 : i32
    return %c0_i32, %arg0 : i32, i32
  }
  func.func @transform_1(%arg0: i32) -> (i32, i32) {
    %c0_i32 = arith.constant 0 : i32
    %c0_i32_0 = arith.constant 0 : i32
    %c0_i32_1 = arith.constant 0 : i32
    return %c0_i32, %c0_i32_0 : i32, i32
  }
  func.func @transform_2(%arg0: i32) -> (i32, i32) {
    %c0_i32 = arith.constant 0 : i32
    %c0_i32_0 = arith.constant 0 : i32
    %c0_i32_1 = arith.constant 0 : i32
    return %c0_i32, %c0_i32_0 : i32, i32
  }
  func.func @transform_3(%arg0: i32) -> (i32, i32) {
    %c0_i32 = arith.constant 0 : i32
    %c0_i32_0 = arith.constant 0 : i32
    %c0_i32_1 = arith.constant 0 : i32
    return %c0_i32, %c0_i32_0 : i32, i32
  }
  func.func @transform_4(%arg0: i32) -> (i32, i32) {
    %c0_i32 = arith.constant 0 : i32
    %c0_i32_0 = arith.constant 0 : i32
    %c0_i32_1 = arith.constant 0 : i32
    return %c0_i32, %c0_i32_0 : i32, i32
  }
  func.func @transform_5(%arg0: i32) -> (i32, i32) {
    %c0_i32 = arith.constant 0 : i32
    %c0_i32_0 = arith.constant 0 : i32
    return %arg0, %c0_i32 : i32, i32
  }
}

</mosaic_0001>

<sc_bundles>
// kernel: kernel.5.cloned.1.call-start
scs
__scs_entry_jumppad:
0x0: {  	(pc) =	sbr.rel $0x88, $3  }
0x1: {  	(tag) =	ssettag $0x0;
	lr =	simm.s32 $0x1  }
0x2: {  	[smem:$0x3F9B] =	sst lr;
	_ =	strace $0xD0000000  }
0x3: {  	_ = 	snop  }
0x4: {  	_ = 	snop  }
0x5: {  	_ = 	snop  }
0x6: {  	_ = 	snop  }
0x7: {  	_ = 	snop  }
__scs_overlays_trampoline_lowered:
0x8: {  	[smem:$0x3FAA] =	sst s0  }
0x9: {  	[smem:$0x3FAB] =	sst s1  }
0xa: {  	[smem:$0x3FAC] =	sst s2  }
0xb: {  	[smem:$0x3FAD] =	sst s3  }
0xc: {  	[smem:$0x3FAE] =	sst s4  }
0xd: {  	[smem:$0x3FAF] =	sst s5  }
0xe: {  	[smem:$0x3FB0] =	sst s6  }
0xf: {  	[smem:$0x3FB1] =	sst s7  }
0x10: {  	[smem:$0x3FB2] =	sst s8  }
0x11: {  	[smem:$0x3FB3] =	sst s9;
	s0 =	simm.s32 @!p0 $0x0  }
0x12: {  	s1 =	sld [smem:$0x3F99];
	s0 =	simm.s32 @p0 $0x1  }
0x13: {  	[smem:$0x3FB4] =	sst s0;
	s0 =	simm.s32 @!p1 $0x0  }
0x14: {  	s2 =	sld [smem:$0x3F98];
	s0 =	simm.s32 @p1 $0x1  }
0x15: {  	[smem:$0x3FB5] =	sst s0;
	s0 =	simm.s32 @!p2 $0x0  }
0x16: {  	s3 =	sld [smem:$0x3FDB];
	s0 =	simm.s32 @p2 $0x1  }
0x17: {  	s4 =	simm.s32 $0x1BF5;
	[smem:$0x3FB7] =	sst s0  }
0x18: {  	s0 =	sld [smem:$0x3F9A];
	_ =	swait.ge [sflag:s4], $0x0  }
0x19: {  	s7 =	sld [smem:$0x3F9B]  }
0x1a: {  	s8 =	sadd.s32 $0xFFFFE003, lr  }
0x1b: {  	s9 =	sadd.s32 $0xFFFFFEF7, lr;
	s5 =	simm.s32 $0xFFFFFFFF;
	p2 =	slt.u32 s8, $0xFFFFF086  }
0x1c: {  	p1 =	slt.u32 s9, $0xF7A;
	s5 =	simm.s32 @!p2 $0x0  }
0x1d: {  	s5 =	simm.s32 @p1 $0x1;
	p0 =	seq.s32 s7, s2  }
0x1e: {  	s7 =	smul.u32 @!p0 $0xF7A, s2;
	p2 =	seq.s32 @!p0 s5, $0x0  }
0x1f: {  	s9 =	smul.u32 $0xF7A, s1;
	s8 =	simm.s32 @!p0 $0x1BF5;
	p2 =	por !p2, p0  }
0x20: {  	[sflag:s8] =	ssyncset.s32 @!p0 $0xFFFFF086;
	s6 =	sadd.s32 @!p0 s3, s7;
	s7 =	simm.s32 @!p0 $0x108  }
0x21: {  	s3 =	sadd.s32 s3, s9;
	s6 =	sadd.s32 @!p0 $0x88, s6;
	s7 =	simm.s32 @p2 $0x1082  }
0x22: {  	[simem:s7], [sflag:s8] =	dma.local @!p0 [hbm:s6], $0xF7A  }
0x23: {  	s9 =	sor.u32 $0xD0000000, s2;
	s6 =	simm.s32 $0x108;
	_ =	swait.ge @!p0 [sflag:s8], $0x0  }
0x24: {  	s3 =	sadd.s32 $0x88, s3;
	s6 =	simm.s32 @!p1 $0x1082;
	[sflag:s4] =	ssyncset.s32 $0xFFFFF086  }
0x25: {  	[simem:s6], [sflag:s4] =	dma.local [hbm:s3], $0xF7A  }
0x26: {  	[smem:$0x3F9B] =	sst s1;
	(tag) =	ssettag s2;
	_ =	strace s9  }
0x27: {  	s1 =	sld [smem:$0x3FAB]  }
0x28: {  	s2 =	sld [smem:$0x3FAC]  }
0x29: {  	s4 =	sld [smem:$0x3FAE]  }
0x2a: {  	p0 =	seq.s32 s5, $0x0;
	s5 =	sld [smem:$0x3FAF]  }
0x2b: {  	s6 =	sld [smem:$0x3FB0]  }
0x2c: {  	s7 =	sld [smem:$0x3FB1]  }
0x2d: {  	s3 =	simm.s32 $0x108;
	s8 =	sld [smem:$0x3FB2]  }
0x2e: {  	s3 =	simm.s32 @!p0 $0x1082;
	s9 =	sld [smem:$0x3FB3]  }
0x2f: {  	lr =	sadd.s32 s0, s3;
	s0 =	sld [smem:$0x3FAA]  }
0x30: {  	s3 =	sld [smem:$0x3FAD]  }
0x31: {  	[smem:$0x3FB6] =	sst s10  }
0x32: {  	s10 =	sld [smem:$0x3FB4];
	_ =	sdelay $0x3  }
0x33: {  	p0 =	seq.s32 s10, $0x1;
	s10 =	sld [smem:$0x3FB6];
	_ =	sdelay $0x3  }
0x34: {  	[smem:$0x3FB6] =	sst s10  }
0x35: {  	s10 =	sld [smem:$0x3FB5];
	_ =	sdelay $0x3  }
0x36: {  	p1 =	seq.s32 s10, $0x1;
	s10 =	sld [smem:$0x3FB6];
	_ =	sdelay $0x3  }
0x37: {  	[smem:$0x3FB6] =	sst s10  }
0x38: {  	s10 =	sld [smem:$0x3FB7]  }
0x39: {  	_ = 	snop;
	(pc) =	sbr.ind lr, $3  }
0x3a: {  	_ = 	snop  }
0x3b: {  	_ = 	snop  }
0x3c: {  	p2 =	seq.s32 s10, $0x1;
	s10 =	sld [smem:$0x3FB6]  }
0x3d: {  	_ =	shalt  }
0x3e: {  	_ =	shalt  }
0x3f: {  	_ =	shalt  }
0x40: {  	_ =	shalt  }
0x41: {  	_ =	shalt  }
0x42: {  	_ =	shalt  }
0x43: {  	_ =	shalt  }
0x44: {  	_ =	shalt  }
0x45: {  	_ =	shalt  }
0x46: {  	_ =	shalt  }
0x47: {  	_ =	shalt  }
0x48: {  	_ =	shalt  }
0x49: {  	_ =	shalt  }
0x4a: {  	_ =	shalt  }
0x4b: {  	_ =	shalt  }
0x4c: {  	_ =	shalt  }
0x4d: {  	_ =	shalt  }
0x4e: {  	_ =	shalt  }
0x4f: {  	_ =	shalt  }
0x50: {  	_ =	shalt  }
0x51: {  	_ =	shalt  }
0x52: {  	_ =	shalt  }
0x53: {  	_ =	shalt  }
0x54: {  	_ =	shalt  }
0x55: {  	_ =	shalt  }
0x56: {  	_ =	shalt  }
0x57: {  	_ =	shalt  }
0x58: {  	_ =	shalt  }
0x59: {  	_ =	shalt  }
0x5a: {  	_ =	shalt  }
0x5b: {  	_ =	shalt  }
0x5c: {  	_ =	shalt  }
0x5d: {  	_ =	shalt  }
0x5e: {  	_ =	shalt  }
0x5f: {  	_ =	shalt  }
0x60: {  	_ =	shalt  }
0x61: {  	_ =	shalt  }
0x62: {  	_ =	shalt  }
0x63: {  	_ =	shalt  }
0x64: {  	_ =	shalt  }
0x65: {  	_ =	shalt  }
0x66: {  	_ =	shalt  }
0x67: {  	_ =	shalt  }
0x68: {  	_ =	shalt  }
0x69: {  	_ =	shalt  }
0x6a: {  	_ =	shalt  }
0x6b: {  	_ =	shalt  }
0x6c: {  	_ =	shalt  }
0x6d: {  	_ =	shalt  }
0x6e: {  	_ =	shalt  }
0x6f: {  	_ =	shalt  }
0x70: {  	_ =	shalt  }
0x71: {  	_ =	shalt  }
0x72: {  	_ =	shalt  }
0x73: {  	_ =	shalt  }
0x74: {  	_ =	shalt  }
0x75: {  	_ =	shalt  }
0x76: {  	_ =	shalt  }
0x77: {  	_ =	shalt  }
0x78: {  	_ =	shalt  }
0x79: {  	_ =	shalt  }
0x7a: {  	_ =	shalt  }
0x7b: {  	_ =	shalt  }
0x7c: {  	_ =	shalt  }
0x7d: {  	_ =	shalt  }
0x7e: {  	_ =	shalt  }
0x7f: {  	_ =	shalt  }
0x80: {  	_ =	shalt  }
0x81: {  	_ =	shalt  }
0x82: {  	_ =	shalt  }
0x83: {  	_ =	shalt  }
0x84: {  	_ =	shalt  }
0x85: {  	_ =	shalt  }
0x86: {  	_ =	shalt  }
0x87: {  	_ =	shalt  }
.Lfunc_end0:
.L_simem_size_0:
called_computation_lowered:
.L_overlay_start_0:
0x88: {  	s2 =	sld [smem:$0x3FD9]  }
0x89: {  	s3 =	sld [smem:$0x3FFE];
	_ =	sdelay $0x1  }
0x8a: {  	s1 =	srdreg.scid  }
0x8b: {  	s0 =	sand.u32 $0x1, s1  }
0x8c: {  	s17 =	sshll.u32 s0, $0xA;
	s2 =	sadd.s32 s3, s2  }
0x8d: {  	s2 =	sadd.s32 s2, s17  }
0x8e: {  	[smem:$0x3FC2] =	sst s2  }
0x8f: {  	_ = 	snop  }
0x90: {  	s2 =	sld [smem:$0x3FC9];
	(tm) =	ssettm $0x1  }
0x91: {  	s18 =	sld [smem:$0x3FFB];
	_ =	sdelay $0x3  }
0x92: {  	_ =	strace s18  }
0x93: {  	s3 =	sld [smem:$0x3FFC];
	_ =	sdelay $0x3  }
0x94: {  	_ =	strace s3  }
0x95: {  	s3 =	sld [smem:$0x3FFD];
	_ =	sdelay $0x3  }
0x96: {  	_ =	strace s3  }
0x97: {  	_ =	strace $0x8FFFFFFF  }
0x98: {  	s19 =	sld [smem:$0x3FDB];
	_ =	sdelay $0x1  }
0x99: {  	s4 =	simm.s32 $_scs_section_size  }
0x9a: {  	s5 =	simm.s32 $_size__tile_overlayer_lowered;
	s6 =	simm.s32 $_tile_overlayer_lowered  }
0x9b: {  	s22 =	simm.s32 $0x1BFF;
	s21 =	sshll.u32 s6, $0x1;
	s3 =	sadd.s32 s4, s19  }
0x9c: {  	s7 =	simm.s32 $0x0;
	s20 =	sshll.u32 s5, $0x1;
	s5 =	sadd.s32 s21, s3  }
0x9d: {  	[timem:s7], [sflag:s22] =	dma.local [hbm:s5], s20  }
0x9e: {  	_ =	swait.ge [sflag:s22], s20  }
0x9f: {  	s4 =	ssub.s32 $0x0, s20;
	[sflag:s22] =	ssyncset.done $0x0  }
0xa0: {  	[sflag:s22] =	ssyncadd.s32 s4;
	_ =	sdelay $0x1  }
0xa1: {  	s23 =	simm.s32 $0x1B8B  }
0xa2: {  	_ =	swait.ge [sflag:s23], $0x1  }
0xa3: {  	[sflag:s23] =	ssyncset.done $0x0  }
0xa4: {  	s25 =	simm.s32 $0x1B8E;
	s24 =	sld [smem:$0x3FFE];
	[sflag:s23] =	ssyncadd.s32 $0xFFFFFFFF  }
0xa5: {  	s26 =	simm.s32 $execute0_lowered;
	[smem:$0x3FD2] =	sst s25  }
0xa6: {  	s5 =	sshll.u32 s26, $0x1;
	_ =	strace $0x80000046;
	[dreg:$0x1] =	wrdreg $0xFFFFFFFF  }
0xa7: {  	s28 =	simm.s32 $_size_execute0_lowered;
	s3 =	sadd.s32 s3, s5;
	[dreg:$0x0] =	wrdreg $0x0  }
0xa8: {  	s5 =	sshll.u32 s28, $0x1;
	[dreg:$0x2] =	wrdreg s3  }
0xa9: {  	[dreg:$0x3] =	wrdreg s5  }
0xaa: {  	[dreg:$0x4] =	wrdreg $0xC0  }
0xab: {  	_ =	task [dreg:s7], $0x5FFFF  }
0xac: {  	[dreg:$0x1] =	wrdreg $0xFFFFFFFF  }
0xad: {  	[dreg:$0x0] =	wrdreg $0x60  }
0xae: {  	[dreg:$0x2] =	wrdreg s2  }
0xaf: {  	[dreg:$0x3] =	wrdreg s24  }
0xb0: {  	[dreg:$0x4] =	wrdreg $0x9  }
0xb1: {  	_ =	task.clear_ibuf [dreg:s7], $0x5FFFF;
	_ =	strace $0x90000046  }
0xb2: {  	s29 =	simm.s32 $0x9;
	_ =	strace $0x80000048  }
0xb3: {  	_ =	swait.ge [sflag:s29], $0x1  }
0xb4: {  	[sflag:s29] =	ssyncadd.s32 $0xFFFFFFFF  }
0xb5: {  	_ =	strace $0x90000048  }
0xb6: {  	_ =	sfence  }
0xb7: {  	s30 =	sld [smem:$0x0];
	_ =	sdelay $0x2  }
0xb8: {  	s31 =	sshll.u32 s1, $0xD;
	s1 =	sshrl.u32 s1, $0x2  }
0xb9: {  	s3 =	sand.u32 $0x4000, s31;
	s1 =	sadd.s32 s1, s30  }
0xba: {  	s0 =	sor.u32 s3, s0;
	s1 =	sshll.u32 s1, $0x11  }
0xbb: {  	s0 =	sor.u32 s1, s0  }
0xbc: {  	s0 =	sadd.s32 $0x8F2B, s0  }
0xbd: {  	[sflag:s0] =	ssyncadd.remote.s32 $0x1  }
0xbe: {  	_ =	sfence.sel $0xFFFF  }
0xbf: {  	[dreg:$0x0] =	wrdreg $0xFFFFFFFF;
	(pc) =	sbr.abs _section_cstart, $3  }
0xc0: {  	[dreg:$0x1] =	wrdreg $0xFFFFFFFF  }
0xc1: {  	_ =	task.clear_ibuf [dreg:s7], $0x2FFFF;
	_ =	strace $0x9FFFFFFF  }
0xc2: {  	(tm) =	ssettm $0x7FFFFFFF  }
0xc3: {  	_ =	shalt  }
tec
execute0_lowered:
.L_overlay_start_1:
0x0: {  	(tag) =	ssettag $0x1  }
0x1: {  	s3 =	rddreg [dreg:$0x0]  }
0x2: {  	s4 =	rddreg [dreg:$0x1]  }
0x3: {  	s0 =	rddreg [dreg:$0x2]  }
0x4: {  	s2 =	simm.s32 $0x0;
	s5 =	srdreg.scid;
	s1 =	stileid.u32  }
0x5: {  	s10 =	simm.s32 $0x280;
	s11 =	simm.s32 $0x4400;
	s6 =	sand.u32 $0x1, s5  }
0x6: {  	s7 =	sshll.u32 s1, $0xA;
	s8 =	sshll.u32 s6, $0x9;
	s6 =	ssub.s32 $0x2, s6  }
0x7: {  	[smem:$0x7FF] =	sst s2;
	s7 =	sor.u32 s8, s7;
	s9 =	sshrl.u32 s6, $0x1  }
0x8: {  	s8 =	sshll.u32 s7, $0x4;
	s7 =	sshrl.u32 s7, $0x3;
	s6 =	ssub.s32 s6, s9  }
0x9: {  	_ =	strace $0x80000047;
	s16 =	sadd.s32 s3, s7;
	s17 =	smax.u32 s6, $0x1  }
0xa: {  	[tilespmem:s2], [sflag:$0x2] =	stream.linear.gather [hbm4b:s16+s2], $0x200, $0x38;
	[tilespmem:$0x10400] =	vst v63  }
0xb: {  	s12 =	simm.s32 $0x300;
	s3 =	simm.s32 $0x2;
	p0 =	sne.s32 s17, $0x1  }
.Ltmp0:
0xc: {  	s13 =	simm.s32 $0x8400;
	_ =	swait.ge [sflag:s3], $0x200;
	(pc) =	sbr.rel @!p0 .LBB2_2-.Ltmp0, $4  }
0xd: {  	s14 =	simm.s32 $0x380;
	s15 =	simm.s32 $0xC400;
	[sflag:s3] =	ssyncset.done $0x0  }
0xe: {  	s5 =	sadd.s32 $0xC00, s4;
	s9 =	simm.s32 $0x200;
	[sflag:s3] =	ssyncadd.s32 $0xFFFFFE00  }
0xf: {  	s4 =	sadd.s32 s8, s4;
	s7 =	simm.s32 $0x80;
	s6 =	simm.s32 $0x400;
	v0 =	vld [tilespmem:$0x130]  }
0x10: {  	s8 =	simm.s32 $0x1;
	s4 =	sadd.s32 $0x1FC00, s4;
	s17 =	sadd.s32 $0xFFFFFFFF, s17;
	v1 =	vld [tilespmem:$0x1C0]  }
.LBB2_1:
0x11: {  	p0 =	sne.s32 s17, $0x1;
	s17 =	sadd.s32 $0xFFFFFFFF, s17;
	v2 =	vld [tilespmem:$0x1D0]  }
0x12: {  	v3 =	vld [tilespmem:$0x1E0]  }
0x13: {  	v4 =	vld [tilespmem:$0x20]  }
0x14: {  	v5 =	vld [tilespmem:$0x0]  }
0x15: {  	v6 =	vld [tilespmem:$0x40]  }
0x16: {  	v2 =	vshrl.u32 v2, $0x7;
	v7 =	vld [tilespmem:$0x1F0]  }
0x17: {  	v1 =	vshrl.u32 v1, $0x7;
	v8 =	vld [tilespmem:$0x170];
	[tilespmem:$0x3D0] =	vst v2;
	v2 =	vshrl.u32 v3, $0x7  }
0x18: {  	v0 =	vshrl.u32 v0, $0x7;
	v3 =	vshrl.u32 v4, $0x7;
	v4 =	vld [tilespmem:$0x190];
	[tilespmem:$0x3E0] =	vst v2  }
0x19: {  	v2 =	vshrl.u32 v5, $0x7;
	[tilespmem:$0x220] =	vst v3;
	v3 =	vld [tilespmem:$0x180]  }
0x1a: {  	[tilespmem:$0x200] =	vst v2;
	v2 =	vld [tilespmem:$0x80]  }
0x1b: {  	v5 =	vld [tilespmem:$0x50];
	[tilespmem:$0x330] =	vst v0;
	v0 =	vshrl.u32 v7, $0x7  }
0x1c: {  	v7 =	vld [tilespmem:$0x60];
	v8 =	vshrl.u32 v8, $0x7;
	[tilespmem:$0x3C0] =	vst v1  }
0x1d: {  	v1 =	vld [tilespmem:$0x70];
	v4 =	vshrl.u32 v4, $0x7;
	[tilespmem:$0x3F0] =	vst v0  }
0x1e: {  	v0 =	vshrl.u32 v6, $0x7;
	v6 =	vld [tilespmem:$0x160];
	[tilespmem:$0x370] =	vst v8;
	v3 =	vshrl.u32 v3, $0x7  }
0x1f: {  	v8 =	vld [tilespmem:$0x90];
	[tilespmem:$0x390] =	vst v4  }
0x20: {  	v4 =	vshrl.u32 v5, $0x7;
	v5 =	vld [tilespmem:$0x150];
	[tilespmem:$0x380] =	vst v3  }
0x21: {  	[tilespmem:$0x240] =	vst v0;
	v0 =	vshrl.u32 v7, $0x7;
	v3 =	vld [tilespmem:$0xA0]  }
0x22: {  	[tilespmem:$0x250] =	vst v4;
	v1 =	vshrl.u32 v1, $0x7;
	v4 =	vld [tilespmem:$0x140]  }
0x23: {  	v7 =	vld [tilespmem:$0x30];
	[tilespmem:$0x260] =	vst v0;
	v0 =	vshrl.u32 v2, $0x7;
	v2 =	vshrl.u32 v6, $0x7  }
0x24: {  	[tilespmem:$0x270] =	vst v1;
	v1 =	vld [tilespmem:$0xB0]  }
0x25: {  	v6 =	vshrl.u32 v8, $0x7;
	v8 =	vld [tilespmem:$0xC0];
	v5 =	vshrl.u32 v5, $0x7;
	[tilespmem:$0x360] =	vst v2  }
0x26: {  	[tilespmem:$0x280] =	vst v0;
	v0 =	vshrl.u32 v3, $0x7;
	v2 =	vld [tilespmem:$0x120]  }
0x27: {  	v3 =	vld [tilespmem:$0xD0];
	v4 =	vshrl.u32 v4, $0x7;
	[tilespmem:$0x350] =	vst v5  }
0x28: {  	v5 =	vshrl.u32 v7, $0x7;
	[tilespmem:$0x2A0] =	vst v0;
	v0 =	vld [tilespmem:$0x110]  }
0x29: {  	v1 =	vshrl.u32 v1, $0x7;
	v7 =	vld [tilespmem:$0xE0];
	[tilespmem:$0x340] =	vst v4  }
0x2a: {  	[tilespmem:$0x230] =	vst v5;
	v4 =	vshrl.u32 v8, $0x7;
	v5 =	vld [tilespmem:$0x100]  }
0x2b: {  	[tilespmem:$0x2B0] =	vst v1;
	v1 =	vshrl.u32 v2, $0x7  }
0x2c: {  	[tilespmem:$0x2C0] =	vst v4;
	v2 =	vshrl.u32 v3, $0x7;
	v3 =	vld [tilespmem:$0xF0]  }
0x2d: {  	v4 =	vld [tilespmem:$0x10];
	v0 =	vshrl.u32 v0, $0x7;
	[tilespmem:$0x320] =	vst v1  }
0x2e: {  	[tilespmem:$0x2D0] =	vst v2;
	v1 =	vshrl.u32 v7, $0x7;
	v2 =	vld [tilespmem:$0x1A0]  }
0x2f: {  	v5 =	vshrl.u32 v5, $0x7;
	[tilespmem:$0x310] =	vst v0;
	v0 =	vld [tilespmem:$0x1B0]  }
0x30: {  	[tilespmem:$0x2E0] =	vst v1  }
0x31: {  	v1 =	vshrl.u32 v3, $0x7;
	[tilespmem:$0x300] =	vst v5  }
0x32: {  	v3 =	vshrl.u32 v4, $0x7;
	[tilespmem:$0x290] =	vst v6  }
0x33: {  	[tilespmem:$0x2F0] =	vst v1;
	v1 =	vshrl.u32 v2, $0x7  }
0x34: {  	[tilespmem:$0x3A0] =	vst v1;
	v0 =	vshrl.u32 v0, $0x7  }
0x35: {  	[tilespmem:$0x3B0] =	vst v0  }
0x36: {  	[tilespmem:$0x210] =	vst v3  }
0x37: {  	[tilespmem:s6], [sflag:$0x1] =	stream.indirect.gather [hbm4b:s5+s7], $0x80, s9, s7, $0xb8;
	[tilespmem:$0x10400] =	vst v63  }
0x38: {  	_ = 	snop  }
0x39: {  	[tilespmem:s11], [sflag:$0x1] =	stream.indirect.gather [hbm4b:s5+s7], $0x80, s10, s7, $0xb8;
	[tilespmem:$0x10400] =	vst v63  }
0x3a: {  	_ = 	snop  }
0x3b: {  	[tilespmem:s13], [sflag:$0x1] =	stream.indirect.gather [hbm4b:s5+s7], $0x80, s12, s7, $0xb8;
	[tilespmem:$0x10400] =	vst v63  }
0x3c: {  	_ = 	snop  }
0x3d: {  	[tilespmem:s15], [sflag:$0x1] =	stream.indirect.gather [hbm4b:s5+s7], $0x80, s14, s7, $0xb8;
	[tilespmem:$0x10400] =	vst v63  }
0x3e: {  	_ =	swait.ge [sflag:s8], $0x4000  }
0x3f: {  	[sflag:s8] =	ssyncset.done $0x0  }
0x40: {  	[sflag:s8] =	ssyncadd.s32 $0xFFFFC000  }
0x41: {  	_ =	swait.ge [sflag:s8], $0x4000  }
0x42: {  	[sflag:s8] =	ssyncset.done $0x0  }
0x43: {  	[sflag:s8] =	ssyncadd.s32 $0xFFFFC000  }
0x44: {  	_ =	swait.ge [sflag:s8], $0x4000  }
0x45: {  	[sflag:s8] =	ssyncset.done $0x0  }
0x46: {  	[sflag:s8] =	ssyncadd.s32 $0xFFFFC000  }
0x47: {  	_ =	swait.ge [sflag:s8], $0x4000  }
0x48: {  	[sflag:s8] =	ssyncset.done $0x0  }
0x49: {  	[sflag:s8] =	ssyncadd.s32 $0xFFFFC000  }
0x4a: {  	[hbm4b:s4+s2] =	stream.linear.scatter [tilespmem:s6], [sflag:$0x2], $0x10000, $0x38;
	[tilespmem:$0x10400] =	vst v63  }
0x4b: {  	_ =	swait.ge [sflag:s3], $0x10000  }
0x4c: {  	[sflag:s3] =	ssyncset.done $0x0  }
0x4d: {  	[sflag:s3] =	ssyncadd.s32 $0xFFFF0000  }
0x4e: {  	[tilespmem:s2], [sflag:$0x2] =	stream.linear.gather [hbm4b:s16+s2], $0x200, $0x38;
	[tilespmem:$0x10400] =	vst v63  }
.Ltmp1:
0x4f: {  	_ =	swait.ge [sflag:s3], $0x200;
	(pc) =	sbr.rel @p0 .LBB2_1-.Ltmp1, $4  }
0x50: {  	[sflag:s3] =	ssyncset.done $0x0  }
0x51: {  	[sflag:s3] =	ssyncadd.s32 $0xFFFFFE00  }
0x52: {  	v0 =	vld [tilespmem:$0x130]  }
0x53: {  	v1 =	vld [tilespmem:$0x1C0]  }
.LBB2_2:
0x54: {  	v2 =	vld [tilespmem:$0x1D0]  }
0x55: {  	v3 =	vld [tilespmem:$0x1E0]  }
0x56: {  	v4 =	vld [tilespmem:$0x20]  }
0x57: {  	v5 =	vld [tilespmem:$0x0];
	v0 =	vshrl.u32 v0, $0x7  }
0x58: {  	v6 =	vld [tilespmem:$0x1F0];
	v1 =	vshrl.u32 v1, $0x7;
	[tilespmem:$0x330] =	vst v0  }
0x59: {  	v29 =	vld [tilespmem:$0x170];
	v2 =	vshrl.u32 v2, $0x7;
	[tilespmem:$0x3C0] =	vst v1  }
0x5a: {  	v33 =	vld [tilespmem:$0x50];
	v28 =	vshrl.u32 v3, $0x7;
	[tilespmem:$0x3D0] =	vst v2  }
0x5b: {  	v34 =	vld [tilespmem:$0x60];
	v4 =	vshrl.u32 v4, $0x7;
	[tilespmem:$0x3E0] =	vst v28  }
0x5c: {  	v35 =	vld [tilespmem:$0x70];
	v5 =	vshrl.u32 v5, $0x7;
	[tilespmem:$0x220] =	vst v4  }
0x5d: {  	v37 =	vld [tilespmem:$0x80];
	v6 =	vshrl.u32 v6, $0x7;
	[tilespmem:$0x200] =	vst v5  }
0x5e: {  	v39 =	vld [tilespmem:$0xA0];
	v3 =	vshrl.u32 v29, $0x7;
	[tilespmem:$0x3F0] =	vst v6  }
0x5f: {  	v42 =	vld [tilespmem:$0x30];
	v0 =	vshrl.u32 v33, $0x7;
	[tilespmem:$0x370] =	vst v3  }
0x60: {  	v45 =	vld [tilespmem:$0xC0];
	v1 =	vshrl.u32 v34, $0x7;
	[tilespmem:$0x250] =	vst v0  }
0x61: {  	v48 =	vld [tilespmem:$0xD0];
	v40 =	vshrl.u32 v35, $0x7;
	[tilespmem:$0x260] =	vst v1  }
0x62: {  	v51 =	vld [tilespmem:$0xE0];
	v43 =	vshrl.u32 v37, $0x7;
	[tilespmem:$0x270] =	vst v40  }
0x63: {  	v56 =	vld [tilespmem:$0xF0];
	v46 =	vshrl.u32 v39, $0x7;
	[tilespmem:$0x280] =	vst v43  }
0x64: {  	v59 =	vld [tilespmem:$0x1B0];
	v49 =	vshrl.u32 v42, $0x7;
	[tilespmem:$0x2A0] =	vst v46  }
0x65: {  	v60 =	vld [tilespmem:$0x10];
	v52 =	vshrl.u32 v45, $0x7;
	[tilespmem:$0x230] =	vst v49  }
0x66: {  	v30 =	vld [tilespmem:$0x190];
	v55 =	vshrl.u32 v48, $0x7;
	[tilespmem:$0x2C0] =	vst v52  }
0x67: {  	v31 =	vld [tilespmem:$0x180];
	v58 =	vshrl.u32 v51, $0x7;
	[tilespmem:$0x2D0] =	vst v55  }
0x68: {  	v32 =	vld [tilespmem:$0x40];
	v61 =	vshrl.u32 v56, $0x7;
	[tilespmem:$0x2E0] =	vst v58  }
0x69: {  	v36 =	vld [tilespmem:$0x160];
	v62 =	vshrl.u32 v59, $0x7;
	[tilespmem:$0x2F0] =	vst v61  }
0x6a: {  	v41 =	vld [tilespmem:$0x140];
	v63 =	vshrl.u32 v60, $0x7;
	[tilespmem:$0x3B0] =	vst v62  }
0x6b: {  	v50 =	vld [tilespmem:$0x110];
	v2 =	vshrl.u32 v30, $0x7;
	[tilespmem:$0x210] =	vst v63  }
0x6c: {  	v57 =	vld [tilespmem:$0x1A0];
	v4 =	vshrl.u32 v31, $0x7;
	[tilespmem:$0x390] =	vst v2  }
0x6d: {  	v38 =	vld [tilespmem:$0x150];
	v5 =	vshrl.u32 v32, $0x7;
	[tilespmem:$0x380] =	vst v4  }
0x6e: {  	v44 =	vld [tilespmem:$0xB0];
	v3 =	vshrl.u32 v36, $0x7;
	[tilespmem:$0x240] =	vst v5  }
0x6f: {  	v47 =	vld [tilespmem:$0x120];
	v6 =	vshrl.u32 v41, $0x7;
	[tilespmem:$0x360] =	vst v3  }
0x70: {  	v53 =	vld [tilespmem:$0x100];
	v1 =	vshrl.u32 v50, $0x7;
	[tilespmem:$0x340] =	vst v6  }
0x71: {  	v54 =	vld [tilespmem:$0x90];
	v0 =	vshrl.u32 v57, $0x7;
	[tilespmem:$0x310] =	vst v1  }
0x72: {  	v4 =	vshrl.u32 v38, $0x7;
	[tilespmem:$0x3A0] =	vst v0  }
0x73: {  	v2 =	vshrl.u32 v44, $0x7;
	[tilespmem:$0x350] =	vst v4  }
0x74: {  	v5 =	vshrl.u32 v47, $0x7;
	[tilespmem:$0x2B0] =	vst v2  }
0x75: {  	v3 =	vshrl.u32 v53, $0x7;
	[tilespmem:$0x320] =	vst v5  }
0x76: {  	v2 =	vshrl.u32 v54, $0x7;
	[tilespmem:$0x300] =	vst v3  }
0x77: {  	[tilespmem:$0x290] =	vst v2  }
0x78: {  	[tilespmem:s6], [sflag:$0x1] =	stream.indirect.gather [hbm4b:s5+s7], $0x80, s9, s7, $0xb8;
	[tilespmem:$0x10400] =	vst v63  }
0x79: {  	_ = 	snop  }
0x7a: {  	[tilespmem:s11], [sflag:$0x1] =	stream.indirect.gather [hbm4b:s5+s7], $0x80, s10, s7, $0xb8;
	[tilespmem:$0x10400] =	vst v63  }
0x7b: {  	_ = 	snop  }
0x7c: {  	[tilespmem:s13], [sflag:$0x1] =	stream.indirect.gather [hbm4b:s5+s7], $0x80, s12, s7, $0xb8;
	[tilespmem:$0x10400] =	vst v63  }
0x7d: {  	_ = 	snop  }
0x7e: {  	[tilespmem:s15], [sflag:$0x1] =	stream.indirect.gather [hbm4b:s5+s7], $0x80, s14, s7, $0xb8;
	[tilespmem:$0x10400] =	vst v63  }
0x7f: {  	_ =	swait.ge [sflag:s8], $0x4000  }
0x80: {  	[sflag:s8] =	ssyncset.done $0x0  }
0x81: {  	[sflag:s8] =	ssyncadd.s32 $0xFFFFC000  }
0x82: {  	_ =	swait.ge [sflag:s8], $0x4000  }
0x83: {  	[sflag:s8] =	ssyncset.done $0x0  }
0x84: {  	[sflag:s8] =	ssyncadd.s32 $0xFFFFC000  }
0x85: {  	_ =	swait.ge [sflag:s8], $0x4000  }
0x86: {  	[sflag:s8] =	ssyncset.done $0x0  }
0x87: {  	[sflag:s8] =	ssyncadd.s32 $0xFFFFC000  }
0x88: {  	_ =	swait.ge [sflag:s8], $0x4000  }
0x89: {  	[sflag:s8] =	ssyncset.done $0x0  }
0x8a: {  	[sflag:s8] =	ssyncadd.s32 $0xFFFFC000  }
0x8b: {  	[hbm4b:s4+s2] =	stream.linear.scatter [tilespmem:s6], [sflag:$0x2], $0x10000, $0x38;
	[tilespmem:$0x10400] =	vst v63  }
0x8c: {  	_ =	swait.ge [sflag:s3], $0x10000  }
0x8d: {  	[sflag:s3] =	ssyncset.done $0x0  }
0x8e: {  	[sflag:s3] =	ssyncadd.s32 $0xFFFF0000  }
0x8f: {  	_ =	sfence.sel $0x180000  }
0x90: {  	[bflag:$0x0] =	sbarrier.arrive $0xFFFF  }
0x91: {  	p0 =	sne.s32 s1, $0x0;
	_ =	strace $0x90000047  }
0x92: {  	s0 =	sadd.s32 @!p0 $0x100000, s0;
	[bflag:$0x2] =	sbarrier.arrive $0xFFFF  }
0x93: {  	[sflag:s0] =	ssyncadd.tile.s32 @!p0 $0x1;
	_ =	shalt  }
.Lfunc_end2:
_tile_overlayer_lowered:
.L_overlay_start_2:
0x94: {  	(tag) =	ssettag $0x2  }
0x95: {  	s0 =	rddreg [dreg:$0x0];
	s2 =	stileid.u32  }
0x96: {  	s1 =	rddreg [dreg:$0x1];
	p0 =	sne.s32 s2, $0x0  }
0x97: {  	s3 =	rddreg [dreg:$0x2];
	[bflag:$0x3] =	sbarrier.arrive $0xFFFF;
	s2 =	simm.s32 @!p0 $0x1C02  }
0x98: {  	[timem:s3], [sflag:s2] =	dma.local @!p0 [hbm:s0], s1  }
0x99: {  	s0 =	simm.s32 @!p0 $0x2  }
0x9a: {  	_ =	swait.ge @!p0 [sflag:s0], s1  }
0x9b: {  	s1 =	ssub.s32 @!p0 $0x0, s1;
	[sflag:s0] =	ssyncset.done @!p0 $0x0  }
0x9c: {  	[sflag:s0] =	ssyncadd.s32 @!p0 s1  }
0x9d: {  	[bflag:$0x3] =	sbarrier.arrive $0xFFFF  }
0x9e: {  	_ =	shalt  }

</sc_bundles>
